<compile_context>
chip_gen: v7x
topology: tpu7x:2x2x1
jax: 0.10.2.dev20260603
libtpu: 0.0.44.dev20260713+nightly
codegen_flags: <defaults>
</compile_context>

<pallas_src>
import jax
import jax.numpy as jnp
from jax import lax
from jax.experimental import pallas as pl
from jax.experimental.pallas import tpu as pltpu
from jax.experimental.pallas import tpu_sc as plsc

_VOCAB = 100000
_EMBED_DIM = 64
_BATCH = 4096
_HIST = 50

_NW = 32
_BPW = _BATCH // _NW
_NQ = _HIST * _EMBED_DIM // 128
_NBUF = 10
_NGRP = _HIST // _NBUF


def _body(idxt_hbm, table_hbm, out_hbm, idx_v, rows_v, *sems):
    gsem = sems[:_NBUF]
    wsem = sems[_NBUF:]
    wid = lax.axis_index("s") * 2 + lax.axis_index("c")
    b0 = wid * _BPW
    pltpu.sync_copy(idxt_hbm.at[:, pl.ds(b0, _BPW)], idx_v)

    def gather(h, s):
        return pltpu.make_async_copy(
            table_hbm.at[idx_v.at[h]], rows_v.at[s], gsem[s])

    def write(h, s, parity):
        return pltpu.make_async_copy(
            rows_v.at[s],
            out_hbm.at[wid, (h - parity) // 2,
                       :, pl.ds(parity * _EMBED_DIM, _EMBED_DIM)],
            wsem[s])

    for s in range(_NBUF):
        gather(s, s).start()

    @pl.loop(0, _NGRP - 1)
    def grp(g):
        h0 = g * _NBUF
        for s in range(_NBUF):
            gather(h0 + s, s).wait()
            write(h0 + s, s, s % 2).start()
        for s in range(_NBUF):
            write(h0 + s, s, s % 2).wait()
            gather(h0 + _NBUF + s, s).start()

    h0 = (_NGRP - 1) * _NBUF
    for s in range(_NBUF):
        gather(h0 + s, s).wait()
        write(h0 + s, s, s % 2).start()
    for s in range(_NBUF):
        write(h0 + s, s, s % 2).wait()


@jax.jit
def _embed(idxt, table):
    mesh = plsc.VectorSubcoreMesh(core_axis_name="c", subcore_axis_name="s")
    f = pl.kernel(
        _body,
        out_type=jax.ShapeDtypeStruct((_NW, _NQ, _BPW, 128), jnp.float32),
        mesh=mesh,
        scratch_types=[
            pltpu.VMEM((_HIST, _BPW), jnp.int32),
            pltpu.VMEM((_NBUF, _BPW, _EMBED_DIM), jnp.float32),
        ] + [pltpu.SemaphoreType.DMA] * (2 * _NBUF),
        compiler_params=pltpu.CompilerParams(
            use_tc_tiling_on_sc=False, needs_layout_passes=False),
    )
    return f(idxt, table)


def _tc_transpose_body(x_ref, o_ref):
    eye = jnp.eye(128, dtype=jnp.float32)
    for q in range(_NQ):
        o_ref[pl.ds(q * 128, 128), :] = lax.dot_general(
            x_ref[0, q], eye, (((0,), (0,)), ((), ())),
            preferred_element_type=jnp.float32)


def _tc_transpose(x4):
    return pl.pallas_call(
        _tc_transpose_body,
        grid=(_NW,),
        in_specs=[pl.BlockSpec((1, _NQ, _BPW, 128), lambda w: (w, 0, 0, 0))],
        out_specs=pl.BlockSpec((_HIST * _EMBED_DIM, _BPW), lambda w: (0, w)),
        out_shape=jax.ShapeDtypeStruct((_HIST * _EMBED_DIM, _BATCH),
                                       jnp.float32),
    )(x4)


def kernel(input, table):
    idxt = input.T.astype(jnp.int32)
    out1 = _embed(idxt, table)
    t2d = _tc_transpose(out1)
    return t2d.reshape(_HIST, _EMBED_DIM, _BATCH).transpose(2, 0, 1)

# --- scband reference (transcript-rebuilt; emitter-appended) ---
"""Pipeline reference for scband-embedding-84335977824524 (READ-ONLY COPY).

The authoritative reference and input builder live on the scoring server;
editing this copy changes nothing except your own understanding.
"""

import jax, jax.numpy as jnp
import numpy as np

VOCAB = 100000
EMBED_DIM = 64
BATCH = 4096
HIST = 50

def setup_inputs(seed: int = 0) -> dict:
    key = jax.random.key(seed)
    k1, k2 = jax.random.split(key)
    indices = jax.random.randint(k1, (BATCH, HIST), 0, VOCAB)
    table = jax.random.normal(k2, (VOCAB, EMBED_DIM), dtype=jnp.float32)
    # nn.Embedding(padding_idx=0): row 0 is zeros
    table = table.at[0].set(0.0)
    return {"input": indices, "table": table}

def reference(input, table):
    # Faithful to nn.Embedding with padding_idx=0: row 0 always embeds to zeros
    t = table.at[0].set(0.0)
    return jnp.take(t, input, axis=0)

if __name__ == "__main__":
    import jax
    _d = setup_inputs()
    print(jax.jit(kernel)(*tuple(_d.values())))

</pallas_src>

<mosaic_0001>
#map = affine_map<(d0, d1) -> (0, 0)>
#map1 = affine_map<(d0, d1) -> (0, 0, 0, 0)>
module attributes {stable_mosaic.version = 14 : i64} {
  func.func @_body(%arg0: i32, %arg1: i32, %arg2: memref<50x4096xi32, #tpu.memory_space<hbm>>, %arg3: memref<100000x64xf32, #tpu.memory_space<hbm>>, %arg4: memref<32x25x128x128xf32, #tpu.memory_space<hbm>>, %arg5: memref<50x128xi32, #tpu.memory_space<vmem>>, %arg6: memref<10x128x64xf32, #tpu.memory_space<vmem>>, %arg7: memref<!tpu.dma_semaphore, #tpu.memory_space<semaphore_mem>>, %arg8: memref<!tpu.dma_semaphore, #tpu.memory_space<semaphore_mem>>, %arg9: memref<!tpu.dma_semaphore, #tpu.memory_space<semaphore_mem>>, %arg10: memref<!tpu.dma_semaphore, #tpu.memory_space<semaphore_mem>>, %arg11: memref<!tpu.dma_semaphore, #tpu.memory_space<semaphore_mem>>, %arg12: memref<!tpu.dma_semaphore, #tpu.memory_space<semaphore_mem>>, %arg13: memref<!tpu.dma_semaphore, #tpu.memory_space<semaphore_mem>>, %arg14: memref<!tpu.dma_semaphore, #tpu.memory_space<semaphore_mem>>, %arg15: memref<!tpu.dma_semaphore, #tpu.memory_space<semaphore_mem>>, %arg16: memref<!tpu.dma_semaphore, #tpu.memory_space<semaphore_mem>>, %arg17: memref<!tpu.dma_semaphore, #tpu.memory_space<semaphore_mem>>, %arg18: memref<!tpu.dma_semaphore, #tpu.memory_space<semaphore_mem>>, %arg19: memref<!tpu.dma_semaphore, #tpu.memory_space<semaphore_mem>>, %arg20: memref<!tpu.dma_semaphore, #tpu.memory_space<semaphore_mem>>, %arg21: memref<!tpu.dma_semaphore, #tpu.memory_space<semaphore_mem>>, %arg22: memref<!tpu.dma_semaphore, #tpu.memory_space<semaphore_mem>>, %arg23: memref<!tpu.dma_semaphore, #tpu.memory_space<semaphore_mem>>, %arg24: memref<!tpu.dma_semaphore, #tpu.memory_space<semaphore_mem>>, %arg25: memref<!tpu.dma_semaphore, #tpu.memory_space<semaphore_mem>>, %arg26: memref<!tpu.dma_semaphore, #tpu.memory_space<semaphore_mem>>) attributes {dimension_semantics = [#tpu.dimension_semantics<core_parallel>, #tpu.dimension_semantics<subcore_parallel>], iteration_bounds = array<i64: 2, 16>, scalar_prefetch = 0 : i64, scratch_operands = 22 : i64, tpu.core_type = #tpu.core_type<sc_vector_subcore>, window_params = [{transform_indices = #map}, {transform_indices = #map}, {transform_indices = #map1}]} {
    %mul3A = arith.constant 2 : i32
    %mul3A_0 = arith.muli %arg1, %mul3A : i32
    %add3A = arith.addi %mul3A_0, %arg0 : i32
    %mul3A_1 = arith.constant 128 : i32
    %mul3A_2 = arith.muli %add3A, %mul3A_1 : i32
    "tpu.region"() ({
      %run_scoped3A = tpu.sem_alloc : memref<!tpu.dma_semaphore, #tpu.memory_space<semaphore_mem>>
      %dma_start3A_605 = arith.constant 0 : i32
      %dma_start3A_606 = tpu.memref_slice %arg2[%dma_start3A_605, %mul3A_2] : memref<50x4096xi32, #tpu.memory_space<hbm>> -> memref<50x128xi32, #tpu.memory_space<hbm>>
      %dma_start3A_607 = arith.constant 0 : i32
      %dma_start3A_608 = tpu.memref_slice %arg2[%dma_start3A_607, %mul3A_2] : memref<50x4096xi32, #tpu.memory_space<hbm>> -> memref<50x128xi32, #tpu.memory_space<hbm>>
      tpu.enqueue_dma source(%dma_start3A_608 : memref<50x128xi32, #tpu.memory_space<hbm>>) target(%arg5 : memref<50x128xi32, #tpu.memory_space<vmem>>) target_semaphore(%run_scoped3A : memref<!tpu.dma_semaphore, #tpu.memory_space<semaphore_mem>>)
      %dma_wait3A_609 = arith.constant 0 : i32
      %dma_wait3A_610 = tpu.memref_slice %arg2[%dma_wait3A_609, %mul3A_2] : memref<50x4096xi32, #tpu.memory_space<hbm>> -> memref<50x128xi32, #tpu.memory_space<hbm>>
      %dma_wait3A_611 = arith.constant 0 : i32
      %dma_wait3A_612 = tpu.memref_slice %arg2[%dma_wait3A_611, %mul3A_2] : memref<50x4096xi32, #tpu.memory_space<hbm>> -> memref<50x128xi32, #tpu.memory_space<hbm>>
      tpu.wait_dma2 semaphore(%run_scoped3A : memref<!tpu.dma_semaphore, #tpu.memory_space<semaphore_mem>>) src(%dma_wait3A_612 : memref<50x128xi32, #tpu.memory_space<hbm>>) dst(%arg5 : memref<50x128xi32, #tpu.memory_space<vmem>>)
      tpu.yield
    }) : () -> ()
    %dma_start3A = arith.constant 0 : i32
    %dma_start3A_3 = arith.constant 0 : i32
    %dma_start3A_4 = arith.constant 0 : i32
    %dma_start3A_5 = arith.constant 0 : i32
    %dma_start3A_6 = tpu.memref_slice %arg6[%dma_start3A_3, %dma_start3A_4, %dma_start3A_5] : memref<10x128x64xf32, #tpu.memory_space<vmem>> -> memref<1x128x64xf32, #tpu.memory_space<vmem>>
    %dma_start3A_7 = tpu.memref_squeeze %dma_start3A_6 : memref<1x128x64xf32, #tpu.memory_space<vmem>> -> memref<128x64xf32, #tpu.memory_space<vmem>>
    %dma_start3A_8 = arith.constant 0 : i32
    %dma_start3A_9 = tpu.memref_slice %arg5[%dma_start3A, %dma_start3A_8] : memref<50x128xi32, #tpu.memory_space<vmem>> -> memref<1x128xi32, #tpu.memory_space<vmem>>
    %dma_start3A_10 = tpu.memref_squeeze %dma_start3A_9 : memref<1x128xi32, #tpu.memory_space<vmem>> -> memref<128xi32, #tpu.memory_space<vmem>>
    %dma_start3A_11 = arith.constant 0 : i32
    %dma_start3A_12 = arith.constant 0 : i32
    %dma_start3A_13 = tpu.memref_slice %arg3[%dma_start3A_11, %dma_start3A_12] : memref<100000x64xf32, #tpu.memory_space<hbm>> -> memref<100000x64xf32, #tpu.memory_space<hbm>>
    tpu.enqueue_indirect_dma source(%dma_start3A_13 : memref<100000x64xf32, #tpu.memory_space<hbm>>) target(%dma_start3A_7 : memref<128x64xf32, #tpu.memory_space<vmem>>) offsets(%dma_start3A_10 : memref<128xi32, #tpu.memory_space<vmem>>) semaphore(%arg7 : memref<!tpu.dma_semaphore, #tpu.memory_space<semaphore_mem>>)
    %dma_start3A_14 = arith.constant 1 : i32
    %dma_start3A_15 = arith.constant 1 : i32
    %dma_start3A_16 = arith.constant 0 : i32
    %dma_start3A_17 = arith.constant 0 : i32
    %dma_start3A_18 = tpu.memref_slice %arg6[%dma_start3A_15, %dma_start3A_16, %dma_start3A_17] : memref<10x128x64xf32, #tpu.memory_space<vmem>> -> memref<1x128x64xf32, #tpu.memory_space<vmem>>
    %dma_start3A_19 = tpu.memref_squeeze %dma_start3A_18 : memref<1x128x64xf32, #tpu.memory_space<vmem>> -> memref<128x64xf32, #tpu.memory_space<vmem>>
    %dma_start3A_20 = arith.constant 0 : i32
    %dma_start3A_21 = tpu.memref_slice %arg5[%dma_start3A_14, %dma_start3A_20] : memref<50x128xi32, #tpu.memory_space<vmem>> -> memref<1x128xi32, #tpu.memory_space<vmem>>
    %dma_start3A_22 = tpu.memref_squeeze %dma_start3A_21 : memref<1x128xi32, #tpu.memory_space<vmem>> -> memref<128xi32, #tpu.memory_space<vmem>>
    %dma_start3A_23 = arith.constant 0 : i32
    %dma_start3A_24 = arith.constant 0 : i32
    %dma_start3A_25 = tpu.memref_slice %arg3[%dma_start3A_23, %dma_start3A_24] : memref<100000x64xf32, #tpu.memory_space<hbm>> -> memref<100000x64xf32, #tpu.memory_space<hbm>>
    tpu.enqueue_indirect_dma source(%dma_start3A_25 : memref<100000x64xf32, #tpu.memory_space<hbm>>) target(%dma_start3A_19 : memref<128x64xf32, #tpu.memory_space<vmem>>) offsets(%dma_start3A_22 : memref<128xi32, #tpu.memory_space<vmem>>) semaphore(%arg8 : memref<!tpu.dma_semaphore, #tpu.memory_space<semaphore_mem>>)
    %dma_start3A_26 = arith.constant 2 : i32
    %dma_start3A_27 = arith.constant 2 : i32
    %dma_start3A_28 = arith.constant 0 : i32
    %dma_start3A_29 = arith.constant 0 : i32
    %dma_start3A_30 = tpu.memref_slice %arg6[%dma_start3A_27, %dma_start3A_28, %dma_start3A_29] : memref<10x128x64xf32, #tpu.memory_space<vmem>> -> memref<1x128x64xf32, #tpu.memory_space<vmem>>
    %dma_start3A_31 = tpu.memref_squeeze %dma_start3A_30 : memref<1x128x64xf32, #tpu.memory_space<vmem>> -> memref<128x64xf32, #tpu.memory_space<vmem>>
    %dma_start3A_32 = arith.constant 0 : i32
    %dma_start3A_33 = tpu.memref_slice %arg5[%dma_start3A_26, %dma_start3A_32] : memref<50x128xi32, #tpu.memory_space<vmem>> -> memref<1x128xi32, #tpu.memory_space<vmem>>
    %dma_start3A_34 = tpu.memref_squeeze %dma_start3A_33 : memref<1x128xi32, #tpu.memory_space<vmem>> -> memref<128xi32, #tpu.memory_space<vmem>>
    %dma_start3A_35 = arith.constant 0 : i32
    %dma_start3A_36 = arith.constant 0 : i32
    %dma_start3A_37 = tpu.memref_slice %arg3[%dma_start3A_35, %dma_start3A_36] : memref<100000x64xf32, #tpu.memory_space<hbm>> -> memref<100000x64xf32, #tpu.memory_space<hbm>>
    tpu.enqueue_indirect_dma source(%dma_start3A_37 : memref<100000x64xf32, #tpu.memory_space<hbm>>) target(%dma_start3A_31 : memref<128x64xf32, #tpu.memory_space<vmem>>) offsets(%dma_start3A_34 : memref<128xi32, #tpu.memory_space<vmem>>) semaphore(%arg9 : memref<!tpu.dma_semaphore, #tpu.memory_space<semaphore_mem>>)
    %dma_start3A_38 = arith.constant 3 : i32
    %dma_start3A_39 = arith.constant 3 : i32
    %dma_start3A_40 = arith.constant 0 : i32
    %dma_start3A_41 = arith.constant 0 : i32
    %dma_start3A_42 = tpu.memref_slice %arg6[%dma_start3A_39, %dma_start3A_40, %dma_start3A_41] : memref<10x128x64xf32, #tpu.memory_space<vmem>> -> memref<1x128x64xf32, #tpu.memory_space<vmem>>
    %dma_start3A_43 = tpu.memref_squeeze %dma_start3A_42 : memref<1x128x64xf32, #tpu.memory_space<vmem>> -> memref<128x64xf32, #tpu.memory_space<vmem>>
    %dma_start3A_44 = arith.constant 0 : i32
    %dma_start3A_45 = tpu.memref_slice %arg5[%dma_start3A_38, %dma_start3A_44] : memref<50x128xi32, #tpu.memory_space<vmem>> -> memref<1x128xi32, #tpu.memory_space<vmem>>
    %dma_start3A_46 = tpu.memref_squeeze %dma_start3A_45 : memref<1x128xi32, #tpu.memory_space<vmem>> -> memref<128xi32, #tpu.memory_space<vmem>>
    %dma_start3A_47 = arith.constant 0 : i32
    %dma_start3A_48 = arith.constant 0 : i32
    %dma_start3A_49 = tpu.memref_slice %arg3[%dma_start3A_47, %dma_start3A_48] : memref<100000x64xf32, #tpu.memory_space<hbm>> -> memref<100000x64xf32, #tpu.memory_space<hbm>>
    tpu.enqueue_indirect_dma source(%dma_start3A_49 : memref<100000x64xf32, #tpu.memory_space<hbm>>) target(%dma_start3A_43 : memref<128x64xf32, #tpu.memory_space<vmem>>) offsets(%dma_start3A_46 : memref<128xi32, #tpu.memory_space<vmem>>) semaphore(%arg10 : memref<!tpu.dma_semaphore, #tpu.memory_space<semaphore_mem>>)
    %dma_start3A_50 = arith.constant 4 : i32
    %dma_start3A_51 = arith.constant 4 : i32
    %dma_start3A_52 = arith.constant 0 : i32
    %dma_start3A_53 = arith.constant 0 : i32
    %dma_start3A_54 = tpu.memref_slice %arg6[%dma_start3A_51, %dma_start3A_52, %dma_start3A_53] : memref<10x128x64xf32, #tpu.memory_space<vmem>> -> memref<1x128x64xf32, #tpu.memory_space<vmem>>
    %dma_start3A_55 = tpu.memref_squeeze %dma_start3A_54 : memref<1x128x64xf32, #tpu.memory_space<vmem>> -> memref<128x64xf32, #tpu.memory_space<vmem>>
    %dma_start3A_56 = arith.constant 0 : i32
    %dma_start3A_57 = tpu.memref_slice %arg5[%dma_start3A_50, %dma_start3A_56] : memref<50x128xi32, #tpu.memory_space<vmem>> -> memref<1x128xi32, #tpu.memory_space<vmem>>
    %dma_start3A_58 = tpu.memref_squeeze %dma_start3A_57 : memref<1x128xi32, #tpu.memory_space<vmem>> -> memref<128xi32, #tpu.memory_space<vmem>>
    %dma_start3A_59 = arith.constant 0 : i32
    %dma_start3A_60 = arith.constant 0 : i32
    %dma_start3A_61 = tpu.memref_slice %arg3[%dma_start3A_59, %dma_start3A_60] : memref<100000x64xf32, #tpu.memory_space<hbm>> -> memref<100000x64xf32, #tpu.memory_space<hbm>>
    tpu.enqueue_indirect_dma source(%dma_start3A_61 : memref<100000x64xf32, #tpu.memory_space<hbm>>) target(%dma_start3A_55 : memref<128x64xf32, #tpu.memory_space<vmem>>) offsets(%dma_start3A_58 : memref<128xi32, #tpu.memory_space<vmem>>) semaphore(%arg11 : memref<!tpu.dma_semaphore, #tpu.memory_space<semaphore_mem>>)
    %dma_start3A_62 = arith.constant 5 : i32
    %dma_start3A_63 = arith.constant 5 : i32
    %dma_start3A_64 = arith.constant 0 : i32
    %dma_start3A_65 = arith.constant 0 : i32
    %dma_start3A_66 = tpu.memref_slice %arg6[%dma_start3A_63, %dma_start3A_64, %dma_start3A_65] : memref<10x128x64xf32, #tpu.memory_space<vmem>> -> memref<1x128x64xf32, #tpu.memory_space<vmem>>
    %dma_start3A_67 = tpu.memref_squeeze %dma_start3A_66 : memref<1x128x64xf32, #tpu.memory_space<vmem>> -> memref<128x64xf32, #tpu.memory_space<vmem>>
    %dma_start3A_68 = arith.constant 0 : i32
    %dma_start3A_69 = tpu.memref_slice %arg5[%dma_start3A_62, %dma_start3A_68] : memref<50x128xi32, #tpu.memory_space<vmem>> -> memref<1x128xi32, #tpu.memory_space<vmem>>
    %dma_start3A_70 = tpu.memref_squeeze %dma_start3A_69 : memref<1x128xi32, #tpu.memory_space<vmem>> -> memref<128xi32, #tpu.memory_space<vmem>>
    %dma_start3A_71 = arith.constant 0 : i32
    %dma_start3A_72 = arith.constant 0 : i32
    %dma_start3A_73 = tpu.memref_slice %arg3[%dma_start3A_71, %dma_start3A_72] : memref<100000x64xf32, #tpu.memory_space<hbm>> -> memref<100000x64xf32, #tpu.memory_space<hbm>>
    tpu.enqueue_indirect_dma source(%dma_start3A_73 : memref<100000x64xf32, #tpu.memory_space<hbm>>) target(%dma_start3A_67 : memref<128x64xf32, #tpu.memory_space<vmem>>) offsets(%dma_start3A_70 : memref<128xi32, #tpu.memory_space<vmem>>) semaphore(%arg12 : memref<!tpu.dma_semaphore, #tpu.memory_space<semaphore_mem>>)
    %dma_start3A_74 = arith.constant 6 : i32
    %dma_start3A_75 = arith.constant 6 : i32
    %dma_start3A_76 = arith.constant 0 : i32
    %dma_start3A_77 = arith.constant 0 : i32
    %dma_start3A_78 = tpu.memref_slice %arg6[%dma_start3A_75, %dma_start3A_76, %dma_start3A_77] : memref<10x128x64xf32, #tpu.memory_space<vmem>> -> memref<1x128x64xf32, #tpu.memory_space<vmem>>
    %dma_start3A_79 = tpu.memref_squeeze %dma_start3A_78 : memref<1x128x64xf32, #tpu.memory_space<vmem>> -> memref<128x64xf32, #tpu.memory_space<vmem>>
    %dma_start3A_80 = arith.constant 0 : i32
    %dma_start3A_81 = tpu.memref_slice %arg5[%dma_start3A_74, %dma_start3A_80] : memref<50x128xi32, #tpu.memory_space<vmem>> -> memref<1x128xi32, #tpu.memory_space<vmem>>
    %dma_start3A_82 = tpu.memref_squeeze %dma_start3A_81 : memref<1x128xi32, #tpu.memory_space<vmem>> -> memref<128xi32, #tpu.memory_space<vmem>>
    %dma_start3A_83 = arith.constant 0 : i32
    %dma_start3A_84 = arith.constant 0 : i32
    %dma_start3A_85 = tpu.memref_slice %arg3[%dma_start3A_83, %dma_start3A_84] : memref<100000x64xf32, #tpu.memory_space<hbm>> -> memref<100000x64xf32, #tpu.memory_space<hbm>>
    tpu.enqueue_indirect_dma source(%dma_start3A_85 : memref<100000x64xf32, #tpu.memory_space<hbm>>) target(%dma_start3A_79 : memref<128x64xf32, #tpu.memory_space<vmem>>) offsets(%dma_start3A_82 : memref<128xi32, #tpu.memory_space<vmem>>) semaphore(%arg13 : memref<!tpu.dma_semaphore, #tpu.memory_space<semaphore_mem>>)
    %dma_start3A_86 = arith.constant 7 : i32
    %dma_start3A_87 = arith.constant 7 : i32
    %dma_start3A_88 = arith.constant 0 : i32
    %dma_start3A_89 = arith.constant 0 : i32
    %dma_start3A_90 = tpu.memref_slice %arg6[%dma_start3A_87, %dma_start3A_88, %dma_start3A_89] : memref<10x128x64xf32, #tpu.memory_space<vmem>> -> memref<1x128x64xf32, #tpu.memory_space<vmem>>
    %dma_start3A_91 = tpu.memref_squeeze %dma_start3A_90 : memref<1x128x64xf32, #tpu.memory_space<vmem>> -> memref<128x64xf32, #tpu.memory_space<vmem>>
    %dma_start3A_92 = arith.constant 0 : i32
    %dma_start3A_93 = tpu.memref_slice %arg5[%dma_start3A_86, %dma_start3A_92] : memref<50x128xi32, #tpu.memory_space<vmem>> -> memref<1x128xi32, #tpu.memory_space<vmem>>
    %dma_start3A_94 = tpu.memref_squeeze %dma_start3A_93 : memref<1x128xi32, #tpu.memory_space<vmem>> -> memref<128xi32, #tpu.memory_space<vmem>>
    %dma_start3A_95 = arith.constant 0 : i32
    %dma_start3A_96 = arith.constant 0 : i32
    %dma_start3A_97 = tpu.memref_slice %arg3[%dma_start3A_95, %dma_start3A_96] : memref<100000x64xf32, #tpu.memory_space<hbm>> -> memref<100000x64xf32, #tpu.memory_space<hbm>>
    tpu.enqueue_indirect_dma source(%dma_start3A_97 : memref<100000x64xf32, #tpu.memory_space<hbm>>) target(%dma_start3A_91 : memref<128x64xf32, #tpu.memory_space<vmem>>) offsets(%dma_start3A_94 : memref<128xi32, #tpu.memory_space<vmem>>) semaphore(%arg14 : memref<!tpu.dma_semaphore, #tpu.memory_space<semaphore_mem>>)
    %dma_start3A_98 = arith.constant 8 : i32
    %dma_start3A_99 = arith.constant 8 : i32
    %dma_start3A_100 = arith.constant 0 : i32
    %dma_start3A_101 = arith.constant 0 : i32
    %dma_start3A_102 = tpu.memref_slice %arg6[%dma_start3A_99, %dma_start3A_100, %dma_start3A_101] : memref<10x128x64xf32, #tpu.memory_space<vmem>> -> memref<1x128x64xf32, #tpu.memory_space<vmem>>
    %dma_start3A_103 = tpu.memref_squeeze %dma_start3A_102 : memref<1x128x64xf32, #tpu.memory_space<vmem>> -> memref<128x64xf32, #tpu.memory_space<vmem>>
    %dma_start3A_104 = arith.constant 0 : i32
    %dma_start3A_105 = tpu.memref_slice %arg5[%dma_start3A_98, %dma_start3A_104] : memref<50x128xi32, #tpu.memory_space<vmem>> -> memref<1x128xi32, #tpu.memory_space<vmem>>
    %dma_start3A_106 = tpu.memref_squeeze %dma_start3A_105 : memref<1x128xi32, #tpu.memory_space<vmem>> -> memref<128xi32, #tpu.memory_space<vmem>>
    %dma_start3A_107 = arith.constant 0 : i32
    %dma_start3A_108 = arith.constant 0 : i32
    %dma_start3A_109 = tpu.memref_slice %arg3[%dma_start3A_107, %dma_start3A_108] : memref<100000x64xf32, #tpu.memory_space<hbm>> -> memref<100000x64xf32, #tpu.memory_space<hbm>>
    tpu.enqueue_indirect_dma source(%dma_start3A_109 : memref<100000x64xf32, #tpu.memory_space<hbm>>) target(%dma_start3A_103 : memref<128x64xf32, #tpu.memory_space<vmem>>) offsets(%dma_start3A_106 : memref<128xi32, #tpu.memory_space<vmem>>) semaphore(%arg15 : memref<!tpu.dma_semaphore, #tpu.memory_space<semaphore_mem>>)
    %dma_start3A_110 = arith.constant 9 : i32
    %dma_start3A_111 = arith.constant 9 : i32
    %dma_start3A_112 = arith.constant 0 : i32
    %dma_start3A_113 = arith.constant 0 : i32
    %dma_start3A_114 = tpu.memref_slice %arg6[%dma_start3A_111, %dma_start3A_112, %dma_start3A_113] : memref<10x128x64xf32, #tpu.memory_space<vmem>> -> memref<1x128x64xf32, #tpu.memory_space<vmem>>
    %dma_start3A_115 = tpu.memref_squeeze %dma_start3A_114 : memref<1x128x64xf32, #tpu.memory_space<vmem>> -> memref<128x64xf32, #tpu.memory_space<vmem>>
    %dma_start3A_116 = arith.constant 0 : i32
    %dma_start3A_117 = tpu.memref_slice %arg5[%dma_start3A_110, %dma_start3A_116] : memref<50x128xi32, #tpu.memory_space<vmem>> -> memref<1x128xi32, #tpu.memory_space<vmem>>
    %dma_start3A_118 = tpu.memref_squeeze %dma_start3A_117 : memref<1x128xi32, #tpu.memory_space<vmem>> -> memref<128xi32, #tpu.memory_space<vmem>>
    %dma_start3A_119 = arith.constant 0 : i32
    %dma_start3A_120 = arith.constant 0 : i32
    %dma_start3A_121 = tpu.memref_slice %arg3[%dma_start3A_119, %dma_start3A_120] : memref<100000x64xf32, #tpu.memory_space<hbm>> -> memref<100000x64xf32, #tpu.memory_space<hbm>>
    tpu.enqueue_indirect_dma source(%dma_start3A_121 : memref<100000x64xf32, #tpu.memory_space<hbm>>) target(%dma_start3A_115 : memref<128x64xf32, #tpu.memory_space<vmem>>) offsets(%dma_start3A_118 : memref<128xi32, #tpu.memory_space<vmem>>) semaphore(%arg16 : memref<!tpu.dma_semaphore, #tpu.memory_space<semaphore_mem>>)
    %scan3A = arith.constant 0 : i32
    %scan3A_122 = arith.constant 4 : i32
    %scan3A_123 = arith.addi %scan3A, %scan3A_122 : i32
    %scan3A_124 = arith.constant 1 : i32
    scf.for %scan3A_605 = %scan3A to %scan3A_123 step %scan3A_124  : i32 {
      %mul3A_606 = arith.constant 1 : i32
      %mul3A_607 = arith.muli %scan3A_605, %mul3A_606 : i32
      %add3A_608 = arith.constant 0 : i32
      %add3A_609 = arith.addi %add3A_608, %mul3A_607 : i32
      %mul3A_610 = arith.constant 10 : i32
      %mul3A_611 = arith.muli %add3A_609, %mul3A_610 : i32
      %add3A_612 = arith.constant 0 : i32
      %add3A_613 = arith.addi %mul3A_611, %add3A_612 : i32
      %dma_wait3A_614 = arith.constant 0 : i32
      %dma_wait3A_615 = arith.constant 0 : i32
      %dma_wait3A_616 = arith.constant 0 : i32
      %dma_wait3A_617 = tpu.memref_slice %arg6[%dma_wait3A_614, %dma_wait3A_615, %dma_wait3A_616] : memref<10x128x64xf32, #tpu.memory_space<vmem>> -> memref<1x128x64xf32, #tpu.memory_space<vmem>>
      %dma_wait3A_618 = tpu.memref_squeeze %dma_wait3A_617 : memref<1x128x64xf32, #tpu.memory_space<vmem>> -> memref<128x64xf32, #tpu.memory_space<vmem>>
      %dma_wait3A_619 = arith.constant 0 : i32
      %dma_wait3A_620 = tpu.memref_slice %arg5[%add3A_613, %dma_wait3A_619] : memref<50x128xi32, #tpu.memory_space<vmem>> -> memref<1x128xi32, #tpu.memory_space<vmem>>
      %dma_wait3A_621 = tpu.memref_squeeze %dma_wait3A_620 : memref<1x128xi32, #tpu.memory_space<vmem>> -> memref<128xi32, #tpu.memory_space<vmem>>
      %dma_wait3A_622 = arith.constant 0 : i32
      %dma_wait3A_623 = arith.constant 0 : i32
      %dma_wait3A_624 = tpu.memref_slice %arg3[%dma_wait3A_622, %dma_wait3A_623] : memref<100000x64xf32, #tpu.memory_space<hbm>> -> memref<100000x64xf32, #tpu.memory_space<hbm>>
      tpu.wait_indirect_dma semaphore(%arg7 : memref<!tpu.dma_semaphore, #tpu.memory_space<semaphore_mem>>) src(%dma_wait3A_624 : memref<100000x64xf32, #tpu.memory_space<hbm>>) dst(%dma_wait3A_618 : memref<128x64xf32, #tpu.memory_space<vmem>>)
      %add3A_625 = arith.constant 0 : i32
      %add3A_626 = arith.addi %mul3A_611, %add3A_625 : i32
      %sub3A = arith.constant 0 : i32
      %sub3A_627 = arith.subi %add3A_626, %sub3A : i32
      %jit3A = arith.constant 2 : i32
      %div3A = arith.divsi %sub3A_627, %jit3A : i32
      %sign3A = arith.constant 0 : i32
      %sign3A_628 = arith.cmpi sgt, %sub3A_627, %sign3A : i32
      %sign3A_629 = arith.extui %sign3A_628 : i1 to i32
      %sign3A_630 = arith.constant 0 : i32
      %sign3A_631 = arith.cmpi slt, %sub3A_627, %sign3A_630 : i32
      %sign3A_632 = arith.extui %sign3A_631 : i1 to i32
      %sign3A_633 = arith.subi %sign3A_629, %sign3A_632 : i32
      %sign3A_634 = arith.constant 0 : i32
      %sign3A_635 = arith.cmpi sgt, %jit3A, %sign3A_634 : i32
      %sign3A_636 = arith.extui %sign3A_635 : i1 to i32
      %sign3A_637 = arith.constant 0 : i32
      %sign3A_638 = arith.cmpi slt, %jit3A, %sign3A_637 : i32
      %sign3A_639 = arith.extui %sign3A_638 : i1 to i32
      %sign3A_640 = arith.subi %sign3A_636, %sign3A_639 : i32
      %ne3A = arith.cmpi ne, %sign3A_633, %sign3A_640 : i32
      %rem3A = arith.remsi %sub3A_627, %jit3A : i32
      %ne3A_641 = arith.constant 0 : i32
      %ne3A_642 = arith.cmpi ne, %rem3A, %ne3A_641 : i32
      %and3A = arith.andi %ne3A, %ne3A_642 : i1
      %sub3A_643 = arith.constant 1 : i32
      %sub3A_644 = arith.subi %div3A, %sub3A_643 : i32
      %select_n3A = arith.select %and3A, %sub3A_644, %div3A : i32
      %dma_start3A_645 = arith.constant 0 : i32
      %dma_start3A_646 = arith.constant 0 : i32
      %dma_start3A_647 = arith.constant 0 : i32
      %dma_start3A_648 = tpu.memref_slice %arg6[%dma_start3A_645, %dma_start3A_646, %dma_start3A_647] : memref<10x128x64xf32, #tpu.memory_space<vmem>> -> memref<1x128x64xf32, #tpu.memory_space<vmem>>
      %dma_start3A_649 = tpu.memref_squeeze %dma_start3A_648 : memref<1x128x64xf32, #tpu.memory_space<vmem>> -> memref<128x64xf32, #tpu.memory_space<vmem>>
      %dma_start3A_650 = arith.constant 0 : i32
      %dma_start3A_651 = arith.constant 0 : i32
      %dma_start3A_652 = tpu.memref_slice %arg4[%add3A, %select_n3A, %dma_start3A_650, %dma_start3A_651] : memref<32x25x128x128xf32, #tpu.memory_space<hbm>> -> memref<1x1x128x64xf32, #tpu.memory_space<hbm>>
      %dma_start3A_653 = tpu.memref_squeeze %dma_start3A_652 : memref<1x1x128x64xf32, #tpu.memory_space<hbm>> -> memref<128x64xf32, #tpu.memory_space<hbm>>
      %dma_start3A_654 = arith.constant 0 : i32
      %dma_start3A_655 = arith.constant 0 : i32
      %dma_start3A_656 = tpu.memref_slice %arg4[%add3A, %select_n3A, %dma_start3A_654, %dma_start3A_655] : memref<32x25x128x128xf32, #tpu.memory_space<hbm>> -> memref<1x1x128x64xf32, #tpu.memory_space<hbm>>
      %dma_start3A_657 = tpu.memref_squeeze %dma_start3A_656 : memref<1x1x128x64xf32, #tpu.memory_space<hbm>> -> memref<128x64xf32, #tpu.memory_space<hbm>>
      %dma_start3A_658 = arith.constant 0 : i32
      %dma_start3A_659 = arith.constant 0 : i32
      %dma_start3A_660 = tpu.memref_slice %arg6[%dma_start3A_645, %dma_start3A_658, %dma_start3A_659] : memref<10x128x64xf32, #tpu.memory_space<vmem>> -> memref<1x128x64xf32, #tpu.memory_space<vmem>>
      %dma_start3A_661 = tpu.memref_squeeze %dma_start3A_660 : memref<1x128x64xf32, #tpu.memory_space<vmem>> -> memref<128x64xf32, #tpu.memory_space<vmem>>
      tpu.enqueue_dma source(%dma_start3A_661 : memref<128x64xf32, #tpu.memory_space<vmem>>) target(%dma_start3A_657 : memref<128x64xf32, #tpu.memory_space<hbm>>) target_semaphore(%arg17 : memref<!tpu.dma_semaphore, #tpu.memory_space<semaphore_mem>>)
      %add3A_662 = arith.constant 1 : i32
      %add3A_663 = arith.addi %mul3A_611, %add3A_662 : i32
      %dma_wait3A_664 = arith.constant 1 : i32
      %dma_wait3A_665 = arith.constant 0 : i32
      %dma_wait3A_666 = arith.constant 0 : i32
      %dma_wait3A_667 = tpu.memref_slice %arg6[%dma_wait3A_664, %dma_wait3A_665, %dma_wait3A_666] : memref<10x128x64xf32, #tpu.memory_space<vmem>> -> memref<1x128x64xf32, #tpu.memory_space<vmem>>
      %dma_wait3A_668 = tpu.memref_squeeze %dma_wait3A_667 : memref<1x128x64xf32, #tpu.memory_space<vmem>> -> memref<128x64xf32, #tpu.memory_space<vmem>>
      %dma_wait3A_669 = arith.constant 0 : i32
      %dma_wait3A_670 = tpu.memref_slice %arg5[%add3A_663, %dma_wait3A_669] : memref<50x128xi32, #tpu.memory_space<vmem>> -> memref<1x128xi32, #tpu.memory_space<vmem>>
      %dma_wait3A_671 = tpu.memref_squeeze %dma_wait3A_670 : memref<1x128xi32, #tpu.memory_space<vmem>> -> memref<128xi32, #tpu.memory_space<vmem>>
      %dma_wait3A_672 = arith.constant 0 : i32
      %dma_wait3A_673 = arith.constant 0 : i32
      %dma_wait3A_674 = tpu.memref_slice %arg3[%dma_wait3A_672, %dma_wait3A_673] : memref<100000x64xf32, #tpu.memory_space<hbm>> -> memref<100000x64xf32, #tpu.memory_space<hbm>>
      tpu.wait_indirect_dma semaphore(%arg8 : memref<!tpu.dma_semaphore, #tpu.memory_space<semaphore_mem>>) src(%dma_wait3A_674 : memref<100000x64xf32, #tpu.memory_space<hbm>>) dst(%dma_wait3A_668 : memref<128x64xf32, #tpu.memory_space<vmem>>)
      %add3A_675 = arith.constant 1 : i32
      %add3A_676 = arith.addi %mul3A_611, %add3A_675 : i32
      %sub3A_677 = arith.constant 1 : i32
      %sub3A_678 = arith.subi %add3A_676, %sub3A_677 : i32
      %jit3A_679 = arith.constant 2 : i32
      %div3A_680 = arith.divsi %sub3A_678, %jit3A_679 : i32
      %sign3A_681 = arith.constant 0 : i32
      %sign3A_682 = arith.cmpi sgt, %sub3A_678, %sign3A_681 : i32
      %sign3A_683 = arith.extui %sign3A_682 : i1 to i32
      %sign3A_684 = arith.constant 0 : i32
      %sign3A_685 = arith.cmpi slt, %sub3A_678, %sign3A_684 : i32
      %sign3A_686 = arith.extui %sign3A_685 : i1 to i32
      %sign3A_687 = arith.subi %sign3A_683, %sign3A_686 : i32
      %sign3A_688 = arith.constant 0 : i32
      %sign3A_689 = arith.cmpi sgt, %jit3A_679, %sign3A_688 : i32
      %sign3A_690 = arith.extui %sign3A_689 : i1 to i32
      %sign3A_691 = arith.constant 0 : i32
      %sign3A_692 = arith.cmpi slt, %jit3A_679, %sign3A_691 : i32
      %sign3A_693 = arith.extui %sign3A_692 : i1 to i32
      %sign3A_694 = arith.subi %sign3A_690, %sign3A_693 : i32
      %ne3A_695 = arith.cmpi ne, %sign3A_687, %sign3A_694 : i32
      %rem3A_696 = arith.remsi %sub3A_678, %jit3A_679 : i32
      %ne3A_697 = arith.constant 0 : i32
      %ne3A_698 = arith.cmpi ne, %rem3A_696, %ne3A_697 : i32
      %and3A_699 = arith.andi %ne3A_695, %ne3A_698 : i1
      %sub3A_700 = arith.constant 1 : i32
      %sub3A_701 = arith.subi %div3A_680, %sub3A_700 : i32
      %select_n3A_702 = arith.select %and3A_699, %sub3A_701, %div3A_680 : i32
      %dma_start3A_703 = arith.constant 1 : i32
      %dma_start3A_704 = arith.constant 0 : i32
      %dma_start3A_705 = arith.constant 0 : i32
      %dma_start3A_706 = tpu.memref_slice %arg6[%dma_start3A_703, %dma_start3A_704, %dma_start3A_705] : memref<10x128x64xf32, #tpu.memory_space<vmem>> -> memref<1x128x64xf32, #tpu.memory_space<vmem>>
      %dma_start3A_707 = tpu.memref_squeeze %dma_start3A_706 : memref<1x128x64xf32, #tpu.memory_space<vmem>> -> memref<128x64xf32, #tpu.memory_space<vmem>>
      %dma_start3A_708 = arith.constant 0 : i32
      %dma_start3A_709 = arith.constant 64 : i32
      %dma_start3A_710 = tpu.memref_slice %arg4[%add3A, %select_n3A_702, %dma_start3A_708, %dma_start3A_709] : memref<32x25x128x128xf32, #tpu.memory_space<hbm>> -> memref<1x1x128x64xf32, #tpu.memory_space<hbm>>
      %dma_start3A_711 = tpu.memref_squeeze %dma_start3A_710 : memref<1x1x128x64xf32, #tpu.memory_space<hbm>> -> memref<128x64xf32, #tpu.memory_space<hbm>>
      %dma_start3A_712 = arith.constant 0 : i32
      %dma_start3A_713 = arith.constant 64 : i32
      %dma_start3A_714 = tpu.memref_slice %arg4[%add3A, %select_n3A_702, %dma_start3A_712, %dma_start3A_713] : memref<32x25x128x128xf32, #tpu.memory_space<hbm>> -> memref<1x1x128x64xf32, #tpu.memory_space<hbm>>
      %dma_start3A_715 = tpu.memref_squeeze %dma_start3A_714 : memref<1x1x128x64xf32, #tpu.memory_space<hbm>> -> memref<128x64xf32, #tpu.memory_space<hbm>>
      %dma_start3A_716 = arith.constant 0 : i32
      %dma_start3A_717 = arith.constant 0 : i32
      %dma_start3A_718 = tpu.memref_slice %arg6[%dma_start3A_703, %dma_start3A_716, %dma_start3A_717] : memref<10x128x64xf32, #tpu.memory_space<vmem>> -> memref<1x128x64xf32, #tpu.memory_space<vmem>>
      %dma_start3A_719 = tpu.memref_squeeze %dma_start3A_718 : memref<1x128x64xf32, #tpu.memory_space<vmem>> -> memref<128x64xf32, #tpu.memory_space<vmem>>
      tpu.enqueue_dma source(%dma_start3A_719 : memref<128x64xf32, #tpu.memory_space<vmem>>) target(%dma_start3A_715 : memref<128x64xf32, #tpu.memory_space<hbm>>) target_semaphore(%arg18 : memref<!tpu.dma_semaphore, #tpu.memory_space<semaphore_mem>>)
      %add3A_720 = arith.constant 2 : i32
      %add3A_721 = arith.addi %mul3A_611, %add3A_720 : i32
      %dma_wait3A_722 = arith.constant 2 : i32
      %dma_wait3A_723 = arith.constant 0 : i32
      %dma_wait3A_724 = arith.constant 0 : i32
      %dma_wait3A_725 = tpu.memref_slice %arg6[%dma_wait3A_722, %dma_wait3A_723, %dma_wait3A_724] : memref<10x128x64xf32, #tpu.memory_space<vmem>> -> memref<1x128x64xf32, #tpu.memory_space<vmem>>
      %dma_wait3A_726 = tpu.memref_squeeze %dma_wait3A_725 : memref<1x128x64xf32, #tpu.memory_space<vmem>> -> memref<128x64xf32, #tpu.memory_space<vmem>>
      %dma_wait3A_727 = arith.constant 0 : i32
      %dma_wait3A_728 = tpu.memref_slice %arg5[%add3A_721, %dma_wait3A_727] : memref<50x128xi32, #tpu.memory_space<vmem>> -> memref<1x128xi32, #tpu.memory_space<vmem>>
      %dma_wait3A_729 = tpu.memref_squeeze %dma_wait3A_728 : memref<1x128xi32, #tpu.memory_space<vmem>> -> memref<128xi32, #tpu.memory_space<vmem>>
      %dma_wait3A_730 = arith.constant 0 : i32
      %dma_wait3A_731 = arith.constant 0 : i32
      %dma_wait3A_732 = tpu.memref_slice %arg3[%dma_wait3A_730, %dma_wait3A_731] : memref<100000x64xf32, #tpu.memory_space<hbm>> -> memref<100000x64xf32, #tpu.memory_space<hbm>>
      tpu.wait_indirect_dma semaphore(%arg9 : memref<!tpu.dma_semaphore, #tpu.memory_space<semaphore_mem>>) src(%dma_wait3A_732 : memref<100000x64xf32, #tpu.memory_space<hbm>>) dst(%dma_wait3A_726 : memref<128x64xf32, #tpu.memory_space<vmem>>)
      %add3A_733 = arith.constant 2 : i32
      %add3A_734 = arith.addi %mul3A_611, %add3A_733 : i32
      %sub3A_735 = arith.constant 0 : i32
      %sub3A_736 = arith.subi %add3A_734, %sub3A_735 : i32
      %jit3A_737 = arith.constant 2 : i32
      %div3A_738 = arith.divsi %sub3A_736, %jit3A_737 : i32
      %sign3A_739 = arith.constant 0 : i32
      %sign3A_740 = arith.cmpi sgt, %sub3A_736, %sign3A_739 : i32
      %sign3A_741 = arith.extui %sign3A_740 : i1 to i32
      %sign3A_742 = arith.constant 0 : i32
      %sign3A_743 = arith.cmpi slt, %sub3A_736, %sign3A_742 : i32
      %sign3A_744 = arith.extui %sign3A_743 : i1 to i32
      %sign3A_745 = arith.subi %sign3A_741, %sign3A_744 : i32
      %sign3A_746 = arith.constant 0 : i32
      %sign3A_747 = arith.cmpi sgt, %jit3A_737, %sign3A_746 : i32
      %sign3A_748 = arith.extui %sign3A_747 : i1 to i32
      %sign3A_749 = arith.constant 0 : i32
      %sign3A_750 = arith.cmpi slt, %jit3A_737, %sign3A_749 : i32
      %sign3A_751 = arith.extui %sign3A_750 : i1 to i32
      %sign3A_752 = arith.subi %sign3A_748, %sign3A_751 : i32
      %ne3A_753 = arith.cmpi ne, %sign3A_745, %sign3A_752 : i32
      %rem3A_754 = arith.remsi %sub3A_736, %jit3A_737 : i32
      %ne3A_755 = arith.constant 0 : i32
      %ne3A_756 = arith.cmpi ne, %rem3A_754, %ne3A_755 : i32
      %and3A_757 = arith.andi %ne3A_753, %ne3A_756 : i1
      %sub3A_758 = arith.constant 1 : i32
      %sub3A_759 = arith.subi %div3A_738, %sub3A_758 : i32
      %select_n3A_760 = arith.select %and3A_757, %sub3A_759, %div3A_738 : i32
      %dma_start3A_761 = arith.constant 2 : i32
      %dma_start3A_762 = arith.constant 0 : i32
      %dma_start3A_763 = arith.constant 0 : i32
      %dma_start3A_764 = tpu.memref_slice %arg6[%dma_start3A_761, %dma_start3A_762, %dma_start3A_763] : memref<10x128x64xf32, #tpu.memory_space<vmem>> -> memref<1x128x64xf32, #tpu.memory_space<vmem>>
      %dma_start3A_765 = tpu.memref_squeeze %dma_start3A_764 : memref<1x128x64xf32, #tpu.memory_space<vmem>> -> memref<128x64xf32, #tpu.memory_space<vmem>>
      %dma_start3A_766 = arith.constant 0 : i32
      %dma_start3A_767 = arith.constant 0 : i32
      %dma_start3A_768 = tpu.memref_slice %arg4[%add3A, %select_n3A_760, %dma_start3A_766, %dma_start3A_767] : memref<32x25x128x128xf32, #tpu.memory_space<hbm>> -> memref<1x1x128x64xf32, #tpu.memory_space<hbm>>
      %dma_start3A_769 = tpu.memref_squeeze %dma_start3A_768 : memref<1x1x128x64xf32, #tpu.memory_space<hbm>> -> memref<128x64xf32, #tpu.memory_space<hbm>>
      %dma_start3A_770 = arith.constant 0 : i32
      %dma_start3A_771 = arith.constant 0 : i32
      %dma_start3A_772 = tpu.memref_slice %arg4[%add3A, %select_n3A_760, %dma_start3A_770, %dma_start3A_771] : memref<32x25x128x128xf32, #tpu.memory_space<hbm>> -> memref<1x1x128x64xf32, #tpu.memory_space<hbm>>
      %dma_start3A_773 = tpu.memref_squeeze %dma_start3A_772 : memref<1x1x128x64xf32, #tpu.memory_space<hbm>> -> memref<128x64xf32, #tpu.memory_space<hbm>>
      %dma_start3A_774 = arith.constant 0 : i32
      %dma_start3A_775 = arith.constant 0 : i32
      %dma_start3A_776 = tpu.memref_slice %arg6[%dma_start3A_761, %dma_start3A_774, %dma_start3A_775] : memref<10x128x64xf32, #tpu.memory_space<vmem>> -> memref<1x128x64xf32, #tpu.memory_space<vmem>>
      %dma_start3A_777 = tpu.memref_squeeze %dma_start3A_776 : memref<1x128x64xf32, #tpu.memory_space<vmem>> -> memref<128x64xf32, #tpu.memory_space<vmem>>
      tpu.enqueue_dma source(%dma_start3A_777 : memref<128x64xf32, #tpu.memory_space<vmem>>) target(%dma_start3A_773 : memref<128x64xf32, #tpu.memory_space<hbm>>) target_semaphore(%arg19 : memref<!tpu.dma_semaphore, #tpu.memory_space<semaphore_mem>>)
      %add3A_778 = arith.constant 3 : i32
      %add3A_779 = arith.addi %mul3A_611, %add3A_778 : i32
      %dma_wait3A_780 = arith.constant 3 : i32
      %dma_wait3A_781 = arith.constant 0 : i32
      %dma_wait3A_782 = arith.constant 0 : i32
      %dma_wait3A_783 = tpu.memref_slice %arg6[%dma_wait3A_780, %dma_wait3A_781, %dma_wait3A_782] : memref<10x128x64xf32, #tpu.memory_space<vmem>> -> memref<1x128x64xf32, #tpu.memory_space<vmem>>
      %dma_wait3A_784 = tpu.memref_squeeze %dma_wait3A_783 : memref<1x128x64xf32, #tpu.memory_space<vmem>> -> memref<128x64xf32, #tpu.memory_space<vmem>>
      %dma_wait3A_785 = arith.constant 0 : i32
      %dma_wait3A_786 = tpu.memref_slice %arg5[%add3A_779, %dma_wait3A_785] : memref<50x128xi32, #tpu.memory_space<vmem>> -> memref<1x128xi32, #tpu.memory_space<vmem>>
      %dma_wait3A_787 = tpu.memref_squeeze %dma_wait3A_786 : memref<1x128xi32, #tpu.memory_space<vmem>> -> memref<128xi32, #tpu.memory_space<vmem>>
      %dma_wait3A_788 = arith.constant 0 : i32
      %dma_wait3A_789 = arith.constant 0 : i32
      %dma_wait3A_790 = tpu.memref_slice %arg3[%dma_wait3A_788, %dma_wait3A_789] : memref<100000x64xf32, #tpu.memory_space<hbm>> -> memref<100000x64xf32, #tpu.memory_space<hbm>>
      tpu.wait_indirect_dma semaphore(%arg10 : memref<!tpu.dma_semaphore, #tpu.memory_space<semaphore_mem>>) src(%dma_wait3A_790 : memref<100000x64xf32, #tpu.memory_space<hbm>>) dst(%dma_wait3A_784 : memref<128x64xf32, #tpu.memory_space<vmem>>)
      %add3A_791 = arith.constant 3 : i32
      %add3A_792 = arith.addi %mul3A_611, %add3A_791 : i32
      %sub3A_793 = arith.constant 1 : i32
      %sub3A_794 = arith.subi %add3A_792, %sub3A_793 : i32
      %jit3A_795 = arith.constant 2 : i32
      %div3A_796 = arith.divsi %sub3A_794, %jit3A_795 : i32
      %sign3A_797 = arith.constant 0 : i32
      %sign3A_798 = arith.cmpi sgt, %sub3A_794, %sign3A_797 : i32
      %sign3A_799 = arith.extui %sign3A_798 : i1 to i32
      %sign3A_800 = arith.constant 0 : i32
      %sign3A_801 = arith.cmpi slt, %sub3A_794, %sign3A_800 : i32
      %sign3A_802 = arith.extui %sign3A_801 : i1 to i32
      %sign3A_803 = arith.subi %sign3A_799, %sign3A_802 : i32
      %sign3A_804 = arith.constant 0 : i32
      %sign3A_805 = arith.cmpi sgt, %jit3A_795, %sign3A_804 : i32
      %sign3A_806 = arith.extui %sign3A_805 : i1 to i32
      %sign3A_807 = arith.constant 0 : i32
      %sign3A_808 = arith.cmpi slt, %jit3A_795, %sign3A_807 : i32
      %sign3A_809 = arith.extui %sign3A_808 : i1 to i32
      %sign3A_810 = arith.subi %sign3A_806, %sign3A_809 : i32
      %ne3A_811 = arith.cmpi ne, %sign3A_803, %sign3A_810 : i32
      %rem3A_812 = arith.remsi %sub3A_794, %jit3A_795 : i32
      %ne3A_813 = arith.constant 0 : i32
      %ne3A_814 = arith.cmpi ne, %rem3A_812, %ne3A_813 : i32
      %and3A_815 = arith.andi %ne3A_811, %ne3A_814 : i1
      %sub3A_816 = arith.constant 1 : i32
      %sub3A_817 = arith.subi %div3A_796, %sub3A_816 : i32
      %select_n3A_818 = arith.select %and3A_815, %sub3A_817, %div3A_796 : i32
      %dma_start3A_819 = arith.constant 3 : i32
      %dma_start3A_820 = arith.constant 0 : i32
      %dma_start3A_821 = arith.constant 0 : i32
      %dma_start3A_822 = tpu.memref_slice %arg6[%dma_start3A_819, %dma_start3A_820, %dma_start3A_821] : memref<10x128x64xf32, #tpu.memory_space<vmem>> -> memref<1x128x64xf32, #tpu.memory_space<vmem>>
      %dma_start3A_823 = tpu.memref_squeeze %dma_start3A_822 : memref<1x128x64xf32, #tpu.memory_space<vmem>> -> memref<128x64xf32, #tpu.memory_space<vmem>>
      %dma_start3A_824 = arith.constant 0 : i32
      %dma_start3A_825 = arith.constant 64 : i32
      %dma_start3A_826 = tpu.memref_slice %arg4[%add3A, %select_n3A_818, %dma_start3A_824, %dma_start3A_825] : memref<32x25x128x128xf32, #tpu.memory_space<hbm>> -> memref<1x1x128x64xf32, #tpu.memory_space<hbm>>
      %dma_start3A_827 = tpu.memref_squeeze %dma_start3A_826 : memref<1x1x128x64xf32, #tpu.memory_space<hbm>> -> memref<128x64xf32, #tpu.memory_space<hbm>>
      %dma_start3A_828 = arith.constant 0 : i32
      %dma_start3A_829 = arith.constant 64 : i32
      %dma_start3A_830 = tpu.memref_slice %arg4[%add3A, %select_n3A_818, %dma_start3A_828, %dma_start3A_829] : memref<32x25x128x128xf32, #tpu.memory_space<hbm>> -> memref<1x1x128x64xf32, #tpu.memory_space<hbm>>
      %dma_start3A_831 = tpu.memref_squeeze %dma_start3A_830 : memref<1x1x128x64xf32, #tpu.memory_space<hbm>> -> memref<128x64xf32, #tpu.memory_space<hbm>>
      %dma_start3A_832 = arith.constant 0 : i32
      %dma_start3A_833 = arith.constant 0 : i32
      %dma_start3A_834 = tpu.memref_slice %arg6[%dma_start3A_819, %dma_start3A_832, %dma_start3A_833] : memref<10x128x64xf32, #tpu.memory_space<vmem>> -> memref<1x128x64xf32, #tpu.memory_space<vmem>>
      %dma_start3A_835 = tpu.memref_squeeze %dma_start3A_834 : memref<1x128x64xf32, #tpu.memory_space<vmem>> -> memref<128x64xf32, #tpu.memory_space<vmem>>
      tpu.enqueue_dma source(%dma_start3A_835 : memref<128x64xf32, #tpu.memory_space<vmem>>) target(%dma_start3A_831 : memref<128x64xf32, #tpu.memory_space<hbm>>) target_semaphore(%arg20 : memref<!tpu.dma_semaphore, #tpu.memory_space<semaphore_mem>>)
      %add3A_836 = arith.constant 4 : i32
      %add3A_837 = arith.addi %mul3A_611, %add3A_836 : i32
      %dma_wait3A_838 = arith.constant 4 : i32
      %dma_wait3A_839 = arith.constant 0 : i32
      %dma_wait3A_840 = arith.constant 0 : i32
      %dma_wait3A_841 = tpu.memref_slice %arg6[%dma_wait3A_838, %dma_wait3A_839, %dma_wait3A_840] : memref<10x128x64xf32, #tpu.memory_space<vmem>> -> memref<1x128x64xf32, #tpu.memory_space<vmem>>
      %dma_wait3A_842 = tpu.memref_squeeze %dma_wait3A_841 : memref<1x128x64xf32, #tpu.memory_space<vmem>> -> memref<128x64xf32, #tpu.memory_space<vmem>>
      %dma_wait3A_843 = arith.constant 0 : i32
      %dma_wait3A_844 = tpu.memref_slice %arg5[%add3A_837, %dma_wait3A_843] : memref<50x128xi32, #tpu.memory_space<vmem>> -> memref<1x128xi32, #tpu.memory_space<vmem>>
      %dma_wait3A_845 = tpu.memref_squeeze %dma_wait3A_844 : memref<1x128xi32, #tpu.memory_space<vmem>> -> memref<128xi32, #tpu.memory_space<vmem>>
      %dma_wait3A_846 = arith.constant 0 : i32
      %dma_wait3A_847 = arith.constant 0 : i32
      %dma_wait3A_848 = tpu.memref_slice %arg3[%dma_wait3A_846, %dma_wait3A_847] : memref<100000x64xf32, #tpu.memory_space<hbm>> -> memref<100000x64xf32, #tpu.memory_space<hbm>>
      tpu.wait_indirect_dma semaphore(%arg11 : memref<!tpu.dma_semaphore, #tpu.memory_space<semaphore_mem>>) src(%dma_wait3A_848 : memref<100000x64xf32, #tpu.memory_space<hbm>>) dst(%dma_wait3A_842 : memref<128x64xf32, #tpu.memory_space<vmem>>)
      %add3A_849 = arith.constant 4 : i32
      %add3A_850 = arith.addi %mul3A_611, %add3A_849 : i32
      %sub3A_851 = arith.constant 0 : i32
      %sub3A_852 = arith.subi %add3A_850, %sub3A_851 : i32
      %jit3A_853 = arith.constant 2 : i32
      %div3A_854 = arith.divsi %sub3A_852, %jit3A_853 : i32
      %sign3A_855 = arith.constant 0 : i32
      %sign3A_856 = arith.cmpi sgt, %sub3A_852, %sign3A_855 : i32
      %sign3A_857 = arith.extui %sign3A_856 : i1 to i32
      %sign3A_858 = arith.constant 0 : i32
      %sign3A_859 = arith.cmpi slt, %sub3A_852, %sign3A_858 : i32
      %sign3A_860 = arith.extui %sign3A_859 : i1 to i32
      %sign3A_861 = arith.subi %sign3A_857, %sign3A_860 : i32
      %sign3A_862 = arith.constant 0 : i32
      %sign3A_863 = arith.cmpi sgt, %jit3A_853, %sign3A_862 : i32
      %sign3A_864 = arith.extui %sign3A_863 : i1 to i32
      %sign3A_865 = arith.constant 0 : i32
      %sign3A_866 = arith.cmpi slt, %jit3A_853, %sign3A_865 : i32
      %sign3A_867 = arith.extui %sign3A_866 : i1 to i32
      %sign3A_868 = arith.subi %sign3A_864, %sign3A_867 : i32
      %ne3A_869 = arith.cmpi ne, %sign3A_861, %sign3A_868 : i32
      %rem3A_870 = arith.remsi %sub3A_852, %jit3A_853 : i32
      %ne3A_871 = arith.constant 0 : i32
      %ne3A_872 = arith.cmpi ne, %rem3A_870, %ne3A_871 : i32
      %and3A_873 = arith.andi %ne3A_869, %ne3A_872 : i1
      %sub3A_874 = arith.constant 1 : i32
      %sub3A_875 = arith.subi %div3A_854, %sub3A_874 : i32
      %select_n3A_876 = arith.select %and3A_873, %sub3A_875, %div3A_854 : i32
      %dma_start3A_877 = arith.constant 4 : i32
      %dma_start3A_878 = arith.constant 0 : i32
      %dma_start3A_879 = arith.constant 0 : i32
      %dma_start3A_880 = tpu.memref_slice %arg6[%dma_start3A_877, %dma_start3A_878, %dma_start3A_879] : memref<10x128x64xf32, #tpu.memory_space<vmem>> -> memref<1x128x64xf32, #tpu.memory_space<vmem>>
      %dma_start3A_881 = tpu.memref_squeeze %dma_start3A_880 : memref<1x128x64xf32, #tpu.memory_space<vmem>> -> memref<128x64xf32, #tpu.memory_space<vmem>>
      %dma_start3A_882 = arith.constant 0 : i32
      %dma_start3A_883 = arith.constant 0 : i32
      %dma_start3A_884 = tpu.memref_slice %arg4[%add3A, %select_n3A_876, %dma_start3A_882, %dma_start3A_883] : memref<32x25x128x128xf32, #tpu.memory_space<hbm>> -> memref<1x1x128x64xf32, #tpu.memory_space<hbm>>
      %dma_start3A_885 = tpu.memref_squeeze %dma_start3A_884 : memref<1x1x128x64xf32, #tpu.memory_space<hbm>> -> memref<128x64xf32, #tpu.memory_space<hbm>>
      %dma_start3A_886 = arith.constant 0 : i32
      %dma_start3A_887 = arith.constant 0 : i32
      %dma_start3A_888 = tpu.memref_slice %arg4[%add3A, %select_n3A_876, %dma_start3A_886, %dma_start3A_887] : memref<32x25x128x128xf32, #tpu.memory_space<hbm>> -> memref<1x1x128x64xf32, #tpu.memory_space<hbm>>
      %dma_start3A_889 = tpu.memref_squeeze %dma_start3A_888 : memref<1x1x128x64xf32, #tpu.memory_space<hbm>> -> memref<128x64xf32, #tpu.memory_space<hbm>>
      %dma_start3A_890 = arith.constant 0 : i32
      %dma_start3A_891 = arith.constant 0 : i32
      %dma_start3A_892 = tpu.memref_slice %arg6[%dma_start3A_877, %dma_start3A_890, %dma_start3A_891] : memref<10x128x64xf32, #tpu.memory_space<vmem>> -> memref<1x128x64xf32, #tpu.memory_space<vmem>>
      %dma_start3A_893 = tpu.memref_squeeze %dma_start3A_892 : memref<1x128x64xf32, #tpu.memory_space<vmem>> -> memref<128x64xf32, #tpu.memory_space<vmem>>
      tpu.enqueue_dma source(%dma_start3A_893 : memref<128x64xf32, #tpu.memory_space<vmem>>) target(%dma_start3A_889 : memref<128x64xf32, #tpu.memory_space<hbm>>) target_semaphore(%arg21 : memref<!tpu.dma_semaphore, #tpu.memory_space<semaphore_mem>>)
      %add3A_894 = arith.constant 5 : i32
      %add3A_895 = arith.addi %mul3A_611, %add3A_894 : i32
      %dma_wait3A_896 = arith.constant 5 : i32
      %dma_wait3A_897 = arith.constant 0 : i32
      %dma_wait3A_898 = arith.constant 0 : i32
      %dma_wait3A_899 = tpu.memref_slice %arg6[%dma_wait3A_896, %dma_wait3A_897, %dma_wait3A_898] : memref<10x128x64xf32, #tpu.memory_space<vmem>> -> memref<1x128x64xf32, #tpu.memory_space<vmem>>
      %dma_wait3A_900 = tpu.memref_squeeze %dma_wait3A_899 : memref<1x128x64xf32, #tpu.memory_space<vmem>> -> memref<128x64xf32, #tpu.memory_space<vmem>>
      %dma_wait3A_901 = arith.constant 0 : i32
      %dma_wait3A_902 = tpu.memref_slice %arg5[%add3A_895, %dma_wait3A_901] : memref<50x128xi32, #tpu.memory_space<vmem>> -> memref<1x128xi32, #tpu.memory_space<vmem>>
      %dma_wait3A_903 = tpu.memref_squeeze %dma_wait3A_902 : memref<1x128xi32, #tpu.memory_space<vmem>> -> memref<128xi32, #tpu.memory_space<vmem>>
      %dma_wait3A_904 = arith.constant 0 : i32
      %dma_wait3A_905 = arith.constant 0 : i32
      %dma_wait3A_906 = tpu.memref_slice %arg3[%dma_wait3A_904, %dma_wait3A_905] : memref<100000x64xf32, #tpu.memory_space<hbm>> -> memref<100000x64xf32, #tpu.memory_space<hbm>>
      tpu.wait_indirect_dma semaphore(%arg12 : memref<!tpu.dma_semaphore, #tpu.memory_space<semaphore_mem>>) src(%dma_wait3A_906 : memref<100000x64xf32, #tpu.memory_space<hbm>>) dst(%dma_wait3A_900 : memref<128x64xf32, #tpu.memory_space<vmem>>)
      %add3A_907 = arith.constant 5 : i32
      %add3A_908 = arith.addi %mul3A_611, %add3A_907 : i32
      %sub3A_909 = arith.constant 1 : i32
      %sub3A_910 = arith.subi %add3A_908, %sub3A_909 : i32
      %jit3A_911 = arith.constant 2 : i32
      %div3A_912 = arith.divsi %sub3A_910, %jit3A_911 : i32
      %sign3A_913 = arith.constant 0 : i32
      %sign3A_914 = arith.cmpi sgt, %sub3A_910, %sign3A_913 : i32
      %sign3A_915 = arith.extui %sign3A_914 : i1 to i32
      %sign3A_916 = arith.constant 0 : i32
      %sign3A_917 = arith.cmpi slt, %sub3A_910, %sign3A_916 : i32
      %sign3A_918 = arith.extui %sign3A_917 : i1 to i32
      %sign3A_919 = arith.subi %sign3A_915, %sign3A_918 : i32
      %sign3A_920 = arith.constant 0 : i32
      %sign3A_921 = arith.cmpi sgt, %jit3A_911, %sign3A_920 : i32
      %sign3A_922 = arith.extui %sign3A_921 : i1 to i32
      %sign3A_923 = arith.constant 0 : i32
      %sign3A_924 = arith.cmpi slt, %jit3A_911, %sign3A_923 : i32
      %sign3A_925 = arith.extui %sign3A_924 : i1 to i32
      %sign3A_926 = arith.subi %sign3A_922, %sign3A_925 : i32
      %ne3A_927 = arith.cmpi ne, %sign3A_919, %sign3A_926 : i32
      %rem3A_928 = arith.remsi %sub3A_910, %jit3A_911 : i32
      %ne3A_929 = arith.constant 0 : i32
      %ne3A_930 = arith.cmpi ne, %rem3A_928, %ne3A_929 : i32
      %and3A_931 = arith.andi %ne3A_927, %ne3A_930 : i1
      %sub3A_932 = arith.constant 1 : i32
      %sub3A_933 = arith.subi %div3A_912, %sub3A_932 : i32
      %select_n3A_934 = arith.select %and3A_931, %sub3A_933, %div3A_912 : i32
      %dma_start3A_935 = arith.constant 5 : i32
      %dma_start3A_936 = arith.constant 0 : i32
      %dma_start3A_937 = arith.constant 0 : i32
      %dma_start3A_938 = tpu.memref_slice %arg6[%dma_start3A_935, %dma_start3A_936, %dma_start3A_937] : memref<10x128x64xf32, #tpu.memory_space<vmem>> -> memref<1x128x64xf32, #tpu.memory_space<vmem>>
      %dma_start3A_939 = tpu.memref_squeeze %dma_start3A_938 : memref<1x128x64xf32, #tpu.memory_space<vmem>> -> memref<128x64xf32, #tpu.memory_space<vmem>>
      %dma_start3A_940 = arith.constant 0 : i32
      %dma_start3A_941 = arith.constant 64 : i32
      %dma_start3A_942 = tpu.memref_slice %arg4[%add3A, %select_n3A_934, %dma_start3A_940, %dma_start3A_941] : memref<32x25x128x128xf32, #tpu.memory_space<hbm>> -> memref<1x1x128x64xf32, #tpu.memory_space<hbm>>
      %dma_start3A_943 = tpu.memref_squeeze %dma_start3A_942 : memref<1x1x128x64xf32, #tpu.memory_space<hbm>> -> memref<128x64xf32, #tpu.memory_space<hbm>>
      %dma_start3A_944 = arith.constant 0 : i32
      %dma_start3A_945 = arith.constant 64 : i32
      %dma_start3A_946 = tpu.memref_slice %arg4[%add3A, %select_n3A_934, %dma_start3A_944, %dma_start3A_945] : memref<32x25x128x128xf32, #tpu.memory_space<hbm>> -> memref<1x1x128x64xf32, #tpu.memory_space<hbm>>
      %dma_start3A_947 = tpu.memref_squeeze %dma_start3A_946 : memref<1x1x128x64xf32, #tpu.memory_space<hbm>> -> memref<128x64xf32, #tpu.memory_space<hbm>>
      %dma_start3A_948 = arith.constant 0 : i32
      %dma_start3A_949 = arith.constant 0 : i32
      %dma_start3A_950 = tpu.memref_slice %arg6[%dma_start3A_935, %dma_start3A_948, %dma_start3A_949] : memref<10x128x64xf32, #tpu.memory_space<vmem>> -> memref<1x128x64xf32, #tpu.memory_space<vmem>>
      %dma_start3A_951 = tpu.memref_squeeze %dma_start3A_950 : memref<1x128x64xf32, #tpu.memory_space<vmem>> -> memref<128x64xf32, #tpu.memory_space<vmem>>
      tpu.enqueue_dma source(%dma_start3A_951 : memref<128x64xf32, #tpu.memory_space<vmem>>) target(%dma_start3A_947 : memref<128x64xf32, #tpu.memory_space<hbm>>) target_semaphore(%arg22 : memref<!tpu.dma_semaphore, #tpu.memory_space<semaphore_mem>>)
      %add3A_952 = arith.constant 6 : i32
      %add3A_953 = arith.addi %mul3A_611, %add3A_952 : i32
      %dma_wait3A_954 = arith.constant 6 : i32
      %dma_wait3A_955 = arith.constant 0 : i32
      %dma_wait3A_956 = arith.constant 0 : i32
      %dma_wait3A_957 = tpu.memref_slice %arg6[%dma_wait3A_954, %dma_wait3A_955, %dma_wait3A_956] : memref<10x128x64xf32, #tpu.memory_space<vmem>> -> memref<1x128x64xf32, #tpu.memory_space<vmem>>
      %dma_wait3A_958 = tpu.memref_squeeze %dma_wait3A_957 : memref<1x128x64xf32, #tpu.memory_space<vmem>> -> memref<128x64xf32, #tpu.memory_space<vmem>>
      %dma_wait3A_959 = arith.constant 0 : i32
      %dma_wait3A_960 = tpu.memref_slice %arg5[%add3A_953, %dma_wait3A_959] : memref<50x128xi32, #tpu.memory_space<vmem>> -> memref<1x128xi32, #tpu.memory_space<vmem>>
      %dma_wait3A_961 = tpu.memref_squeeze %dma_wait3A_960 : memref<1x128xi32, #tpu.memory_space<vmem>> -> memref<128xi32, #tpu.memory_space<vmem>>
      %dma_wait3A_962 = arith.constant 0 : i32
      %dma_wait3A_963 = arith.constant 0 : i32
      %dma_wait3A_964 = tpu.memref_slice %arg3[%dma_wait3A_962, %dma_wait3A_963] : memref<100000x64xf32, #tpu.memory_space<hbm>> -> memref<100000x64xf32, #tpu.memory_space<hbm>>
      tpu.wait_indirect_dma semaphore(%arg13 : memref<!tpu.dma_semaphore, #tpu.memory_space<semaphore_mem>>) src(%dma_wait3A_964 : memref<100000x64xf32, #tpu.memory_space<hbm>>) dst(%dma_wait3A_958 : memref<128x64xf32, #tpu.memory_space<vmem>>)
      %add3A_965 = arith.constant 6 : i32
      %add3A_966 = arith.addi %mul3A_611, %add3A_965 : i32
      %sub3A_967 = arith.constant 0 : i32
      %sub3A_968 = arith.subi %add3A_966, %sub3A_967 : i32
      %jit3A_969 = arith.constant 2 : i32
      %div3A_970 = arith.divsi %sub3A_968, %jit3A_969 : i32
      %sign3A_971 = arith.constant 0 : i32
      %sign3A_972 = arith.cmpi sgt, %sub3A_968, %sign3A_971 : i32
      %sign3A_973 = arith.extui %sign3A_972 : i1 to i32
      %sign3A_974 = arith.constant 0 : i32
      %sign3A_975 = arith.cmpi slt, %sub3A_968, %sign3A_974 : i32
      %sign3A_976 = arith.extui %sign3A_975 : i1 to i32
      %sign3A_977 = arith.subi %sign3A_973, %sign3A_976 : i32
      %sign3A_978 = arith.constant 0 : i32
      %sign3A_979 = arith.cmpi sgt, %jit3A_969, %sign3A_978 : i32
      %sign3A_980 = arith.extui %sign3A_979 : i1 to i32
      %sign3A_981 = arith.constant 0 : i32
      %sign3A_982 = arith.cmpi slt, %jit3A_969, %sign3A_981 : i32
      %sign3A_983 = arith.extui %sign3A_982 : i1 to i32
      %sign3A_984 = arith.subi %sign3A_980, %sign3A_983 : i32
      %ne3A_985 = arith.cmpi ne, %sign3A_977, %sign3A_984 : i32
      %rem3A_986 = arith.remsi %sub3A_968, %jit3A_969 : i32
      %ne3A_987 = arith.constant 0 : i32
      %ne3A_988 = arith.cmpi ne, %rem3A_986, %ne3A_987 : i32
      %and3A_989 = arith.andi %ne3A_985, %ne3A_988 : i1
      %sub3A_990 = arith.constant 1 : i32
      %sub3A_991 = arith.subi %div3A_970, %sub3A_990 : i32
      %select_n3A_992 = arith.select %and3A_989, %sub3A_991, %div3A_970 : i32
      %dma_start3A_993 = arith.constant 6 : i32
      %dma_start3A_994 = arith.constant 0 : i32
      %dma_start3A_995 = arith.constant 0 : i32
      %dma_start3A_996 = tpu.memref_slice %arg6[%dma_start3A_993, %dma_start3A_994, %dma_start3A_995] : memref<10x128x64xf32, #tpu.memory_space<vmem>> -> memref<1x128x64xf32, #tpu.memory_space<vmem>>
      %dma_start3A_997 = tpu.memref_squeeze %dma_start3A_996 : memref<1x128x64xf32, #tpu.memory_space<vmem>> -> memref<128x64xf32, #tpu.memory_space<vmem>>
      %dma_start3A_998 = arith.constant 0 : i32
      %dma_start3A_999 = arith.constant 0 : i32
      %dma_start3A_1000 = tpu.memref_slice %arg4[%add3A, %select_n3A_992, %dma_start3A_998, %dma_start3A_999] : memref<32x25x128x128xf32, #tpu.memory_space<hbm>> -> memref<1x1x128x64xf32, #tpu.memory_space<hbm>>
      %dma_start3A_1001 = tpu.memref_squeeze %dma_start3A_1000 : memref<1x1x128x64xf32, #tpu.memory_space<hbm>> -> memref<128x64xf32, #tpu.memory_space<hbm>>
      %dma_start3A_1002 = arith.constant 0 : i32
      %dma_start3A_1003 = arith.constant 0 : i32
      %dma_start3A_1004 = tpu.memref_slice %arg4[%add3A, %select_n3A_992, %dma_start3A_1002, %dma_start3A_1003] : memref<32x25x128x128xf32, #tpu.memory_space<hbm>> -> memref<1x1x128x64xf32, #tpu.memory_space<hbm>>
      %dma_start3A_1005 = tpu.memref_squeeze %dma_start3A_1004 : memref<1x1x128x64xf32, #tpu.memory_space<hbm>> -> memref<128x64xf32, #tpu.memory_space<hbm>>
      %dma_start3A_1006 = arith.constant 0 : i32
      %dma_start3A_1007 = arith.constant 0 : i32
      %dma_start3A_1008 = tpu.memref_slice %arg6[%dma_start3A_993, %dma_start3A_1006, %dma_start3A_1007] : memref<10x128x64xf32, #tpu.memory_space<vmem>> -> memref<1x128x64xf32, #tpu.memory_space<vmem>>
      %dma_start3A_1009 = tpu.memref_squeeze %dma_start3A_1008 : memref<1x128x64xf32, #tpu.memory_space<vmem>> -> memref<128x64xf32, #tpu.memory_space<vmem>>
      tpu.enqueue_dma source(%dma_start3A_1009 : memref<128x64xf32, #tpu.memory_space<vmem>>) target(%dma_start3A_1005 : memref<128x64xf32, #tpu.memory_space<hbm>>) target_semaphore(%arg23 : memref<!tpu.dma_semaphore, #tpu.memory_space<semaphore_mem>>)
      %add3A_1010 = arith.constant 7 : i32
      %add3A_1011 = arith.addi %mul3A_611, %add3A_1010 : i32
      %dma_wait3A_1012 = arith.constant 7 : i32
      %dma_wait3A_1013 = arith.constant 0 : i32
      %dma_wait3A_1014 = arith.constant 0 : i32
      %dma_wait3A_1015 = tpu.memref_slice %arg6[%dma_wait3A_1012, %dma_wait3A_1013, %dma_wait3A_1014] : memref<10x128x64xf32, #tpu.memory_space<vmem>> -> memref<1x128x64xf32, #tpu.memory_space<vmem>>
      %dma_wait3A_1016 = tpu.memref_squeeze %dma_wait3A_1015 : memref<1x128x64xf32, #tpu.memory_space<vmem>> -> memref<128x64xf32, #tpu.memory_space<vmem>>
      %dma_wait3A_1017 = arith.constant 0 : i32
      %dma_wait3A_1018 = tpu.memref_slice %arg5[%add3A_1011, %dma_wait3A_1017] : memref<50x128xi32, #tpu.memory_space<vmem>> -> memref<1x128xi32, #tpu.memory_space<vmem>>
      %dma_wait3A_1019 = tpu.memref_squeeze %dma_wait3A_1018 : memref<1x128xi32, #tpu.memory_space<vmem>> -> memref<128xi32, #tpu.memory_space<vmem>>
      %dma_wait3A_1020 = arith.constant 0 : i32
      %dma_wait3A_1021 = arith.constant 0 : i32
      %dma_wait3A_1022 = tpu.memref_slice %arg3[%dma_wait3A_1020, %dma_wait3A_1021] : memref<100000x64xf32, #tpu.memory_space<hbm>> -> memref<100000x64xf32, #tpu.memory_space<hbm>>
      tpu.wait_indirect_dma semaphore(%arg14 : memref<!tpu.dma_semaphore, #tpu.memory_space<semaphore_mem>>) src(%dma_wait3A_1022 : memref<100000x64xf32, #tpu.memory_space<hbm>>) dst(%dma_wait3A_1016 : memref<128x64xf32, #tpu.memory_space<vmem>>)
      %add3A_1023 = arith.constant 7 : i32
      %add3A_1024 = arith.addi %mul3A_611, %add3A_1023 : i32
      %sub3A_1025 = arith.constant 1 : i32
      %sub3A_1026 = arith.subi %add3A_1024, %sub3A_1025 : i32
      %jit3A_1027 = arith.constant 2 : i32
      %div3A_1028 = arith.divsi %sub3A_1026, %jit3A_1027 : i32
      %sign3A_1029 = arith.constant 0 : i32
      %sign3A_1030 = arith.cmpi sgt, %sub3A_1026, %sign3A_1029 : i32
      %sign3A_1031 = arith.extui %sign3A_1030 : i1 to i32
      %sign3A_1032 = arith.constant 0 : i32
      %sign3A_1033 = arith.cmpi slt, %sub3A_1026, %sign3A_1032 : i32
      %sign3A_1034 = arith.extui %sign3A_1033 : i1 to i32
      %sign3A_1035 = arith.subi %sign3A_1031, %sign3A_1034 : i32
      %sign3A_1036 = arith.constant 0 : i32
      %sign3A_1037 = arith.cmpi sgt, %jit3A_1027, %sign3A_1036 : i32
      %sign3A_1038 = arith.extui %sign3A_1037 : i1 to i32
      %sign3A_1039 = arith.constant 0 : i32
      %sign3A_1040 = arith.cmpi slt, %jit3A_1027, %sign3A_1039 : i32
      %sign3A_1041 = arith.extui %sign3A_1040 : i1 to i32
      %sign3A_1042 = arith.subi %sign3A_1038, %sign3A_1041 : i32
      %ne3A_1043 = arith.cmpi ne, %sign3A_1035, %sign3A_1042 : i32
      %rem3A_1044 = arith.remsi %sub3A_1026, %jit3A_1027 : i32
      %ne3A_1045 = arith.constant 0 : i32
      %ne3A_1046 = arith.cmpi ne, %rem3A_1044, %ne3A_1045 : i32
      %and3A_1047 = arith.andi %ne3A_1043, %ne3A_1046 : i1
      %sub3A_1048 = arith.constant 1 : i32
      %sub3A_1049 = arith.subi %div3A_1028, %sub3A_1048 : i32
      %select_n3A_1050 = arith.select %and3A_1047, %sub3A_1049, %div3A_1028 : i32
      %dma_start3A_1051 = arith.constant 7 : i32
      %dma_start3A_1052 = arith.constant 0 : i32
      %dma_start3A_1053 = arith.constant 0 : i32
      %dma_start3A_1054 = tpu.memref_slice %arg6[%dma_start3A_1051, %dma_start3A_1052, %dma_start3A_1053] : memref<10x128x64xf32, #tpu.memory_space<vmem>> -> memref<1x128x64xf32, #tpu.memory_space<vmem>>
      %dma_start3A_1055 = tpu.memref_squeeze %dma_start3A_1054 : memref<1x128x64xf32, #tpu.memory_space<vmem>> -> memref<128x64xf32, #tpu.memory_space<vmem>>
      %dma_start3A_1056 = arith.constant 0 : i32
      %dma_start3A_1057 = arith.constant 64 : i32
      %dma_start3A_1058 = tpu.memref_slice %arg4[%add3A, %select_n3A_1050, %dma_start3A_1056, %dma_start3A_1057] : memref<32x25x128x128xf32, #tpu.memory_space<hbm>> -> memref<1x1x128x64xf32, #tpu.memory_space<hbm>>
      %dma_start3A_1059 = tpu.memref_squeeze %dma_start3A_1058 : memref<1x1x128x64xf32, #tpu.memory_space<hbm>> -> memref<128x64xf32, #tpu.memory_space<hbm>>
      %dma_start3A_1060 = arith.constant 0 : i32
      %dma_start3A_1061 = arith.constant 64 : i32
      %dma_start3A_1062 = tpu.memref_slice %arg4[%add3A, %select_n3A_1050, %dma_start3A_1060, %dma_start3A_1061] : memref<32x25x128x128xf32, #tpu.memory_space<hbm>> -> memref<1x1x128x64xf32, #tpu.memory_space<hbm>>
      %dma_start3A_1063 = tpu.memref_squeeze %dma_start3A_1062 : memref<1x1x128x64xf32, #tpu.memory_space<hbm>> -> memref<128x64xf32, #tpu.memory_space<hbm>>
      %dma_start3A_1064 = arith.constant 0 : i32
      %dma_start3A_1065 = arith.constant 0 : i32
      %dma_start3A_1066 = tpu.memref_slice %arg6[%dma_start3A_1051, %dma_start3A_1064, %dma_start3A_1065] : memref<10x128x64xf32, #tpu.memory_space<vmem>> -> memref<1x128x64xf32, #tpu.memory_space<vmem>>
      %dma_start3A_1067 = tpu.memref_squeeze %dma_start3A_1066 : memref<1x128x64xf32, #tpu.memory_space<vmem>> -> memref<128x64xf32, #tpu.memory_space<vmem>>
      tpu.enqueue_dma source(%dma_start3A_1067 : memref<128x64xf32, #tpu.memory_space<vmem>>) target(%dma_start3A_1063 : memref<128x64xf32, #tpu.memory_space<hbm>>) target_semaphore(%arg24 : memref<!tpu.dma_semaphore, #tpu.memory_space<semaphore_mem>>)
      %add3A_1068 = arith.constant 8 : i32
      %add3A_1069 = arith.addi %mul3A_611, %add3A_1068 : i32
      %dma_wait3A_1070 = arith.constant 8 : i32
      %dma_wait3A_1071 = arith.constant 0 : i32
      %dma_wait3A_1072 = arith.constant 0 : i32
      %dma_wait3A_1073 = tpu.memref_slice %arg6[%dma_wait3A_1070, %dma_wait3A_1071, %dma_wait3A_1072] : memref<10x128x64xf32, #tpu.memory_space<vmem>> -> memref<1x128x64xf32, #tpu.memory_space<vmem>>
      %dma_wait3A_1074 = tpu.memref_squeeze %dma_wait3A_1073 : memref<1x128x64xf32, #tpu.memory_space<vmem>> -> memref<128x64xf32, #tpu.memory_space<vmem>>
      %dma_wait3A_1075 = arith.constant 0 : i32
      %dma_wait3A_1076 = tpu.memref_slice %arg5[%add3A_1069, %dma_wait3A_1075] : memref<50x128xi32, #tpu.memory_space<vmem>> -> memref<1x128xi32, #tpu.memory_space<vmem>>
      %dma_wait3A_1077 = tpu.memref_squeeze %dma_wait3A_1076 : memref<1x128xi32, #tpu.memory_space<vmem>> -> memref<128xi32, #tpu.memory_space<vmem>>
      %dma_wait3A_1078 = arith.constant 0 : i32
      %dma_wait3A_1079 = arith.constant 0 : i32
      %dma_wait3A_1080 = tpu.memref_slice %arg3[%dma_wait3A_1078, %dma_wait3A_1079] : memref<100000x64xf32, #tpu.memory_space<hbm>> -> memref<100000x64xf32, #tpu.memory_space<hbm>>
      tpu.wait_indirect_dma semaphore(%arg15 : memref<!tpu.dma_semaphore, #tpu.memory_space<semaphore_mem>>) src(%dma_wait3A_1080 : memref<100000x64xf32, #tpu.memory_space<hbm>>) dst(%dma_wait3A_1074 : memref<128x64xf32, #tpu.memory_space<vmem>>)
      %add3A_1081 = arith.constant 8 : i32
      %add3A_1082 = arith.addi %mul3A_611, %add3A_1081 : i32
      %sub3A_1083 = arith.constant 0 : i32
      %sub3A_1084 = arith.subi %add3A_1082, %sub3A_1083 : i32
      %jit3A_1085 = arith.constant 2 : i32
      %div3A_1086 = arith.divsi %sub3A_1084, %jit3A_1085 : i32
      %sign3A_1087 = arith.constant 0 : i32
      %sign3A_1088 = arith.cmpi sgt, %sub3A_1084, %sign3A_1087 : i32
      %sign3A_1089 = arith.extui %sign3A_1088 : i1 to i32
      %sign3A_1090 = arith.constant 0 : i32
      %sign3A_1091 = arith.cmpi slt, %sub3A_1084, %sign3A_1090 : i32
      %sign3A_1092 = arith.extui %sign3A_1091 : i1 to i32
      %sign3A_1093 = arith.subi %sign3A_1089, %sign3A_1092 : i32
      %sign3A_1094 = arith.constant 0 : i32
      %sign3A_1095 = arith.cmpi sgt, %jit3A_1085, %sign3A_1094 : i32
      %sign3A_1096 = arith.extui %sign3A_1095 : i1 to i32
      %sign3A_1097 = arith.constant 0 : i32
      %sign3A_1098 = arith.cmpi slt, %jit3A_1085, %sign3A_1097 : i32
      %sign3A_1099 = arith.extui %sign3A_1098 : i1 to i32
      %sign3A_1100 = arith.subi %sign3A_1096, %sign3A_1099 : i32
      %ne3A_1101 = arith.cmpi ne, %sign3A_1093, %sign3A_1100 : i32
      %rem3A_1102 = arith.remsi %sub3A_1084, %jit3A_1085 : i32
      %ne3A_1103 = arith.constant 0 : i32
      %ne3A_1104 = arith.cmpi ne, %rem3A_1102, %ne3A_1103 : i32
      %and3A_1105 = arith.andi %ne3A_1101, %ne3A_1104 : i1
      %sub3A_1106 = arith.constant 1 : i32
      %sub3A_1107 = arith.subi %div3A_1086, %sub3A_1106 : i32
      %select_n3A_1108 = arith.select %and3A_1105, %sub3A_1107, %div3A_1086 : i32
      %dma_start3A_1109 = arith.constant 8 : i32
      %dma_start3A_1110 = arith.constant 0 : i32
      %dma_start3A_1111 = arith.constant 0 : i32
      %dma_start3A_1112 = tpu.memref_slice %arg6[%dma_start3A_1109, %dma_start3A_1110, %dma_start3A_1111] : memref<10x128x64xf32, #tpu.memory_space<vmem>> -> memref<1x128x64xf32, #tpu.memory_space<vmem>>
      %dma_start3A_1113 = tpu.memref_squeeze %dma_start3A_1112 : memref<1x128x64xf32, #tpu.memory_space<vmem>> -> memref<128x64xf32, #tpu.memory_space<vmem>>
      %dma_start3A_1114 = arith.constant 0 : i32
      %dma_start3A_1115 = arith.constant 0 : i32
      %dma_start3A_1116 = tpu.memref_slice %arg4[%add3A, %select_n3A_1108, %dma_start3A_1114, %dma_start3A_1115] : memref<32x25x128x128xf32, #tpu.memory_space<hbm>> -> memref<1x1x128x64xf32, #tpu.memory_space<hbm>>
      %dma_start3A_1117 = tpu.memref_squeeze %dma_start3A_1116 : memref<1x1x128x64xf32, #tpu.memory_space<hbm>> -> memref<128x64xf32, #tpu.memory_space<hbm>>
      %dma_start3A_1118 = arith.constant 0 : i32
      %dma_start3A_1119 = arith.constant 0 : i32
      %dma_start3A_1120 = tpu.memref_slice %arg4[%add3A, %select_n3A_1108, %dma_start3A_1118, %dma_start3A_1119] : memref<32x25x128x128xf32, #tpu.memory_space<hbm>> -> memref<1x1x128x64xf32, #tpu.memory_space<hbm>>
      %dma_start3A_1121 = tpu.memref_squeeze %dma_start3A_1120 : memref<1x1x128x64xf32, #tpu.memory_space<hbm>> -> memref<128x64xf32, #tpu.memory_space<hbm>>
      %dma_start3A_1122 = arith.constant 0 : i32
      %dma_start3A_1123 = arith.constant 0 : i32
      %dma_start3A_1124 = tpu.memref_slice %arg6[%dma_start3A_1109, %dma_start3A_1122, %dma_start3A_1123] : memref<10x128x64xf32, #tpu.memory_space<vmem>> -> memref<1x128x64xf32, #tpu.memory_space<vmem>>
      %dma_start3A_1125 = tpu.memref_squeeze %dma_start3A_1124 : memref<1x128x64xf32, #tpu.memory_space<vmem>> -> memref<128x64xf32, #tpu.memory_space<vmem>>
      tpu.enqueue_dma source(%dma_start3A_1125 : memref<128x64xf32, #tpu.memory_space<vmem>>) target(%dma_start3A_1121 : memref<128x64xf32, #tpu.memory_space<hbm>>) target_semaphore(%arg25 : memref<!tpu.dma_semaphore, #tpu.memory_space<semaphore_mem>>)
      %add3A_1126 = arith.constant 9 : i32
      %add3A_1127 = arith.addi %mul3A_611, %add3A_1126 : i32
      %dma_wait3A_1128 = arith.constant 9 : i32
      %dma_wait3A_1129 = arith.constant 0 : i32
      %dma_wait3A_1130 = arith.constant 0 : i32
      %dma_wait3A_1131 = tpu.memref_slice %arg6[%dma_wait3A_1128, %dma_wait3A_1129, %dma_wait3A_1130] : memref<10x128x64xf32, #tpu.memory_space<vmem>> -> memref<1x128x64xf32, #tpu.memory_space<vmem>>
      %dma_wait3A_1132 = tpu.memref_squeeze %dma_wait3A_1131 : memref<1x128x64xf32, #tpu.memory_space<vmem>> -> memref<128x64xf32, #tpu.memory_space<vmem>>
      %dma_wait3A_1133 = arith.constant 0 : i32
      %dma_wait3A_1134 = tpu.memref_slice %arg5[%add3A_1127, %dma_wait3A_1133] : memref<50x128xi32, #tpu.memory_space<vmem>> -> memref<1x128xi32, #tpu.memory_space<vmem>>
      %dma_wait3A_1135 = tpu.memref_squeeze %dma_wait3A_1134 : memref<1x128xi32, #tpu.memory_space<vmem>> -> memref<128xi32, #tpu.memory_space<vmem>>
      %dma_wait3A_1136 = arith.constant 0 : i32
      %dma_wait3A_1137 = arith.constant 0 : i32
      %dma_wait3A_1138 = tpu.memref_slice %arg3[%dma_wait3A_1136, %dma_wait3A_1137] : memref<100000x64xf32, #tpu.memory_space<hbm>> -> memref<100000x64xf32, #tpu.memory_space<hbm>>
      tpu.wait_indirect_dma semaphore(%arg16 : memref<!tpu.dma_semaphore, #tpu.memory_space<semaphore_mem>>) src(%dma_wait3A_1138 : memref<100000x64xf32, #tpu.memory_space<hbm>>) dst(%dma_wait3A_1132 : memref<128x64xf32, #tpu.memory_space<vmem>>)
      %add3A_1139 = arith.constant 9 : i32
      %add3A_1140 = arith.addi %mul3A_611, %add3A_1139 : i32
      %sub3A_1141 = arith.constant 1 : i32
      %sub3A_1142 = arith.subi %add3A_1140, %sub3A_1141 : i32
      %jit3A_1143 = arith.constant 2 : i32
      %div3A_1144 = arith.divsi %sub3A_1142, %jit3A_1143 : i32
      %sign3A_1145 = arith.constant 0 : i32
      %sign3A_1146 = arith.cmpi sgt, %sub3A_1142, %sign3A_1145 : i32
      %sign3A_1147 = arith.extui %sign3A_1146 : i1 to i32
      %sign3A_1148 = arith.constant 0 : i32
      %sign3A_1149 = arith.cmpi slt, %sub3A_1142, %sign3A_1148 : i32
      %sign3A_1150 = arith.extui %sign3A_1149 : i1 to i32
      %sign3A_1151 = arith.subi %sign3A_1147, %sign3A_1150 : i32
      %sign3A_1152 = arith.constant 0 : i32
      %sign3A_1153 = arith.cmpi sgt, %jit3A_1143, %sign3A_1152 : i32
      %sign3A_1154 = arith.extui %sign3A_1153 : i1 to i32
      %sign3A_1155 = arith.constant 0 : i32
      %sign3A_1156 = arith.cmpi slt, %jit3A_1143, %sign3A_1155 : i32
      %sign3A_1157 = arith.extui %sign3A_1156 : i1 to i32
      %sign3A_1158 = arith.subi %sign3A_1154, %sign3A_1157 : i32
      %ne3A_1159 = arith.cmpi ne, %sign3A_1151, %sign3A_1158 : i32
      %rem3A_1160 = arith.remsi %sub3A_1142, %jit3A_1143 : i32
      %ne3A_1161 = arith.constant 0 : i32
      %ne3A_1162 = arith.cmpi ne, %rem3A_1160, %ne3A_1161 : i32
      %and3A_1163 = arith.andi %ne3A_1159, %ne3A_1162 : i1
      %sub3A_1164 = arith.constant 1 : i32
      %sub3A_1165 = arith.subi %div3A_1144, %sub3A_1164 : i32
      %select_n3A_1166 = arith.select %and3A_1163, %sub3A_1165, %div3A_1144 : i32
      %dma_start3A_1167 = arith.constant 9 : i32
      %dma_start3A_1168 = arith.constant 0 : i32
      %dma_start3A_1169 = arith.constant 0 : i32
      %dma_start3A_1170 = tpu.memref_slice %arg6[%dma_start3A_1167, %dma_start3A_1168, %dma_start3A_1169] : memref<10x128x64xf32, #tpu.memory_space<vmem>> -> memref<1x128x64xf32, #tpu.memory_space<vmem>>
      %dma_start3A_1171 = tpu.memref_squeeze %dma_start3A_1170 : memref<1x128x64xf32, #tpu.memory_space<vmem>> -> memref<128x64xf32, #tpu.memory_space<vmem>>
      %dma_start3A_1172 = arith.constant 0 : i32
      %dma_start3A_1173 = arith.constant 64 : i32
      %dma_start3A_1174 = tpu.memref_slice %arg4[%add3A, %select_n3A_1166, %dma_start3A_1172, %dma_start3A_1173] : memref<32x25x128x128xf32, #tpu.memory_space<hbm>> -> memref<1x1x128x64xf32, #tpu.memory_space<hbm>>
      %dma_start3A_1175 = tpu.memref_squeeze %dma_start3A_1174 : memref<1x1x128x64xf32, #tpu.memory_space<hbm>> -> memref<128x64xf32, #tpu.memory_space<hbm>>
      %dma_start3A_1176 = arith.constant 0 : i32
      %dma_start3A_1177 = arith.constant 64 : i32
      %dma_start3A_1178 = tpu.memref_slice %arg4[%add3A, %select_n3A_1166, %dma_start3A_1176, %dma_start3A_1177] : memref<32x25x128x128xf32, #tpu.memory_space<hbm>> -> memref<1x1x128x64xf32, #tpu.memory_space<hbm>>
      %dma_start3A_1179 = tpu.memref_squeeze %dma_start3A_1178 : memref<1x1x128x64xf32, #tpu.memory_space<hbm>> -> memref<128x64xf32, #tpu.memory_space<hbm>>
      %dma_start3A_1180 = arith.constant 0 : i32
      %dma_start3A_1181 = arith.constant 0 : i32
      %dma_start3A_1182 = tpu.memref_slice %arg6[%dma_start3A_1167, %dma_start3A_1180, %dma_start3A_1181] : memref<10x128x64xf32, #tpu.memory_space<vmem>> -> memref<1x128x64xf32, #tpu.memory_space<vmem>>
      %dma_start3A_1183 = tpu.memref_squeeze %dma_start3A_1182 : memref<1x128x64xf32, #tpu.memory_space<vmem>> -> memref<128x64xf32, #tpu.memory_space<vmem>>
      tpu.enqueue_dma source(%dma_start3A_1183 : memref<128x64xf32, #tpu.memory_space<vmem>>) target(%dma_start3A_1179 : memref<128x64xf32, #tpu.memory_space<hbm>>) target_semaphore(%arg26 : memref<!tpu.dma_semaphore, #tpu.memory_space<semaphore_mem>>)
      %add3A_1184 = arith.constant 0 : i32
      %add3A_1185 = arith.addi %mul3A_611, %add3A_1184 : i32
      %sub3A_1186 = arith.constant 0 : i32
      %sub3A_1187 = arith.subi %add3A_1185, %sub3A_1186 : i32
      %jit3A_1188 = arith.constant 2 : i32
      %div3A_1189 = arith.divsi %sub3A_1187, %jit3A_1188 : i32
      %sign3A_1190 = arith.constant 0 : i32
      %sign3A_1191 = arith.cmpi sgt, %sub3A_1187, %sign3A_1190 : i32
      %sign3A_1192 = arith.extui %sign3A_1191 : i1 to i32
      %sign3A_1193 = arith.constant 0 : i32
      %sign3A_1194 = arith.cmpi slt, %sub3A_1187, %sign3A_1193 : i32
      %sign3A_1195 = arith.extui %sign3A_1194 : i1 to i32
      %sign3A_1196 = arith.subi %sign3A_1192, %sign3A_1195 : i32
      %sign3A_1197 = arith.constant 0 : i32
      %sign3A_1198 = arith.cmpi sgt, %jit3A_1188, %sign3A_1197 : i32
      %sign3A_1199 = arith.extui %sign3A_1198 : i1 to i32
      %sign3A_1200 = arith.constant 0 : i32
      %sign3A_1201 = arith.cmpi slt, %jit3A_1188, %sign3A_1200 : i32
      %sign3A_1202 = arith.extui %sign3A_1201 : i1 to i32
      %sign3A_1203 = arith.subi %sign3A_1199, %sign3A_1202 : i32
      %ne3A_1204 = arith.cmpi ne, %sign3A_1196, %sign3A_1203 : i32
      %rem3A_1205 = arith.remsi %sub3A_1187, %jit3A_1188 : i32
      %ne3A_1206 = arith.constant 0 : i32
      %ne3A_1207 = arith.cmpi ne, %rem3A_1205, %ne3A_1206 : i32
      %and3A_1208 = arith.andi %ne3A_1204, %ne3A_1207 : i1
      %sub3A_1209 = arith.constant 1 : i32
      %sub3A_1210 = arith.subi %div3A_1189, %sub3A_1209 : i32
      %select_n3A_1211 = arith.select %and3A_1208, %sub3A_1210, %div3A_1189 : i32
      %dma_wait3A_1212 = arith.constant 0 : i32
      %dma_wait3A_1213 = arith.constant 0 : i32
      %dma_wait3A_1214 = arith.constant 0 : i32
      %dma_wait3A_1215 = tpu.memref_slice %arg6[%dma_wait3A_1212, %dma_wait3A_1213, %dma_wait3A_1214] : memref<10x128x64xf32, #tpu.memory_space<vmem>> -> memref<1x128x64xf32, #tpu.memory_space<vmem>>
      %dma_wait3A_1216 = tpu.memref_squeeze %dma_wait3A_1215 : memref<1x128x64xf32, #tpu.memory_space<vmem>> -> memref<128x64xf32, #tpu.memory_space<vmem>>
      %dma_wait3A_1217 = arith.constant 0 : i32
      %dma_wait3A_1218 = arith.constant 0 : i32
      %dma_wait3A_1219 = tpu.memref_slice %arg4[%add3A, %select_n3A_1211, %dma_wait3A_1217, %dma_wait3A_1218] : memref<32x25x128x128xf32, #tpu.memory_space<hbm>> -> memref<1x1x128x64xf32, #tpu.memory_space<hbm>>
      %dma_wait3A_1220 = tpu.memref_squeeze %dma_wait3A_1219 : memref<1x1x128x64xf32, #tpu.memory_space<hbm>> -> memref<128x64xf32, #tpu.memory_space<hbm>>
      %dma_wait3A_1221 = arith.constant 0 : i32
      %dma_wait3A_1222 = arith.constant 0 : i32
      %dma_wait3A_1223 = tpu.memref_slice %arg4[%add3A, %select_n3A_1211, %dma_wait3A_1221, %dma_wait3A_1222] : memref<32x25x128x128xf32, #tpu.memory_space<hbm>> -> memref<1x1x128x64xf32, #tpu.memory_space<hbm>>
      %dma_wait3A_1224 = tpu.memref_squeeze %dma_wait3A_1223 : memref<1x1x128x64xf32, #tpu.memory_space<hbm>> -> memref<128x64xf32, #tpu.memory_space<hbm>>
      %dma_wait3A_1225 = arith.constant 0 : i32
      %dma_wait3A_1226 = arith.constant 0 : i32
      %dma_wait3A_1227 = tpu.memref_slice %arg6[%dma_wait3A_1212, %dma_wait3A_1225, %dma_wait3A_1226] : memref<10x128x64xf32, #tpu.memory_space<vmem>> -> memref<1x128x64xf32, #tpu.memory_space<vmem>>
      %dma_wait3A_1228 = tpu.memref_squeeze %dma_wait3A_1227 : memref<1x128x64xf32, #tpu.memory_space<vmem>> -> memref<128x64xf32, #tpu.memory_space<vmem>>
      tpu.wait_dma2 semaphore(%arg17 : memref<!tpu.dma_semaphore, #tpu.memory_space<semaphore_mem>>) src(%dma_wait3A_1228 : memref<128x64xf32, #tpu.memory_space<vmem>>) dst(%dma_wait3A_1224 : memref<128x64xf32, #tpu.memory_space<hbm>>)
      %add3A_1229 = arith.constant 10 : i32
      %add3A_1230 = arith.addi %mul3A_611, %add3A_1229 : i32
      %add3A_1231 = arith.constant 0 : i32
      %add3A_1232 = arith.addi %add3A_1230, %add3A_1231 : i32
      %dma_start3A_1233 = arith.constant 0 : i32
      %dma_start3A_1234 = arith.constant 0 : i32
      %dma_start3A_1235 = arith.constant 0 : i32
      %dma_start3A_1236 = tpu.memref_slice %arg6[%dma_start3A_1233, %dma_start3A_1234, %dma_start3A_1235] : memref<10x128x64xf32, #tpu.memory_space<vmem>> -> memref<1x128x64xf32, #tpu.memory_space<vmem>>
      %dma_start3A_1237 = tpu.memref_squeeze %dma_start3A_1236 : memref<1x128x64xf32, #tpu.memory_space<vmem>> -> memref<128x64xf32, #tpu.memory_space<vmem>>
      %dma_start3A_1238 = arith.constant 0 : i32
      %dma_start3A_1239 = tpu.memref_slice %arg5[%add3A_1232, %dma_start3A_1238] : memref<50x128xi32, #tpu.memory_space<vmem>> -> memref<1x128xi32, #tpu.memory_space<vmem>>
      %dma_start3A_1240 = tpu.memref_squeeze %dma_start3A_1239 : memref<1x128xi32, #tpu.memory_space<vmem>> -> memref<128xi32, #tpu.memory_space<vmem>>
      %dma_start3A_1241 = arith.constant 0 : i32
      %dma_start3A_1242 = arith.constant 0 : i32
      %dma_start3A_1243 = tpu.memref_slice %arg3[%dma_start3A_1241, %dma_start3A_1242] : memref<100000x64xf32, #tpu.memory_space<hbm>> -> memref<100000x64xf32, #tpu.memory_space<hbm>>
      tpu.enqueue_indirect_dma source(%dma_start3A_1243 : memref<100000x64xf32, #tpu.memory_space<hbm>>) target(%dma_start3A_1237 : memref<128x64xf32, #tpu.memory_space<vmem>>) offsets(%dma_start3A_1240 : memref<128xi32, #tpu.memory_space<vmem>>) semaphore(%arg7 : memref<!tpu.dma_semaphore, #tpu.memory_space<semaphore_mem>>)
      %add3A_1244 = arith.constant 1 : i32
      %add3A_1245 = arith.addi %mul3A_611, %add3A_1244 : i32
      %sub3A_1246 = arith.constant 1 : i32
      %sub3A_1247 = arith.subi %add3A_1245, %sub3A_1246 : i32
      %jit3A_1248 = arith.constant 2 : i32
      %div3A_1249 = arith.divsi %sub3A_1247, %jit3A_1248 : i32
      %sign3A_1250 = arith.constant 0 : i32
      %sign3A_1251 = arith.cmpi sgt, %sub3A_1247, %sign3A_1250 : i32
      %sign3A_1252 = arith.extui %sign3A_1251 : i1 to i32
      %sign3A_1253 = arith.constant 0 : i32
      %sign3A_1254 = arith.cmpi slt, %sub3A_1247, %sign3A_1253 : i32
      %sign3A_1255 = arith.extui %sign3A_1254 : i1 to i32
      %sign3A_1256 = arith.subi %sign3A_1252, %sign3A_1255 : i32
      %sign3A_1257 = arith.constant 0 : i32
      %sign3A_1258 = arith.cmpi sgt, %jit3A_1248, %sign3A_1257 : i32
      %sign3A_1259 = arith.extui %sign3A_1258 : i1 to i32
      %sign3A_1260 = arith.constant 0 : i32
      %sign3A_1261 = arith.cmpi slt, %jit3A_1248, %sign3A_1260 : i32
      %sign3A_1262 = arith.extui %sign3A_1261 : i1 to i32
      %sign3A_1263 = arith.subi %sign3A_1259, %sign3A_1262 : i32
      %ne3A_1264 = arith.cmpi ne, %sign3A_1256, %sign3A_1263 : i32
      %rem3A_1265 = arith.remsi %sub3A_1247, %jit3A_1248 : i32
      %ne3A_1266 = arith.constant 0 : i32
      %ne3A_1267 = arith.cmpi ne, %rem3A_1265, %ne3A_1266 : i32
      %and3A_1268 = arith.andi %ne3A_1264, %ne3A_1267 : i1
      %sub3A_1269 = arith.constant 1 : i32
      %sub3A_1270 = arith.subi %div3A_1249, %sub3A_1269 : i32
      %select_n3A_1271 = arith.select %and3A_1268, %sub3A_1270, %div3A_1249 : i32
      %dma_wait3A_1272 = arith.constant 1 : i32
      %dma_wait3A_1273 = arith.constant 0 : i32
      %dma_wait3A_1274 = arith.constant 0 : i32
      %dma_wait3A_1275 = tpu.memref_slice %arg6[%dma_wait3A_1272, %dma_wait3A_1273, %dma_wait3A_1274] : memref<10x128x64xf32, #tpu.memory_space<vmem>> -> memref<1x128x64xf32, #tpu.memory_space<vmem>>
      %dma_wait3A_1276 = tpu.memref_squeeze %dma_wait3A_1275 : memref<1x128x64xf32, #tpu.memory_space<vmem>> -> memref<128x64xf32, #tpu.memory_space<vmem>>
      %dma_wait3A_1277 = arith.constant 0 : i32
      %dma_wait3A_1278 = arith.constant 64 : i32
      %dma_wait3A_1279 = tpu.memref_slice %arg4[%add3A, %select_n3A_1271, %dma_wait3A_1277, %dma_wait3A_1278] : memref<32x25x128x128xf32, #tpu.memory_space<hbm>> -> memref<1x1x128x64xf32, #tpu.memory_space<hbm>>
      %dma_wait3A_1280 = tpu.memref_squeeze %dma_wait3A_1279 : memref<1x1x128x64xf32, #tpu.memory_space<hbm>> -> memref<128x64xf32, #tpu.memory_space<hbm>>
      %dma_wait3A_1281 = arith.constant 0 : i32
      %dma_wait3A_1282 = arith.constant 64 : i32
      %dma_wait3A_1283 = tpu.memref_slice %arg4[%add3A, %select_n3A_1271, %dma_wait3A_1281, %dma_wait3A_1282] : memref<32x25x128x128xf32, #tpu.memory_space<hbm>> -> memref<1x1x128x64xf32, #tpu.memory_space<hbm>>
      %dma_wait3A_1284 = tpu.memref_squeeze %dma_wait3A_1283 : memref<1x1x128x64xf32, #tpu.memory_space<hbm>> -> memref<128x64xf32, #tpu.memory_space<hbm>>
      %dma_wait3A_1285 = arith.constant 0 : i32
      %dma_wait3A_1286 = arith.constant 0 : i32
      %dma_wait3A_1287 = tpu.memref_slice %arg6[%dma_wait3A_1272, %dma_wait3A_1285, %dma_wait3A_1286] : memref<10x128x64xf32, #tpu.memory_space<vmem>> -> memref<1x128x64xf32, #tpu.memory_space<vmem>>
      %dma_wait3A_1288 = tpu.memref_squeeze %dma_wait3A_1287 : memref<1x128x64xf32, #tpu.memory_space<vmem>> -> memref<128x64xf32, #tpu.memory_space<vmem>>
      tpu.wait_dma2 semaphore(%arg18 : memref<!tpu.dma_semaphore, #tpu.memory_space<semaphore_mem>>) src(%dma_wait3A_1288 : memref<128x64xf32, #tpu.memory_space<vmem>>) dst(%dma_wait3A_1284 : memref<128x64xf32, #tpu.memory_space<hbm>>)
      %add3A_1289 = arith.constant 10 : i32
      %add3A_1290 = arith.addi %mul3A_611, %add3A_1289 : i32
      %add3A_1291 = arith.constant 1 : i32
      %add3A_1292 = arith.addi %add3A_1290, %add3A_1291 : i32
      %dma_start3A_1293 = arith.constant 1 : i32
      %dma_start3A_1294 = arith.constant 0 : i32
      %dma_start3A_1295 = arith.constant 0 : i32
      %dma_start3A_1296 = tpu.memref_slice %arg6[%dma_start3A_1293, %dma_start3A_1294, %dma_start3A_1295] : memref<10x128x64xf32, #tpu.memory_space<vmem>> -> memref<1x128x64xf32, #tpu.memory_space<vmem>>
      %dma_start3A_1297 = tpu.memref_squeeze %dma_start3A_1296 : memref<1x128x64xf32, #tpu.memory_space<vmem>> -> memref<128x64xf32, #tpu.memory_space<vmem>>
      %dma_start3A_1298 = arith.constant 0 : i32
      %dma_start3A_1299 = tpu.memref_slice %arg5[%add3A_1292, %dma_start3A_1298] : memref<50x128xi32, #tpu.memory_space<vmem>> -> memref<1x128xi32, #tpu.memory_space<vmem>>
      %dma_start3A_1300 = tpu.memref_squeeze %dma_start3A_1299 : memref<1x128xi32, #tpu.memory_space<vmem>> -> memref<128xi32, #tpu.memory_space<vmem>>
      %dma_start3A_1301 = arith.constant 0 : i32
      %dma_start3A_1302 = arith.constant 0 : i32
      %dma_start3A_1303 = tpu.memref_slice %arg3[%dma_start3A_1301, %dma_start3A_1302] : memref<100000x64xf32, #tpu.memory_space<hbm>> -> memref<100000x64xf32, #tpu.memory_space<hbm>>
      tpu.enqueue_indirect_dma source(%dma_start3A_1303 : memref<100000x64xf32, #tpu.memory_space<hbm>>) target(%dma_start3A_1297 : memref<128x64xf32, #tpu.memory_space<vmem>>) offsets(%dma_start3A_1300 : memref<128xi32, #tpu.memory_space<vmem>>) semaphore(%arg8 : memref<!tpu.dma_semaphore, #tpu.memory_space<semaphore_mem>>)
      %add3A_1304 = arith.constant 2 : i32
      %add3A_1305 = arith.addi %mul3A_611, %add3A_1304 : i32
      %sub3A_1306 = arith.constant 0 : i32
      %sub3A_1307 = arith.subi %add3A_1305, %sub3A_1306 : i32
      %jit3A_1308 = arith.constant 2 : i32
      %div3A_1309 = arith.divsi %sub3A_1307, %jit3A_1308 : i32
      %sign3A_1310 = arith.constant 0 : i32
      %sign3A_1311 = arith.cmpi sgt, %sub3A_1307, %sign3A_1310 : i32
      %sign3A_1312 = arith.extui %sign3A_1311 : i1 to i32
      %sign3A_1313 = arith.constant 0 : i32
      %sign3A_1314 = arith.cmpi slt, %sub3A_1307, %sign3A_1313 : i32
      %sign3A_1315 = arith.extui %sign3A_1314 : i1 to i32
      %sign3A_1316 = arith.subi %sign3A_1312, %sign3A_1315 : i32
      %sign3A_1317 = arith.constant 0 : i32
      %sign3A_1318 = arith.cmpi sgt, %jit3A_1308, %sign3A_1317 : i32
      %sign3A_1319 = arith.extui %sign3A_1318 : i1 to i32
      %sign3A_1320 = arith.constant 0 : i32
      %sign3A_1321 = arith.cmpi slt, %jit3A_1308, %sign3A_1320 : i32
      %sign3A_1322 = arith.extui %sign3A_1321 : i1 to i32
      %sign3A_1323 = arith.subi %sign3A_1319, %sign3A_1322 : i32
      %ne3A_1324 = arith.cmpi ne, %sign3A_1316, %sign3A_1323 : i32
      %rem3A_1325 = arith.remsi %sub3A_1307, %jit3A_1308 : i32
      %ne3A_1326 = arith.constant 0 : i32
      %ne3A_1327 = arith.cmpi ne, %rem3A_1325, %ne3A_1326 : i32
      %and3A_1328 = arith.andi %ne3A_1324, %ne3A_1327 : i1
      %sub3A_1329 = arith.constant 1 : i32
      %sub3A_1330 = arith.subi %div3A_1309, %sub3A_1329 : i32
      %select_n3A_1331 = arith.select %and3A_1328, %sub3A_1330, %div3A_1309 : i32
      %dma_wait3A_1332 = arith.constant 2 : i32
      %dma_wait3A_1333 = arith.constant 0 : i32
      %dma_wait3A_1334 = arith.constant 0 : i32
      %dma_wait3A_1335 = tpu.memref_slice %arg6[%dma_wait3A_1332, %dma_wait3A_1333, %dma_wait3A_1334] : memref<10x128x64xf32, #tpu.memory_space<vmem>> -> memref<1x128x64xf32, #tpu.memory_space<vmem>>
      %dma_wait3A_1336 = tpu.memref_squeeze %dma_wait3A_1335 : memref<1x128x64xf32, #tpu.memory_space<vmem>> -> memref<128x64xf32, #tpu.memory_space<vmem>>
      %dma_wait3A_1337 = arith.constant 0 : i32
      %dma_wait3A_1338 = arith.constant 0 : i32
      %dma_wait3A_1339 = tpu.memref_slice %arg4[%add3A, %select_n3A_1331, %dma_wait3A_1337, %dma_wait3A_1338] : memref<32x25x128x128xf32, #tpu.memory_space<hbm>> -> memref<1x1x128x64xf32, #tpu.memory_space<hbm>>
      %dma_wait3A_1340 = tpu.memref_squeeze %dma_wait3A_1339 : memref<1x1x128x64xf32, #tpu.memory_space<hbm>> -> memref<128x64xf32, #tpu.memory_space<hbm>>
      %dma_wait3A_1341 = arith.constant 0 : i32
      %dma_wait3A_1342 = arith.constant 0 : i32
      %dma_wait3A_1343 = tpu.memref_slice %arg4[%add3A, %select_n3A_1331, %dma_wait3A_1341, %dma_wait3A_1342] : memref<32x25x128x128xf32, #tpu.memory_space<hbm>> -> memref<1x1x128x64xf32, #tpu.memory_space<hbm>>
      %dma_wait3A_1344 = tpu.memref_squeeze %dma_wait3A_1343 : memref<1x1x128x64xf32, #tpu.memory_space<hbm>> -> memref<128x64xf32, #tpu.memory_space<hbm>>
      %dma_wait3A_1345 = arith.constant 0 : i32
      %dma_wait3A_1346 = arith.constant 0 : i32
      %dma_wait3A_1347 = tpu.memref_slice %arg6[%dma_wait3A_1332, %dma_wait3A_1345, %dma_wait3A_1346] : memref<10x128x64xf32, #tpu.memory_space<vmem>> -> memref<1x128x64xf32, #tpu.memory_space<vmem>>
      %dma_wait3A_1348 = tpu.memref_squeeze %dma_wait3A_1347 : memref<1x128x64xf32, #tpu.memory_space<vmem>> -> memref<128x64xf32, #tpu.memory_space<vmem>>
      tpu.wait_dma2 semaphore(%arg19 : memref<!tpu.dma_semaphore, #tpu.memory_space<semaphore_mem>>) src(%dma_wait3A_1348 : memref<128x64xf32, #tpu.memory_space<vmem>>) dst(%dma_wait3A_1344 : memref<128x64xf32, #tpu.memory_space<hbm>>)
      %add3A_1349 = arith.constant 10 : i32
      %add3A_1350 = arith.addi %mul3A_611, %add3A_1349 : i32
      %add3A_1351 = arith.constant 2 : i32
      %add3A_1352 = arith.addi %add3A_1350, %add3A_1351 : i32
      %dma_start3A_1353 = arith.constant 2 : i32
      %dma_start3A_1354 = arith.constant 0 : i32
      %dma_start3A_1355 = arith.constant 0 : i32
      %dma_start3A_1356 = tpu.memref_slice %arg6[%dma_start3A_1353, %dma_start3A_1354, %dma_start3A_1355] : memref<10x128x64xf32, #tpu.memory_space<vmem>> -> memref<1x128x64xf32, #tpu.memory_space<vmem>>
      %dma_start3A_1357 = tpu.memref_squeeze %dma_start3A_1356 : memref<1x128x64xf32, #tpu.memory_space<vmem>> -> memref<128x64xf32, #tpu.memory_space<vmem>>
      %dma_start3A_1358 = arith.constant 0 : i32
      %dma_start3A_1359 = tpu.memref_slice %arg5[%add3A_1352, %dma_start3A_1358] : memref<50x128xi32, #tpu.memory_space<vmem>> -> memref<1x128xi32, #tpu.memory_space<vmem>>
      %dma_start3A_1360 = tpu.memref_squeeze %dma_start3A_1359 : memref<1x128xi32, #tpu.memory_space<vmem>> -> memref<128xi32, #tpu.memory_space<vmem>>
      %dma_start3A_1361 = arith.constant 0 : i32
      %dma_start3A_1362 = arith.constant 0 : i32
      %dma_start3A_1363 = tpu.memref_slice %arg3[%dma_start3A_1361, %dma_start3A_1362] : memref<100000x64xf32, #tpu.memory_space<hbm>> -> memref<100000x64xf32, #tpu.memory_space<hbm>>
      tpu.enqueue_indirect_dma source(%dma_start3A_1363 : memref<100000x64xf32, #tpu.memory_space<hbm>>) target(%dma_start3A_1357 : memref<128x64xf32, #tpu.memory_space<vmem>>) offsets(%dma_start3A_1360 : memref<128xi32, #tpu.memory_space<vmem>>) semaphore(%arg9 : memref<!tpu.dma_semaphore, #tpu.memory_space<semaphore_mem>>)
      %add3A_1364 = arith.constant 3 : i32
      %add3A_1365 = arith.addi %mul3A_611, %add3A_1364 : i32
      %sub3A_1366 = arith.constant 1 : i32
      %sub3A_1367 = arith.subi %add3A_1365, %sub3A_1366 : i32
      %jit3A_1368 = arith.constant 2 : i32
      %div3A_1369 = arith.divsi %sub3A_1367, %jit3A_1368 : i32
      %sign3A_1370 = arith.constant 0 : i32
      %sign3A_1371 = arith.cmpi sgt, %sub3A_1367, %sign3A_1370 : i32
      %sign3A_1372 = arith.extui %sign3A_1371 : i1 to i32
      %sign3A_1373 = arith.constant 0 : i32
      %sign3A_1374 = arith.cmpi slt, %sub3A_1367, %sign3A_1373 : i32
      %sign3A_1375 = arith.extui %sign3A_1374 : i1 to i32
      %sign3A_1376 = arith.subi %sign3A_1372, %sign3A_1375 : i32
      %sign3A_1377 = arith.constant 0 : i32
      %sign3A_1378 = arith.cmpi sgt, %jit3A_1368, %sign3A_1377 : i32
      %sign3A_1379 = arith.extui %sign3A_1378 : i1 to i32
      %sign3A_1380 = arith.constant 0 : i32
      %sign3A_1381 = arith.cmpi slt, %jit3A_1368, %sign3A_1380 : i32
      %sign3A_1382 = arith.extui %sign3A_1381 : i1 to i32
      %sign3A_1383 = arith.subi %sign3A_1379, %sign3A_1382 : i32
      %ne3A_1384 = arith.cmpi ne, %sign3A_1376, %sign3A_1383 : i32
      %rem3A_1385 = arith.remsi %sub3A_1367, %jit3A_1368 : i32
      %ne3A_1386 = arith.constant 0 : i32
      %ne3A_1387 = arith.cmpi ne, %rem3A_1385, %ne3A_1386 : i32
      %and3A_1388 = arith.andi %ne3A_1384, %ne3A_1387 : i1
      %sub3A_1389 = arith.constant 1 : i32
      %sub3A_1390 = arith.subi %div3A_1369, %sub3A_1389 : i32
      %select_n3A_1391 = arith.select %and3A_1388, %sub3A_1390, %div3A_1369 : i32
      %dma_wait3A_1392 = arith.constant 3 : i32
      %dma_wait3A_1393 = arith.constant 0 : i32
      %dma_wait3A_1394 = arith.constant 0 : i32
      %dma_wait3A_1395 = tpu.memref_slice %arg6[%dma_wait3A_1392, %dma_wait3A_1393, %dma_wait3A_1394] : memref<10x128x64xf32, #tpu.memory_space<vmem>> -> memref<1x128x64xf32, #tpu.memory_space<vmem>>
      %dma_wait3A_1396 = tpu.memref_squeeze %dma_wait3A_1395 : memref<1x128x64xf32, #tpu.memory_space<vmem>> -> memref<128x64xf32, #tpu.memory_space<vmem>>
      %dma_wait3A_1397 = arith.constant 0 : i32
      %dma_wait3A_1398 = arith.constant 64 : i32
      %dma_wait3A_1399 = tpu.memref_slice %arg4[%add3A, %select_n3A_1391, %dma_wait3A_1397, %dma_wait3A_1398] : memref<32x25x128x128xf32, #tpu.memory_space<hbm>> -> memref<1x1x128x64xf32, #tpu.memory_space<hbm>>
      %dma_wait3A_1400 = tpu.memref_squeeze %dma_wait3A_1399 : memref<1x1x128x64xf32, #tpu.memory_space<hbm>> -> memref<128x64xf32, #tpu.memory_space<hbm>>
      %dma_wait3A_1401 = arith.constant 0 : i32
      %dma_wait3A_1402 = arith.constant 64 : i32
      %dma_wait3A_1403 = tpu.memref_slice %arg4[%add3A, %select_n3A_1391, %dma_wait3A_1401, %dma_wait3A_1402] : memref<32x25x128x128xf32, #tpu.memory_space<hbm>> -> memref<1x1x128x64xf32, #tpu.memory_space<hbm>>
      %dma_wait3A_1404 = tpu.memref_squeeze %dma_wait3A_1403 : memref<1x1x128x64xf32, #tpu.memory_space<hbm>> -> memref<128x64xf32, #tpu.memory_space<hbm>>
      %dma_wait3A_1405 = arith.constant 0 : i32
      %dma_wait3A_1406 = arith.constant 0 : i32
      %dma_wait3A_1407 = tpu.memref_slice %arg6[%dma_wait3A_1392, %dma_wait3A_1405, %dma_wait3A_1406] : memref<10x128x64xf32, #tpu.memory_space<vmem>> -> memref<1x128x64xf32, #tpu.memory_space<vmem>>
      %dma_wait3A_1408 = tpu.memref_squeeze %dma_wait3A_1407 : memref<1x128x64xf32, #tpu.memory_space<vmem>> -> memref<128x64xf32, #tpu.memory_space<vmem>>
      tpu.wait_dma2 semaphore(%arg20 : memref<!tpu.dma_semaphore, #tpu.memory_space<semaphore_mem>>) src(%dma_wait3A_1408 : memref<128x64xf32, #tpu.memory_space<vmem>>) dst(%dma_wait3A_1404 : memref<128x64xf32, #tpu.memory_space<hbm>>)
      %add3A_1409 = arith.constant 10 : i32
      %add3A_1410 = arith.addi %mul3A_611, %add3A_1409 : i32
      %add3A_1411 = arith.constant 3 : i32
      %add3A_1412 = arith.addi %add3A_1410, %add3A_1411 : i32
      %dma_start3A_1413 = arith.constant 3 : i32
      %dma_start3A_1414 = arith.constant 0 : i32
      %dma_start3A_1415 = arith.constant 0 : i32
      %dma_start3A_1416 = tpu.memref_slice %arg6[%dma_start3A_1413, %dma_start3A_1414, %dma_start3A_1415] : memref<10x128x64xf32, #tpu.memory_space<vmem>> -> memref<1x128x64xf32, #tpu.memory_space<vmem>>
      %dma_start3A_1417 = tpu.memref_squeeze %dma_start3A_1416 : memref<1x128x64xf32, #tpu.memory_space<vmem>> -> memref<128x64xf32, #tpu.memory_space<vmem>>
      %dma_start3A_1418 = arith.constant 0 : i32
      %dma_start3A_1419 = tpu.memref_slice %arg5[%add3A_1412, %dma_start3A_1418] : memref<50x128xi32, #tpu.memory_space<vmem>> -> memref<1x128xi32, #tpu.memory_space<vmem>>
      %dma_start3A_1420 = tpu.memref_squeeze %dma_start3A_1419 : memref<1x128xi32, #tpu.memory_space<vmem>> -> memref<128xi32, #tpu.memory_space<vmem>>
      %dma_start3A_1421 = arith.constant 0 : i32
      %dma_start3A_1422 = arith.constant 0 : i32
      %dma_start3A_1423 = tpu.memref_slice %arg3[%dma_start3A_1421, %dma_start3A_1422] : memref<100000x64xf32, #tpu.memory_space<hbm>> -> memref<100000x64xf32, #tpu.memory_space<hbm>>
      tpu.enqueue_indirect_dma source(%dma_start3A_1423 : memref<100000x64xf32, #tpu.memory_space<hbm>>) target(%dma_start3A_1417 : memref<128x64xf32, #tpu.memory_space<vmem>>) offsets(%dma_start3A_1420 : memref<128xi32, #tpu.memory_space<vmem>>) semaphore(%arg10 : memref<!tpu.dma_semaphore, #tpu.memory_space<semaphore_mem>>)
      %add3A_1424 = arith.constant 4 : i32
      %add3A_1425 = arith.addi %mul3A_611, %add3A_1424 : i32
      %sub3A_1426 = arith.constant 0 : i32
      %sub3A_1427 = arith.subi %add3A_1425, %sub3A_1426 : i32
      %jit3A_1428 = arith.constant 2 : i32
      %div3A_1429 = arith.divsi %sub3A_1427, %jit3A_1428 : i32
      %sign3A_1430 = arith.constant 0 : i32
      %sign3A_1431 = arith.cmpi sgt, %sub3A_1427, %sign3A_1430 : i32
      %sign3A_1432 = arith.extui %sign3A_1431 : i1 to i32
      %sign3A_1433 = arith.constant 0 : i32
      %sign3A_1434 = arith.cmpi slt, %sub3A_1427, %sign3A_1433 : i32
      %sign3A_1435 = arith.extui %sign3A_1434 : i1 to i32
      %sign3A_1436 = arith.subi %sign3A_1432, %sign3A_1435 : i32
      %sign3A_1437 = arith.constant 0 : i32
      %sign3A_1438 = arith.cmpi sgt, %jit3A_1428, %sign3A_1437 : i32
      %sign3A_1439 = arith.extui %sign3A_1438 : i1 to i32
      %sign3A_1440 = arith.constant 0 : i32
      %sign3A_1441 = arith.cmpi slt, %jit3A_1428, %sign3A_1440 : i32
      %sign3A_1442 = arith.extui %sign3A_1441 : i1 to i32
      %sign3A_1443 = arith.subi %sign3A_1439, %sign3A_1442 : i32
      %ne3A_1444 = arith.cmpi ne, %sign3A_1436, %sign3A_1443 : i32
      %rem3A_1445 = arith.remsi %sub3A_1427, %jit3A_1428 : i32
      %ne3A_1446 = arith.constant 0 : i32
      %ne3A_1447 = arith.cmpi ne, %rem3A_1445, %ne3A_1446 : i32
      %and3A_1448 = arith.andi %ne3A_1444, %ne3A_1447 : i1
      %sub3A_1449 = arith.constant 1 : i32
      %sub3A_1450 = arith.subi %div3A_1429, %sub3A_1449 : i32
      %select_n3A_1451 = arith.select %and3A_1448, %sub3A_1450, %div3A_1429 : i32
      %dma_wait3A_1452 = arith.constant 4 : i32
      %dma_wait3A_1453 = arith.constant 0 : i32
      %dma_wait3A_1454 = arith.constant 0 : i32
      %dma_wait3A_1455 = tpu.memref_slice %arg6[%dma_wait3A_1452, %dma_wait3A_1453, %dma_wait3A_1454] : memref<10x128x64xf32, #tpu.memory_space<vmem>> -> memref<1x128x64xf32, #tpu.memory_space<vmem>>
      %dma_wait3A_1456 = tpu.memref_squeeze %dma_wait3A_1455 : memref<1x128x64xf32, #tpu.memory_space<vmem>> -> memref<128x64xf32, #tpu.memory_space<vmem>>
      %dma_wait3A_1457 = arith.constant 0 : i32
      %dma_wait3A_1458 = arith.constant 0 : i32
      %dma_wait3A_1459 = tpu.memref_slice %arg4[%add3A, %select_n3A_1451, %dma_wait3A_1457, %dma_wait3A_1458] : memref<32x25x128x128xf32, #tpu.memory_space<hbm>> -> memref<1x1x128x64xf32, #tpu.memory_space<hbm>>
      %dma_wait3A_1460 = tpu.memref_squeeze %dma_wait3A_1459 : memref<1x1x128x64xf32, #tpu.memory_space<hbm>> -> memref<128x64xf32, #tpu.memory_space<hbm>>
      %dma_wait3A_1461 = arith.constant 0 : i32
      %dma_wait3A_1462 = arith.constant 0 : i32
      %dma_wait3A_1463 = tpu.memref_slice %arg4[%add3A, %select_n3A_1451, %dma_wait3A_1461, %dma_wait3A_1462] : memref<32x25x128x128xf32, #tpu.memory_space<hbm>> -> memref<1x1x128x64xf32, #tpu.memory_space<hbm>>
      %dma_wait3A_1464 = tpu.memref_squeeze %dma_wait3A_1463 : memref<1x1x128x64xf32, #tpu.memory_space<hbm>> -> memref<128x64xf32, #tpu.memory_space<hbm>>
      %dma_wait3A_1465 = arith.constant 0 : i32
      %dma_wait3A_1466 = arith.constant 0 : i32
      %dma_wait3A_1467 = tpu.memref_slice %arg6[%dma_wait3A_1452, %dma_wait3A_1465, %dma_wait3A_1466] : memref<10x128x64xf32, #tpu.memory_space<vmem>> -> memref<1x128x64xf32, #tpu.memory_space<vmem>>
      %dma_wait3A_1468 = tpu.memref_squeeze %dma_wait3A_1467 : memref<1x128x64xf32, #tpu.memory_space<vmem>> -> memref<128x64xf32, #tpu.memory_space<vmem>>
      tpu.wait_dma2 semaphore(%arg21 : memref<!tpu.dma_semaphore, #tpu.memory_space<semaphore_mem>>) src(%dma_wait3A_1468 : memref<128x64xf32, #tpu.memory_space<vmem>>) dst(%dma_wait3A_1464 : memref<128x64xf32, #tpu.memory_space<hbm>>)
      %add3A_1469 = arith.constant 10 : i32
      %add3A_1470 = arith.addi %mul3A_611, %add3A_1469 : i32
      %add3A_1471 = arith.constant 4 : i32
      %add3A_1472 = arith.addi %add3A_1470, %add3A_1471 : i32
      %dma_start3A_1473 = arith.constant 4 : i32
      %dma_start3A_1474 = arith.constant 0 : i32
      %dma_start3A_1475 = arith.constant 0 : i32
      %dma_start3A_1476 = tpu.memref_slice %arg6[%dma_start3A_1473, %dma_start3A_1474, %dma_start3A_1475] : memref<10x128x64xf32, #tpu.memory_space<vmem>> -> memref<1x128x64xf32, #tpu.memory_space<vmem>>
      %dma_start3A_1477 = tpu.memref_squeeze %dma_start3A_1476 : memref<1x128x64xf32, #tpu.memory_space<vmem>> -> memref<128x64xf32, #tpu.memory_space<vmem>>
      %dma_start3A_1478 = arith.constant 0 : i32
      %dma_start3A_1479 = tpu.memref_slice %arg5[%add3A_1472, %dma_start3A_1478] : memref<50x128xi32, #tpu.memory_space<vmem>> -> memref<1x128xi32, #tpu.memory_space<vmem>>
      %dma_start3A_1480 = tpu.memref_squeeze %dma_start3A_1479 : memref<1x128xi32, #tpu.memory_space<vmem>> -> memref<128xi32, #tpu.memory_space<vmem>>
      %dma_start3A_1481 = arith.constant 0 : i32
      %dma_start3A_1482 = arith.constant 0 : i32
      %dma_start3A_1483 = tpu.memref_slice %arg3[%dma_start3A_1481, %dma_start3A_1482] : memref<100000x64xf32, #tpu.memory_space<hbm>> -> memref<100000x64xf32, #tpu.memory_space<hbm>>
      tpu.enqueue_indirect_dma source(%dma_start3A_1483 : memref<100000x64xf32, #tpu.memory_space<hbm>>) target(%dma_start3A_1477 : memref<128x64xf32, #tpu.memory_space<vmem>>) offsets(%dma_start3A_1480 : memref<128xi32, #tpu.memory_space<vmem>>) semaphore(%arg11 : memref<!tpu.dma_semaphore, #tpu.memory_space<semaphore_mem>>)
      %add3A_1484 = arith.constant 5 : i32
      %add3A_1485 = arith.addi %mul3A_611, %add3A_1484 : i32
      %sub3A_1486 = arith.constant 1 : i32
      %sub3A_1487 = arith.subi %add3A_1485, %sub3A_1486 : i32
      %jit3A_1488 = arith.constant 2 : i32
      %div3A_1489 = arith.divsi %sub3A_1487, %jit3A_1488 : i32
      %sign3A_1490 = arith.constant 0 : i32
      %sign3A_1491 = arith.cmpi sgt, %sub3A_1487, %sign3A_1490 : i32
      %sign3A_1492 = arith.extui %sign3A_1491 : i1 to i32
      %sign3A_1493 = arith.constant 0 : i32
      %sign3A_1494 = arith.cmpi slt, %sub3A_1487, %sign3A_1493 : i32
      %sign3A_1495 = arith.extui %sign3A_1494 : i1 to i32
      %sign3A_1496 = arith.subi %sign3A_1492, %sign3A_1495 : i32
      %sign3A_1497 = arith.constant 0 : i32
      %sign3A_1498 = arith.cmpi sgt, %jit3A_1488, %sign3A_1497 : i32
      %sign3A_1499 = arith.extui %sign3A_1498 : i1 to i32
      %sign3A_1500 = arith.constant 0 : i32
      %sign3A_1501 = arith.cmpi slt, %jit3A_1488, %sign3A_1500 : i32
      %sign3A_1502 = arith.extui %sign3A_1501 : i1 to i32
      %sign3A_1503 = arith.subi %sign3A_1499, %sign3A_1502 : i32
      %ne3A_1504 = arith.cmpi ne, %sign3A_1496, %sign3A_1503 : i32
      %rem3A_1505 = arith.remsi %sub3A_1487, %jit3A_1488 : i32
      %ne3A_1506 = arith.constant 0 : i32
      %ne3A_1507 = arith.cmpi ne, %rem3A_1505, %ne3A_1506 : i32
      %and3A_1508 = arith.andi %ne3A_1504, %ne3A_1507 : i1
      %sub3A_1509 = arith.constant 1 : i32
      %sub3A_1510 = arith.subi %div3A_1489, %sub3A_1509 : i32
      %select_n3A_1511 = arith.select %and3A_1508, %sub3A_1510, %div3A_1489 : i32
      %dma_wait3A_1512 = arith.constant 5 : i32
      %dma_wait3A_1513 = arith.constant 0 : i32
      %dma_wait3A_1514 = arith.constant 0 : i32
      %dma_wait3A_1515 = tpu.memref_slice %arg6[%dma_wait3A_1512, %dma_wait3A_1513, %dma_wait3A_1514] : memref<10x128x64xf32, #tpu.memory_space<vmem>> -> memref<1x128x64xf32, #tpu.memory_space<vmem>>
      %dma_wait3A_1516 = tpu.memref_squeeze %dma_wait3A_1515 : memref<1x128x64xf32, #tpu.memory_space<vmem>> -> memref<128x64xf32, #tpu.memory_space<vmem>>
      %dma_wait3A_1517 = arith.constant 0 : i32
      %dma_wait3A_1518 = arith.constant 64 : i32
      %dma_wait3A_1519 = tpu.memref_slice %arg4[%add3A, %select_n3A_1511, %dma_wait3A_1517, %dma_wait3A_1518] : memref<32x25x128x128xf32, #tpu.memory_space<hbm>> -> memref<1x1x128x64xf32, #tpu.memory_space<hbm>>
      %dma_wait3A_1520 = tpu.memref_squeeze %dma_wait3A_1519 : memref<1x1x128x64xf32, #tpu.memory_space<hbm>> -> memref<128x64xf32, #tpu.memory_space<hbm>>
      %dma_wait3A_1521 = arith.constant 0 : i32
      %dma_wait3A_1522 = arith.constant 64 : i32
      %dma_wait3A_1523 = tpu.memref_slice %arg4[%add3A, %select_n3A_1511, %dma_wait3A_1521, %dma_wait3A_1522] : memref<32x25x128x128xf32, #tpu.memory_space<hbm>> -> memref<1x1x128x64xf32, #tpu.memory_space<hbm>>
      %dma_wait3A_1524 = tpu.memref_squeeze %dma_wait3A_1523 : memref<1x1x128x64xf32, #tpu.memory_space<hbm>> -> memref<128x64xf32, #tpu.memory_space<hbm>>
      %dma_wait3A_1525 = arith.constant 0 : i32
      %dma_wait3A_1526 = arith.constant 0 : i32
      %dma_wait3A_1527 = tpu.memref_slice %arg6[%dma_wait3A_1512, %dma_wait3A_1525, %dma_wait3A_1526] : memref<10x128x64xf32, #tpu.memory_space<vmem>> -> memref<1x128x64xf32, #tpu.memory_space<vmem>>
      %dma_wait3A_1528 = tpu.memref_squeeze %dma_wait3A_1527 : memref<1x128x64xf32, #tpu.memory_space<vmem>> -> memref<128x64xf32, #tpu.memory_space<vmem>>
      tpu.wait_dma2 semaphore(%arg22 : memref<!tpu.dma_semaphore, #tpu.memory_space<semaphore_mem>>) src(%dma_wait3A_1528 : memref<128x64xf32, #tpu.memory_space<vmem>>) dst(%dma_wait3A_1524 : memref<128x64xf32, #tpu.memory_space<hbm>>)
      %add3A_1529 = arith.constant 10 : i32
      %add3A_1530 = arith.addi %mul3A_611, %add3A_1529 : i32
      %add3A_1531 = arith.constant 5 : i32
      %add3A_1532 = arith.addi %add3A_1530, %add3A_1531 : i32
      %dma_start3A_1533 = arith.constant 5 : i32
      %dma_start3A_1534 = arith.constant 0 : i32
      %dma_start3A_1535 = arith.constant 0 : i32
      %dma_start3A_1536 = tpu.memref_slice %arg6[%dma_start3A_1533, %dma_start3A_1534, %dma_start3A_1535] : memref<10x128x64xf32, #tpu.memory_space<vmem>> -> memref<1x128x64xf32, #tpu.memory_space<vmem>>
      %dma_start3A_1537 = tpu.memref_squeeze %dma_start3A_1536 : memref<1x128x64xf32, #tpu.memory_space<vmem>> -> memref<128x64xf32, #tpu.memory_space<vmem>>
      %dma_start3A_1538 = arith.constant 0 : i32
      %dma_start3A_1539 = tpu.memref_slice %arg5[%add3A_1532, %dma_start3A_1538] : memref<50x128xi32, #tpu.memory_space<vmem>> -> memref<1x128xi32, #tpu.memory_space<vmem>>
      %dma_start3A_1540 = tpu.memref_squeeze %dma_start3A_1539 : memref<1x128xi32, #tpu.memory_space<vmem>> -> memref<128xi32, #tpu.memory_space<vmem>>
      %dma_start3A_1541 = arith.constant 0 : i32
      %dma_start3A_1542 = arith.constant 0 : i32
      %dma_start3A_1543 = tpu.memref_slice %arg3[%dma_start3A_1541, %dma_start3A_1542] : memref<100000x64xf32, #tpu.memory_space<hbm>> -> memref<100000x64xf32, #tpu.memory_space<hbm>>
      tpu.enqueue_indirect_dma source(%dma_start3A_1543 : memref<100000x64xf32, #tpu.memory_space<hbm>>) target(%dma_start3A_1537 : memref<128x64xf32, #tpu.memory_space<vmem>>) offsets(%dma_start3A_1540 : memref<128xi32, #tpu.memory_space<vmem>>) semaphore(%arg12 : memref<!tpu.dma_semaphore, #tpu.memory_space<semaphore_mem>>)
      %add3A_1544 = arith.constant 6 : i32
      %add3A_1545 = arith.addi %mul3A_611, %add3A_1544 : i32
      %sub3A_1546 = arith.constant 0 : i32
      %sub3A_1547 = arith.subi %add3A_1545, %sub3A_1546 : i32
      %jit3A_1548 = arith.constant 2 : i32
      %div3A_1549 = arith.divsi %sub3A_1547, %jit3A_1548 : i32
      %sign3A_1550 = arith.constant 0 : i32
      %sign3A_1551 = arith.cmpi sgt, %sub3A_1547, %sign3A_1550 : i32
      %sign3A_1552 = arith.extui %sign3A_1551 : i1 to i32
      %sign3A_1553 = arith.constant 0 : i32
      %sign3A_1554 = arith.cmpi slt, %sub3A_1547, %sign3A_1553 : i32
      %sign3A_1555 = arith.extui %sign3A_1554 : i1 to i32
      %sign3A_1556 = arith.subi %sign3A_1552, %sign3A_1555 : i32
      %sign3A_1557 = arith.constant 0 : i32
      %sign3A_1558 = arith.cmpi sgt, %jit3A_1548, %sign3A_1557 : i32
      %sign3A_1559 = arith.extui %sign3A_1558 : i1 to i32
      %sign3A_1560 = arith.constant 0 : i32
      %sign3A_1561 = arith.cmpi slt, %jit3A_1548, %sign3A_1560 : i32
      %sign3A_1562 = arith.extui %sign3A_1561 : i1 to i32
      %sign3A_1563 = arith.subi %sign3A_1559, %sign3A_1562 : i32
      %ne3A_1564 = arith.cmpi ne, %sign3A_1556, %sign3A_1563 : i32
      %rem3A_1565 = arith.remsi %sub3A_1547, %jit3A_1548 : i32
      %ne3A_1566 = arith.constant 0 : i32
      %ne3A_1567 = arith.cmpi ne, %rem3A_1565, %ne3A_1566 : i32
      %and3A_1568 = arith.andi %ne3A_1564, %ne3A_1567 : i1
      %sub3A_1569 = arith.constant 1 : i32
      %sub3A_1570 = arith.subi %div3A_1549, %sub3A_1569 : i32
      %select_n3A_1571 = arith.select %and3A_1568, %sub3A_1570, %div3A_1549 : i32
      %dma_wait3A_1572 = arith.constant 6 : i32
      %dma_wait3A_1573 = arith.constant 0 : i32
      %dma_wait3A_1574 = arith.constant 0 : i32
      %dma_wait3A_1575 = tpu.memref_slice %arg6[%dma_wait3A_1572, %dma_wait3A_1573, %dma_wait3A_1574] : memref<10x128x64xf32, #tpu.memory_space<vmem>> -> memref<1x128x64xf32, #tpu.memory_space<vmem>>
      %dma_wait3A_1576 = tpu.memref_squeeze %dma_wait3A_1575 : memref<1x128x64xf32, #tpu.memory_space<vmem>> -> memref<128x64xf32, #tpu.memory_space<vmem>>
      %dma_wait3A_1577 = arith.constant 0 : i32
      %dma_wait3A_1578 = arith.constant 0 : i32
      %dma_wait3A_1579 = tpu.memref_slice %arg4[%add3A, %select_n3A_1571, %dma_wait3A_1577, %dma_wait3A_1578] : memref<32x25x128x128xf32, #tpu.memory_space<hbm>> -> memref<1x1x128x64xf32, #tpu.memory_space<hbm>>
      %dma_wait3A_1580 = tpu.memref_squeeze %dma_wait3A_1579 : memref<1x1x128x64xf32, #tpu.memory_space<hbm>> -> memref<128x64xf32, #tpu.memory_space<hbm>>
      %dma_wait3A_1581 = arith.constant 0 : i32
      %dma_wait3A_1582 = arith.constant 0 : i32
      %dma_wait3A_1583 = tpu.memref_slice %arg4[%add3A, %select_n3A_1571, %dma_wait3A_1581, %dma_wait3A_1582] : memref<32x25x128x128xf32, #tpu.memory_space<hbm>> -> memref<1x1x128x64xf32, #tpu.memory_space<hbm>>
      %dma_wait3A_1584 = tpu.memref_squeeze %dma_wait3A_1583 : memref<1x1x128x64xf32, #tpu.memory_space<hbm>> -> memref<128x64xf32, #tpu.memory_space<hbm>>
      %dma_wait3A_1585 = arith.constant 0 : i32
      %dma_wait3A_1586 = arith.constant 0 : i32
      %dma_wait3A_1587 = tpu.memref_slice %arg6[%dma_wait3A_1572, %dma_wait3A_1585, %dma_wait3A_1586] : memref<10x128x64xf32, #tpu.memory_space<vmem>> -> memref<1x128x64xf32, #tpu.memory_space<vmem>>
      %dma_wait3A_1588 = tpu.memref_squeeze %dma_wait3A_1587 : memref<1x128x64xf32, #tpu.memory_space<vmem>> -> memref<128x64xf32, #tpu.memory_space<vmem>>
      tpu.wait_dma2 semaphore(%arg23 : memref<!tpu.dma_semaphore, #tpu.memory_space<semaphore_mem>>) src(%dma_wait3A_1588 : memref<128x64xf32, #tpu.memory_space<vmem>>) dst(%dma_wait3A_1584 : memref<128x64xf32, #tpu.memory_space<hbm>>)
      %add3A_1589 = arith.constant 10 : i32
      %add3A_1590 = arith.addi %mul3A_611, %add3A_1589 : i32
      %add3A_1591 = arith.constant 6 : i32
      %add3A_1592 = arith.addi %add3A_1590, %add3A_1591 : i32
      %dma_start3A_1593 = arith.constant 6 : i32
      %dma_start3A_1594 = arith.constant 0 : i32
      %dma_start3A_1595 = arith.constant 0 : i32
      %dma_start3A_1596 = tpu.memref_slice %arg6[%dma_start3A_1593, %dma_start3A_1594, %dma_start3A_1595] : memref<10x128x64xf32, #tpu.memory_space<vmem>> -> memref<1x128x64xf32, #tpu.memory_space<vmem>>
      %dma_start3A_1597 = tpu.memref_squeeze %dma_start3A_1596 : memref<1x128x64xf32, #tpu.memory_space<vmem>> -> memref<128x64xf32, #tpu.memory_space<vmem>>
      %dma_start3A_1598 = arith.constant 0 : i32
      %dma_start3A_1599 = tpu.memref_slice %arg5[%add3A_1592, %dma_start3A_1598] : memref<50x128xi32, #tpu.memory_space<vmem>> -> memref<1x128xi32, #tpu.memory_space<vmem>>
      %dma_start3A_1600 = tpu.memref_squeeze %dma_start3A_1599 : memref<1x128xi32, #tpu.memory_space<vmem>> -> memref<128xi32, #tpu.memory_space<vmem>>
      %dma_start3A_1601 = arith.constant 0 : i32
      %dma_start3A_1602 = arith.constant 0 : i32
      %dma_start3A_1603 = tpu.memref_slice %arg3[%dma_start3A_1601, %dma_start3A_1602] : memref<100000x64xf32, #tpu.memory_space<hbm>> -> memref<100000x64xf32, #tpu.memory_space<hbm>>
      tpu.enqueue_indirect_dma source(%dma_start3A_1603 : memref<100000x64xf32, #tpu.memory_space<hbm>>) target(%dma_start3A_1597 : memref<128x64xf32, #tpu.memory_space<vmem>>) offsets(%dma_start3A_1600 : memref<128xi32, #tpu.memory_space<vmem>>) semaphore(%arg13 : memref<!tpu.dma_semaphore, #tpu.memory_space<semaphore_mem>>)
      %add3A_1604 = arith.constant 7 : i32
      %add3A_1605 = arith.addi %mul3A_611, %add3A_1604 : i32
      %sub3A_1606 = arith.constant 1 : i32
      %sub3A_1607 = arith.subi %add3A_1605, %sub3A_1606 : i32
      %jit3A_1608 = arith.constant 2 : i32
      %div3A_1609 = arith.divsi %sub3A_1607, %jit3A_1608 : i32
      %sign3A_1610 = arith.constant 0 : i32
      %sign3A_1611 = arith.cmpi sgt, %sub3A_1607, %sign3A_1610 : i32
      %sign3A_1612 = arith.extui %sign3A_1611 : i1 to i32
      %sign3A_1613 = arith.constant 0 : i32
      %sign3A_1614 = arith.cmpi slt, %sub3A_1607, %sign3A_1613 : i32
      %sign3A_1615 = arith.extui %sign3A_1614 : i1 to i32
      %sign3A_1616 = arith.subi %sign3A_1612, %sign3A_1615 : i32
      %sign3A_1617 = arith.constant 0 : i32
      %sign3A_1618 = arith.cmpi sgt, %jit3A_1608, %sign3A_1617 : i32
      %sign3A_1619 = arith.extui %sign3A_1618 : i1 to i32
      %sign3A_1620 = arith.constant 0 : i32
      %sign3A_1621 = arith.cmpi slt, %jit3A_1608, %sign3A_1620 : i32
      %sign3A_1622 = arith.extui %sign3A_1621 : i1 to i32
      %sign3A_1623 = arith.subi %sign3A_1619, %sign3A_1622 : i32
      %ne3A_1624 = arith.cmpi ne, %sign3A_1616, %sign3A_1623 : i32
      %rem3A_1625 = arith.remsi %sub3A_1607, %jit3A_1608 : i32
      %ne3A_1626 = arith.constant 0 : i32
      %ne3A_1627 = arith.cmpi ne, %rem3A_1625, %ne3A_1626 : i32
      %and3A_1628 = arith.andi %ne3A_1624, %ne3A_1627 : i1
      %sub3A_1629 = arith.constant 1 : i32
      %sub3A_1630 = arith.subi %div3A_1609, %sub3A_1629 : i32
      %select_n3A_1631 = arith.select %and3A_1628, %sub3A_1630, %div3A_1609 : i32
      %dma_wait3A_1632 = arith.constant 7 : i32
      %dma_wait3A_1633 = arith.constant 0 : i32
      %dma_wait3A_1634 = arith.constant 0 : i32
      %dma_wait3A_1635 = tpu.memref_slice %arg6[%dma_wait3A_1632, %dma_wait3A_1633, %dma_wait3A_1634] : memref<10x128x64xf32, #tpu.memory_space<vmem>> -> memref<1x128x64xf32, #tpu.memory_space<vmem>>
      %dma_wait3A_1636 = tpu.memref_squeeze %dma_wait3A_1635 : memref<1x128x64xf32, #tpu.memory_space<vmem>> -> memref<128x64xf32, #tpu.memory_space<vmem>>
      %dma_wait3A_1637 = arith.constant 0 : i32
      %dma_wait3A_1638 = arith.constant 64 : i32
      %dma_wait3A_1639 = tpu.memref_slice %arg4[%add3A, %select_n3A_1631, %dma_wait3A_1637, %dma_wait3A_1638] : memref<32x25x128x128xf32, #tpu.memory_space<hbm>> -> memref<1x1x128x64xf32, #tpu.memory_space<hbm>>
      %dma_wait3A_1640 = tpu.memref_squeeze %dma_wait3A_1639 : memref<1x1x128x64xf32, #tpu.memory_space<hbm>> -> memref<128x64xf32, #tpu.memory_space<hbm>>
      %dma_wait3A_1641 = arith.constant 0 : i32
      %dma_wait3A_1642 = arith.constant 64 : i32
      %dma_wait3A_1643 = tpu.memref_slice %arg4[%add3A, %select_n3A_1631, %dma_wait3A_1641, %dma_wait3A_1642] : memref<32x25x128x128xf32, #tpu.memory_space<hbm>> -> memref<1x1x128x64xf32, #tpu.memory_space<hbm>>
      %dma_wait3A_1644 = tpu.memref_squeeze %dma_wait3A_1643 : memref<1x1x128x64xf32, #tpu.memory_space<hbm>> -> memref<128x64xf32, #tpu.memory_space<hbm>>
      %dma_wait3A_1645 = arith.constant 0 : i32
      %dma_wait3A_1646 = arith.constant 0 : i32
      %dma_wait3A_1647 = tpu.memref_slice %arg6[%dma_wait3A_1632, %dma_wait3A_1645, %dma_wait3A_1646] : memref<10x128x64xf32, #tpu.memory_space<vmem>> -> memref<1x128x64xf32, #tpu.memory_space<vmem>>
      %dma_wait3A_1648 = tpu.memref_squeeze %dma_wait3A_1647 : memref<1x128x64xf32, #tpu.memory_space<vmem>> -> memref<128x64xf32, #tpu.memory_space<vmem>>
      tpu.wait_dma2 semaphore(%arg24 : memref<!tpu.dma_semaphore, #tpu.memory_space<semaphore_mem>>) src(%dma_wait3A_1648 : memref<128x64xf32, #tpu.memory_space<vmem>>) dst(%dma_wait3A_1644 : memref<128x64xf32, #tpu.memory_space<hbm>>)
      %add3A_1649 = arith.constant 10 : i32
      %add3A_1650 = arith.addi %mul3A_611, %add3A_1649 : i32
      %add3A_1651 = arith.constant 7 : i32
      %add3A_1652 = arith.addi %add3A_1650, %add3A_1651 : i32
      %dma_start3A_1653 = arith.constant 7 : i32
      %dma_start3A_1654 = arith.constant 0 : i32
      %dma_start3A_1655 = arith.constant 0 : i32
      %dma_start3A_1656 = tpu.memref_slice %arg6[%dma_start3A_1653, %dma_start3A_1654, %dma_start3A_1655] : memref<10x128x64xf32, #tpu.memory_space<vmem>> -> memref<1x128x64xf32, #tpu.memory_space<vmem>>
      %dma_start3A_1657 = tpu.memref_squeeze %dma_start3A_1656 : memref<1x128x64xf32, #tpu.memory_space<vmem>> -> memref<128x64xf32, #tpu.memory_space<vmem>>
      %dma_start3A_1658 = arith.constant 0 : i32
      %dma_start3A_1659 = tpu.memref_slice %arg5[%add3A_1652, %dma_start3A_1658] : memref<50x128xi32, #tpu.memory_space<vmem>> -> memref<1x128xi32, #tpu.memory_space<vmem>>
      %dma_start3A_1660 = tpu.memref_squeeze %dma_start3A_1659 : memref<1x128xi32, #tpu.memory_space<vmem>> -> memref<128xi32, #tpu.memory_space<vmem>>
      %dma_start3A_1661 = arith.constant 0 : i32
      %dma_start3A_1662 = arith.constant 0 : i32
      %dma_start3A_1663 = tpu.memref_slice %arg3[%dma_start3A_1661, %dma_start3A_1662] : memref<100000x64xf32, #tpu.memory_space<hbm>> -> memref<100000x64xf32, #tpu.memory_space<hbm>>
      tpu.enqueue_indirect_dma source(%dma_start3A_1663 : memref<100000x64xf32, #tpu.memory_space<hbm>>) target(%dma_start3A_1657 : memref<128x64xf32, #tpu.memory_space<vmem>>) offsets(%dma_start3A_1660 : memref<128xi32, #tpu.memory_space<vmem>>) semaphore(%arg14 : memref<!tpu.dma_semaphore, #tpu.memory_space<semaphore_mem>>)
      %add3A_1664 = arith.constant 8 : i32
      %add3A_1665 = arith.addi %mul3A_611, %add3A_1664 : i32
      %sub3A_1666 = arith.constant 0 : i32
      %sub3A_1667 = arith.subi %add3A_1665, %sub3A_1666 : i32
      %jit3A_1668 = arith.constant 2 : i32
      %div3A_1669 = arith.divsi %sub3A_1667, %jit3A_1668 : i32
      %sign3A_1670 = arith.constant 0 : i32
      %sign3A_1671 = arith.cmpi sgt, %sub3A_1667, %sign3A_1670 : i32
      %sign3A_1672 = arith.extui %sign3A_1671 : i1 to i32
      %sign3A_1673 = arith.constant 0 : i32
      %sign3A_1674 = arith.cmpi slt, %sub3A_1667, %sign3A_1673 : i32
      %sign3A_1675 = arith.extui %sign3A_1674 : i1 to i32
      %sign3A_1676 = arith.subi %sign3A_1672, %sign3A_1675 : i32
      %sign3A_1677 = arith.constant 0 : i32
      %sign3A_1678 = arith.cmpi sgt, %jit3A_1668, %sign3A_1677 : i32
      %sign3A_1679 = arith.extui %sign3A_1678 : i1 to i32
      %sign3A_1680 = arith.constant 0 : i32
      %sign3A_1681 = arith.cmpi slt, %jit3A_1668, %sign3A_1680 : i32
      %sign3A_1682 = arith.extui %sign3A_1681 : i1 to i32
      %sign3A_1683 = arith.subi %sign3A_1679, %sign3A_1682 : i32
      %ne3A_1684 = arith.cmpi ne, %sign3A_1676, %sign3A_1683 : i32
      %rem3A_1685 = arith.remsi %sub3A_1667, %jit3A_1668 : i32
      %ne3A_1686 = arith.constant 0 : i32
      %ne3A_1687 = arith.cmpi ne, %rem3A_1685, %ne3A_1686 : i32
      %and3A_1688 = arith.andi %ne3A_1684, %ne3A_1687 : i1
      %sub3A_1689 = arith.constant 1 : i32
      %sub3A_1690 = arith.subi %div3A_1669, %sub3A_1689 : i32
      %select_n3A_1691 = arith.select %and3A_1688, %sub3A_1690, %div3A_1669 : i32
      %dma_wait3A_1692 = arith.constant 8 : i32
      %dma_wait3A_1693 = arith.constant 0 : i32
      %dma_wait3A_1694 = arith.constant 0 : i32
      %dma_wait3A_1695 = tpu.memref_slice %arg6[%dma_wait3A_1692, %dma_wait3A_1693, %dma_wait3A_1694] : memref<10x128x64xf32, #tpu.memory_space<vmem>> -> memref<1x128x64xf32, #tpu.memory_space<vmem>>
      %dma_wait3A_1696 = tpu.memref_squeeze %dma_wait3A_1695 : memref<1x128x64xf32, #tpu.memory_space<vmem>> -> memref<128x64xf32, #tpu.memory_space<vmem>>
      %dma_wait3A_1697 = arith.constant 0 : i32
      %dma_wait3A_1698 = arith.constant 0 : i32
      %dma_wait3A_1699 = tpu.memref_slice %arg4[%add3A, %select_n3A_1691, %dma_wait3A_1697, %dma_wait3A_1698] : memref<32x25x128x128xf32, #tpu.memory_space<hbm>> -> memref<1x1x128x64xf32, #tpu.memory_space<hbm>>
      %dma_wait3A_1700 = tpu.memref_squeeze %dma_wait3A_1699 : memref<1x1x128x64xf32, #tpu.memory_space<hbm>> -> memref<128x64xf32, #tpu.memory_space<hbm>>
      %dma_wait3A_1701 = arith.constant 0 : i32
      %dma_wait3A_1702 = arith.constant 0 : i32
      %dma_wait3A_1703 = tpu.memref_slice %arg4[%add3A, %select_n3A_1691, %dma_wait3A_1701, %dma_wait3A_1702] : memref<32x25x128x128xf32, #tpu.memory_space<hbm>> -> memref<1x1x128x64xf32, #tpu.memory_space<hbm>>
      %dma_wait3A_1704 = tpu.memref_squeeze %dma_wait3A_1703 : memref<1x1x128x64xf32, #tpu.memory_space<hbm>> -> memref<128x64xf32, #tpu.memory_space<hbm>>
      %dma_wait3A_1705 = arith.constant 0 : i32
      %dma_wait3A_1706 = arith.constant 0 : i32
      %dma_wait3A_1707 = tpu.memref_slice %arg6[%dma_wait3A_1692, %dma_wait3A_1705, %dma_wait3A_1706] : memref<10x128x64xf32, #tpu.memory_space<vmem>> -> memref<1x128x64xf32, #tpu.memory_space<vmem>>
      %dma_wait3A_1708 = tpu.memref_squeeze %dma_wait3A_1707 : memref<1x128x64xf32, #tpu.memory_space<vmem>> -> memref<128x64xf32, #tpu.memory_space<vmem>>
      tpu.wait_dma2 semaphore(%arg25 : memref<!tpu.dma_semaphore, #tpu.memory_space<semaphore_mem>>) src(%dma_wait3A_1708 : memref<128x64xf32, #tpu.memory_space<vmem>>) dst(%dma_wait3A_1704 : memref<128x64xf32, #tpu.memory_space<hbm>>)
      %add3A_1709 = arith.constant 10 : i32
      %add3A_1710 = arith.addi %mul3A_611, %add3A_1709 : i32
      %add3A_1711 = arith.constant 8 : i32
      %add3A_1712 = arith.addi %add3A_1710, %add3A_1711 : i32
      %dma_start3A_1713 = arith.constant 8 : i32
      %dma_start3A_1714 = arith.constant 0 : i32
      %dma_start3A_1715 = arith.constant 0 : i32
      %dma_start3A_1716 = tpu.memref_slice %arg6[%dma_start3A_1713, %dma_start3A_1714, %dma_start3A_1715] : memref<10x128x64xf32, #tpu.memory_space<vmem>> -> memref<1x128x64xf32, #tpu.memory_space<vmem>>
      %dma_start3A_1717 = tpu.memref_squeeze %dma_start3A_1716 : memref<1x128x64xf32, #tpu.memory_space<vmem>> -> memref<128x64xf32, #tpu.memory_space<vmem>>
      %dma_start3A_1718 = arith.constant 0 : i32
      %dma_start3A_1719 = tpu.memref_slice %arg5[%add3A_1712, %dma_start3A_1718] : memref<50x128xi32, #tpu.memory_space<vmem>> -> memref<1x128xi32, #tpu.memory_space<vmem>>
      %dma_start3A_1720 = tpu.memref_squeeze %dma_start3A_1719 : memref<1x128xi32, #tpu.memory_space<vmem>> -> memref<128xi32, #tpu.memory_space<vmem>>
      %dma_start3A_1721 = arith.constant 0 : i32
      %dma_start3A_1722 = arith.constant 0 : i32
      %dma_start3A_1723 = tpu.memref_slice %arg3[%dma_start3A_1721, %dma_start3A_1722] : memref<100000x64xf32, #tpu.memory_space<hbm>> -> memref<100000x64xf32, #tpu.memory_space<hbm>>
      tpu.enqueue_indirect_dma source(%dma_start3A_1723 : memref<100000x64xf32, #tpu.memory_space<hbm>>) target(%dma_start3A_1717 : memref<128x64xf32, #tpu.memory_space<vmem>>) offsets(%dma_start3A_1720 : memref<128xi32, #tpu.memory_space<vmem>>) semaphore(%arg15 : memref<!tpu.dma_semaphore, #tpu.memory_space<semaphore_mem>>)
      %add3A_1724 = arith.constant 9 : i32
      %add3A_1725 = arith.addi %mul3A_611, %add3A_1724 : i32
      %sub3A_1726 = arith.constant 1 : i32
      %sub3A_1727 = arith.subi %add3A_1725, %sub3A_1726 : i32
      %jit3A_1728 = arith.constant 2 : i32
      %div3A_1729 = arith.divsi %sub3A_1727, %jit3A_1728 : i32
      %sign3A_1730 = arith.constant 0 : i32
      %sign3A_1731 = arith.cmpi sgt, %sub3A_1727, %sign3A_1730 : i32
      %sign3A_1732 = arith.extui %sign3A_1731 : i1 to i32
      %sign3A_1733 = arith.constant 0 : i32
      %sign3A_1734 = arith.cmpi slt, %sub3A_1727, %sign3A_1733 : i32
      %sign3A_1735 = arith.extui %sign3A_1734 : i1 to i32
      %sign3A_1736 = arith.subi %sign3A_1732, %sign3A_1735 : i32
      %sign3A_1737 = arith.constant 0 : i32
      %sign3A_1738 = arith.cmpi sgt, %jit3A_1728, %sign3A_1737 : i32
      %sign3A_1739 = arith.extui %sign3A_1738 : i1 to i32
      %sign3A_1740 = arith.constant 0 : i32
      %sign3A_1741 = arith.cmpi slt, %jit3A_1728, %sign3A_1740 : i32
      %sign3A_1742 = arith.extui %sign3A_1741 : i1 to i32
      %sign3A_1743 = arith.subi %sign3A_1739, %sign3A_1742 : i32
      %ne3A_1744 = arith.cmpi ne, %sign3A_1736, %sign3A_1743 : i32
      %rem3A_1745 = arith.remsi %sub3A_1727, %jit3A_1728 : i32
      %ne3A_1746 = arith.constant 0 : i32
      %ne3A_1747 = arith.cmpi ne, %rem3A_1745, %ne3A_1746 : i32
      %and3A_1748 = arith.andi %ne3A_1744, %ne3A_1747 : i1
      %sub3A_1749 = arith.constant 1 : i32
      %sub3A_1750 = arith.subi %div3A_1729, %sub3A_1749 : i32
      %select_n3A_1751 = arith.select %and3A_1748, %sub3A_1750, %div3A_1729 : i32
      %dma_wait3A_1752 = arith.constant 9 : i32
      %dma_wait3A_1753 = arith.constant 0 : i32
      %dma_wait3A_1754 = arith.constant 0 : i32
      %dma_wait3A_1755 = tpu.memref_slice %arg6[%dma_wait3A_1752, %dma_wait3A_1753, %dma_wait3A_1754] : memref<10x128x64xf32, #tpu.memory_space<vmem>> -> memref<1x128x64xf32, #tpu.memory_space<vmem>>
      %dma_wait3A_1756 = tpu.memref_squeeze %dma_wait3A_1755 : memref<1x128x64xf32, #tpu.memory_space<vmem>> -> memref<128x64xf32, #tpu.memory_space<vmem>>
      %dma_wait3A_1757 = arith.constant 0 : i32
      %dma_wait3A_1758 = arith.constant 64 : i32
      %dma_wait3A_1759 = tpu.memref_slice %arg4[%add3A, %select_n3A_1751, %dma_wait3A_1757, %dma_wait3A_1758] : memref<32x25x128x128xf32, #tpu.memory_space<hbm>> -> memref<1x1x128x64xf32, #tpu.memory_space<hbm>>
      %dma_wait3A_1760 = tpu.memref_squeeze %dma_wait3A_1759 : memref<1x1x128x64xf32, #tpu.memory_space<hbm>> -> memref<128x64xf32, #tpu.memory_space<hbm>>
      %dma_wait3A_1761 = arith.constant 0 : i32
      %dma_wait3A_1762 = arith.constant 64 : i32
      %dma_wait3A_1763 = tpu.memref_slice %arg4[%add3A, %select_n3A_1751, %dma_wait3A_1761, %dma_wait3A_1762] : memref<32x25x128x128xf32, #tpu.memory_space<hbm>> -> memref<1x1x128x64xf32, #tpu.memory_space<hbm>>
      %dma_wait3A_1764 = tpu.memref_squeeze %dma_wait3A_1763 : memref<1x1x128x64xf32, #tpu.memory_space<hbm>> -> memref<128x64xf32, #tpu.memory_space<hbm>>
      %dma_wait3A_1765 = arith.constant 0 : i32
      %dma_wait3A_1766 = arith.constant 0 : i32
      %dma_wait3A_1767 = tpu.memref_slice %arg6[%dma_wait3A_1752, %dma_wait3A_1765, %dma_wait3A_1766] : memref<10x128x64xf32, #tpu.memory_space<vmem>> -> memref<1x128x64xf32, #tpu.memory_space<vmem>>
      %dma_wait3A_1768 = tpu.memref_squeeze %dma_wait3A_1767 : memref<1x128x64xf32, #tpu.memory_space<vmem>> -> memref<128x64xf32, #tpu.memory_space<vmem>>
      tpu.wait_dma2 semaphore(%arg26 : memref<!tpu.dma_semaphore, #tpu.memory_space<semaphore_mem>>) src(%dma_wait3A_1768 : memref<128x64xf32, #tpu.memory_space<vmem>>) dst(%dma_wait3A_1764 : memref<128x64xf32, #tpu.memory_space<hbm>>)
      %add3A_1769 = arith.constant 10 : i32
      %add3A_1770 = arith.addi %mul3A_611, %add3A_1769 : i32
      %add3A_1771 = arith.constant 9 : i32
      %add3A_1772 = arith.addi %add3A_1770, %add3A_1771 : i32
      %dma_start3A_1773 = arith.constant 9 : i32
      %dma_start3A_1774 = arith.constant 0 : i32
      %dma_start3A_1775 = arith.constant 0 : i32
      %dma_start3A_1776 = tpu.memref_slice %arg6[%dma_start3A_1773, %dma_start3A_1774, %dma_start3A_1775] : memref<10x128x64xf32, #tpu.memory_space<vmem>> -> memref<1x128x64xf32, #tpu.memory_space<vmem>>
      %dma_start3A_1777 = tpu.memref_squeeze %dma_start3A_1776 : memref<1x128x64xf32, #tpu.memory_space<vmem>> -> memref<128x64xf32, #tpu.memory_space<vmem>>
      %dma_start3A_1778 = arith.constant 0 : i32
      %dma_start3A_1779 = tpu.memref_slice %arg5[%add3A_1772, %dma_start3A_1778] : memref<50x128xi32, #tpu.memory_space<vmem>> -> memref<1x128xi32, #tpu.memory_space<vmem>>
      %dma_start3A_1780 = tpu.memref_squeeze %dma_start3A_1779 : memref<1x128xi32, #tpu.memory_space<vmem>> -> memref<128xi32, #tpu.memory_space<vmem>>
      %dma_start3A_1781 = arith.constant 0 : i32
      %dma_start3A_1782 = arith.constant 0 : i32
      %dma_start3A_1783 = tpu.memref_slice %arg3[%dma_start3A_1781, %dma_start3A_1782] : memref<100000x64xf32, #tpu.memory_space<hbm>> -> memref<100000x64xf32, #tpu.memory_space<hbm>>
      tpu.enqueue_indirect_dma source(%dma_start3A_1783 : memref<100000x64xf32, #tpu.memory_space<hbm>>) target(%dma_start3A_1777 : memref<128x64xf32, #tpu.memory_space<vmem>>) offsets(%dma_start3A_1780 : memref<128xi32, #tpu.memory_space<vmem>>) semaphore(%arg16 : memref<!tpu.dma_semaphore, #tpu.memory_space<semaphore_mem>>)
    }
    %scan3A_125 = arith.constant 4 : i32
    %dma_wait3A = arith.constant 40 : i32
    %dma_wait3A_126 = arith.constant 0 : i32
    %dma_wait3A_127 = arith.constant 0 : i32
    %dma_wait3A_128 = arith.constant 0 : i32
    %dma_wait3A_129 = tpu.memref_slice %arg6[%dma_wait3A_126, %dma_wait3A_127, %dma_wait3A_128] : memref<10x128x64xf32, #tpu.memory_space<vmem>> -> memref<1x128x64xf32, #tpu.memory_space<vmem>>
    %dma_wait3A_130 = tpu.memref_squeeze %dma_wait3A_129 : memref<1x128x64xf32, #tpu.memory_space<vmem>> -> memref<128x64xf32, #tpu.memory_space<vmem>>
    %dma_wait3A_131 = arith.constant 0 : i32
    %dma_wait3A_132 = tpu.memref_slice %arg5[%dma_wait3A, %dma_wait3A_131] : memref<50x128xi32, #tpu.memory_space<vmem>> -> memref<1x128xi32, #tpu.memory_space<vmem>>
    %dma_wait3A_133 = tpu.memref_squeeze %dma_wait3A_132 : memref<1x128xi32, #tpu.memory_space<vmem>> -> memref<128xi32, #tpu.memory_space<vmem>>
    %dma_wait3A_134 = arith.constant 0 : i32
    %dma_wait3A_135 = arith.constant 0 : i32
    %dma_wait3A_136 = tpu.memref_slice %arg3[%dma_wait3A_134, %dma_wait3A_135] : memref<100000x64xf32, #tpu.memory_space<hbm>> -> memref<100000x64xf32, #tpu.memory_space<hbm>>
    tpu.wait_indirect_dma semaphore(%arg7 : memref<!tpu.dma_semaphore, #tpu.memory_space<semaphore_mem>>) src(%dma_wait3A_136 : memref<100000x64xf32, #tpu.memory_space<hbm>>) dst(%dma_wait3A_130 : memref<128x64xf32, #tpu.memory_space<vmem>>)
    %dma_start3A_137 = arith.constant 0 : i32
    %dma_start3A_138 = arith.constant 20 : i32
    %dma_start3A_139 = arith.constant 0 : i32
    %dma_start3A_140 = arith.constant 0 : i32
    %dma_start3A_141 = tpu.memref_slice %arg6[%dma_start3A_137, %dma_start3A_139, %dma_start3A_140] : memref<10x128x64xf32, #tpu.memory_space<vmem>> -> memref<1x128x64xf32, #tpu.memory_space<vmem>>
    %dma_start3A_142 = tpu.memref_squeeze %dma_start3A_141 : memref<1x128x64xf32, #tpu.memory_space<vmem>> -> memref<128x64xf32, #tpu.memory_space<vmem>>
    %dma_start3A_143 = arith.constant 0 : i32
    %dma_start3A_144 = arith.constant 0 : i32
    %dma_start3A_145 = tpu.memref_slice %arg4[%add3A, %dma_start3A_138, %dma_start3A_143, %dma_start3A_144] : memref<32x25x128x128xf32, #tpu.memory_space<hbm>> -> memref<1x1x128x64xf32, #tpu.memory_space<hbm>>
    %dma_start3A_146 = tpu.memref_squeeze %dma_start3A_145 : memref<1x1x128x64xf32, #tpu.memory_space<hbm>> -> memref<128x64xf32, #tpu.memory_space<hbm>>
    %dma_start3A_147 = arith.constant 0 : i32
    %dma_start3A_148 = arith.constant 0 : i32
    %dma_start3A_149 = tpu.memref_slice %arg4[%add3A, %dma_start3A_138, %dma_start3A_147, %dma_start3A_148] : memref<32x25x128x128xf32, #tpu.memory_space<hbm>> -> memref<1x1x128x64xf32, #tpu.memory_space<hbm>>
    %dma_start3A_150 = tpu.memref_squeeze %dma_start3A_149 : memref<1x1x128x64xf32, #tpu.memory_space<hbm>> -> memref<128x64xf32, #tpu.memory_space<hbm>>
    %dma_start3A_151 = arith.constant 0 : i32
    %dma_start3A_152 = arith.constant 0 : i32
    %dma_start3A_153 = tpu.memref_slice %arg6[%dma_start3A_137, %dma_start3A_151, %dma_start3A_152] : memref<10x128x64xf32, #tpu.memory_space<vmem>> -> memref<1x128x64xf32, #tpu.memory_space<vmem>>
    %dma_start3A_154 = tpu.memref_squeeze %dma_start3A_153 : memref<1x128x64xf32, #tpu.memory_space<vmem>> -> memref<128x64xf32, #tpu.memory_space<vmem>>
    tpu.enqueue_dma source(%dma_start3A_154 : memref<128x64xf32, #tpu.memory_space<vmem>>) target(%dma_start3A_150 : memref<128x64xf32, #tpu.memory_space<hbm>>) target_semaphore(%arg17 : memref<!tpu.dma_semaphore, #tpu.memory_space<semaphore_mem>>)
    %dma_wait3A_155 = arith.constant 41 : i32
    %dma_wait3A_156 = arith.constant 1 : i32
    %dma_wait3A_157 = arith.constant 0 : i32
    %dma_wait3A_158 = arith.constant 0 : i32
    %dma_wait3A_159 = tpu.memref_slice %arg6[%dma_wait3A_156, %dma_wait3A_157, %dma_wait3A_158] : memref<10x128x64xf32, #tpu.memory_space<vmem>> -> memref<1x128x64xf32, #tpu.memory_space<vmem>>
    %dma_wait3A_160 = tpu.memref_squeeze %dma_wait3A_159 : memref<1x128x64xf32, #tpu.memory_space<vmem>> -> memref<128x64xf32, #tpu.memory_space<vmem>>
    %dma_wait3A_161 = arith.constant 0 : i32
    %dma_wait3A_162 = tpu.memref_slice %arg5[%dma_wait3A_155, %dma_wait3A_161] : memref<50x128xi32, #tpu.memory_space<vmem>> -> memref<1x128xi32, #tpu.memory_space<vmem>>
    %dma_wait3A_163 = tpu.memref_squeeze %dma_wait3A_162 : memref<1x128xi32, #tpu.memory_space<vmem>> -> memref<128xi32, #tpu.memory_space<vmem>>
    %dma_wait3A_164 = arith.constant 0 : i32
    %dma_wait3A_165 = arith.constant 0 : i32
    %dma_wait3A_166 = tpu.memref_slice %arg3[%dma_wait3A_164, %dma_wait3A_165] : memref<100000x64xf32, #tpu.memory_space<hbm>> -> memref<100000x64xf32, #tpu.memory_space<hbm>>
    tpu.wait_indirect_dma semaphore(%arg8 : memref<!tpu.dma_semaphore, #tpu.memory_space<semaphore_mem>>) src(%dma_wait3A_166 : memref<100000x64xf32, #tpu.memory_space<hbm>>) dst(%dma_wait3A_160 : memref<128x64xf32, #tpu.memory_space<vmem>>)
    %dma_start3A_167 = arith.constant 1 : i32
    %dma_start3A_168 = arith.constant 20 : i32
    %dma_start3A_169 = arith.constant 0 : i32
    %dma_start3A_170 = arith.constant 0 : i32
    %dma_start3A_171 = tpu.memref_slice %arg6[%dma_start3A_167, %dma_start3A_169, %dma_start3A_170] : memref<10x128x64xf32, #tpu.memory_space<vmem>> -> memref<1x128x64xf32, #tpu.memory_space<vmem>>
    %dma_start3A_172 = tpu.memref_squeeze %dma_start3A_171 : memref<1x128x64xf32, #tpu.memory_space<vmem>> -> memref<128x64xf32, #tpu.memory_space<vmem>>
    %dma_start3A_173 = arith.constant 0 : i32
    %dma_start3A_174 = arith.constant 64 : i32
    %dma_start3A_175 = tpu.memref_slice %arg4[%add3A, %dma_start3A_168, %dma_start3A_173, %dma_start3A_174] : memref<32x25x128x128xf32, #tpu.memory_space<hbm>> -> memref<1x1x128x64xf32, #tpu.memory_space<hbm>>
    %dma_start3A_176 = tpu.memref_squeeze %dma_start3A_175 : memref<1x1x128x64xf32, #tpu.memory_space<hbm>> -> memref<128x64xf32, #tpu.memory_space<hbm>>
    %dma_start3A_177 = arith.constant 0 : i32
    %dma_start3A_178 = arith.constant 64 : i32
    %dma_start3A_179 = tpu.memref_slice %arg4[%add3A, %dma_start3A_168, %dma_start3A_177, %dma_start3A_178] : memref<32x25x128x128xf32, #tpu.memory_space<hbm>> -> memref<1x1x128x64xf32, #tpu.memory_space<hbm>>
    %dma_start3A_180 = tpu.memref_squeeze %dma_start3A_179 : memref<1x1x128x64xf32, #tpu.memory_space<hbm>> -> memref<128x64xf32, #tpu.memory_space<hbm>>
    %dma_start3A_181 = arith.constant 0 : i32
    %dma_start3A_182 = arith.constant 0 : i32
    %dma_start3A_183 = tpu.memref_slice %arg6[%dma_start3A_167, %dma_start3A_181, %dma_start3A_182] : memref<10x128x64xf32, #tpu.memory_space<vmem>> -> memref<1x128x64xf32, #tpu.memory_space<vmem>>
    %dma_start3A_184 = tpu.memref_squeeze %dma_start3A_183 : memref<1x128x64xf32, #tpu.memory_space<vmem>> -> memref<128x64xf32, #tpu.memory_space<vmem>>
    tpu.enqueue_dma source(%dma_start3A_184 : memref<128x64xf32, #tpu.memory_space<vmem>>) target(%dma_start3A_180 : memref<128x64xf32, #tpu.memory_space<hbm>>) target_semaphore(%arg18 : memref<!tpu.dma_semaphore, #tpu.memory_space<semaphore_mem>>)
    %dma_wait3A_185 = arith.constant 42 : i32
    %dma_wait3A_186 = arith.constant 2 : i32
    %dma_wait3A_187 = arith.constant 0 : i32
    %dma_wait3A_188 = arith.constant 0 : i32
    %dma_wait3A_189 = tpu.memref_slice %arg6[%dma_wait3A_186, %dma_wait3A_187, %dma_wait3A_188] : memref<10x128x64xf32, #tpu.memory_space<vmem>> -> memref<1x128x64xf32, #tpu.memory_space<vmem>>
    %dma_wait3A_190 = tpu.memref_squeeze %dma_wait3A_189 : memref<1x128x64xf32, #tpu.memory_space<vmem>> -> memref<128x64xf32, #tpu.memory_space<vmem>>
    %dma_wait3A_191 = arith.constant 0 : i32
    %dma_wait3A_192 = tpu.memref_slice %arg5[%dma_wait3A_185, %dma_wait3A_191] : memref<50x128xi32, #tpu.memory_space<vmem>> -> memref<1x128xi32, #tpu.memory_space<vmem>>
    %dma_wait3A_193 = tpu.memref_squeeze %dma_wait3A_192 : memref<1x128xi32, #tpu.memory_space<vmem>> -> memref<128xi32, #tpu.memory_space<vmem>>
    %dma_wait3A_194 = arith.constant 0 : i32
    %dma_wait3A_195 = arith.constant 0 : i32
    %dma_wait3A_196 = tpu.memref_slice %arg3[%dma_wait3A_194, %dma_wait3A_195] : memref<100000x64xf32, #tpu.memory_space<hbm>> -> memref<100000x64xf32, #tpu.memory_space<hbm>>
    tpu.wait_indirect_dma semaphore(%arg9 : memref<!tpu.dma_semaphore, #tpu.memory_space<semaphore_mem>>) src(%dma_wait3A_196 : memref<100000x64xf32, #tpu.memory_space<hbm>>) dst(%dma_wait3A_190 : memref<128x64xf32, #tpu.memory_space<vmem>>)
    %dma_start3A_197 = arith.constant 2 : i32
    %dma_start3A_198 = arith.constant 21 : i32
    %dma_start3A_199 = arith.constant 0 : i32
    %dma_start3A_200 = arith.constant 0 : i32
    %dma_start3A_201 = tpu.memref_slice %arg6[%dma_start3A_197, %dma_start3A_199, %dma_start3A_200] : memref<10x128x64xf32, #tpu.memory_space<vmem>> -> memref<1x128x64xf32, #tpu.memory_space<vmem>>
    %dma_start3A_202 = tpu.memref_squeeze %dma_start3A_201 : memref<1x128x64xf32, #tpu.memory_space<vmem>> -> memref<128x64xf32, #tpu.memory_space<vmem>>
    %dma_start3A_203 = arith.constant 0 : i32
    %dma_start3A_204 = arith.constant 0 : i32
    %dma_start3A_205 = tpu.memref_slice %arg4[%add3A, %dma_start3A_198, %dma_start3A_203, %dma_start3A_204] : memref<32x25x128x128xf32, #tpu.memory_space<hbm>> -> memref<1x1x128x64xf32, #tpu.memory_space<hbm>>
    %dma_start3A_206 = tpu.memref_squeeze %dma_start3A_205 : memref<1x1x128x64xf32, #tpu.memory_space<hbm>> -> memref<128x64xf32, #tpu.memory_space<hbm>>
    %dma_start3A_207 = arith.constant 0 : i32
    %dma_start3A_208 = arith.constant 0 : i32
    %dma_start3A_209 = tpu.memref_slice %arg4[%add3A, %dma_start3A_198, %dma_start3A_207, %dma_start3A_208] : memref<32x25x128x128xf32, #tpu.memory_space<hbm>> -> memref<1x1x128x64xf32, #tpu.memory_space<hbm>>
    %dma_start3A_210 = tpu.memref_squeeze %dma_start3A_209 : memref<1x1x128x64xf32, #tpu.memory_space<hbm>> -> memref<128x64xf32, #tpu.memory_space<hbm>>
    %dma_start3A_211 = arith.constant 0 : i32
    %dma_start3A_212 = arith.constant 0 : i32
    %dma_start3A_213 = tpu.memref_slice %arg6[%dma_start3A_197, %dma_start3A_211, %dma_start3A_212] : memref<10x128x64xf32, #tpu.memory_space<vmem>> -> memref<1x128x64xf32, #tpu.memory_space<vmem>>
    %dma_start3A_214 = tpu.memref_squeeze %dma_start3A_213 : memref<1x128x64xf32, #tpu.memory_space<vmem>> -> memref<128x64xf32, #tpu.memory_space<vmem>>
    tpu.enqueue_dma source(%dma_start3A_214 : memref<128x64xf32, #tpu.memory_space<vmem>>) target(%dma_start3A_210 : memref<128x64xf32, #tpu.memory_space<hbm>>) target_semaphore(%arg19 : memref<!tpu.dma_semaphore, #tpu.memory_space<semaphore_mem>>)
    %dma_wait3A_215 = arith.constant 43 : i32
    %dma_wait3A_216 = arith.constant 3 : i32
    %dma_wait3A_217 = arith.constant 0 : i32
    %dma_wait3A_218 = arith.constant 0 : i32
    %dma_wait3A_219 = tpu.memref_slice %arg6[%dma_wait3A_216, %dma_wait3A_217, %dma_wait3A_218] : memref<10x128x64xf32, #tpu.memory_space<vmem>> -> memref<1x128x64xf32, #tpu.memory_space<vmem>>
    %dma_wait3A_220 = tpu.memref_squeeze %dma_wait3A_219 : memref<1x128x64xf32, #tpu.memory_space<vmem>> -> memref<128x64xf32, #tpu.memory_space<vmem>>
    %dma_wait3A_221 = arith.constant 0 : i32
    %dma_wait3A_222 = tpu.memref_slice %arg5[%dma_wait3A_215, %dma_wait3A_221] : memref<50x128xi32, #tpu.memory_space<vmem>> -> memref<1x128xi32, #tpu.memory_space<vmem>>
    %dma_wait3A_223 = tpu.memref_squeeze %dma_wait3A_222 : memref<1x128xi32, #tpu.memory_space<vmem>> -> memref<128xi32, #tpu.memory_space<vmem>>
    %dma_wait3A_224 = arith.constant 0 : i32
    %dma_wait3A_225 = arith.constant 0 : i32
    %dma_wait3A_226 = tpu.memref_slice %arg3[%dma_wait3A_224, %dma_wait3A_225] : memref<100000x64xf32, #tpu.memory_space<hbm>> -> memref<100000x64xf32, #tpu.memory_space<hbm>>
    tpu.wait_indirect_dma semaphore(%arg10 : memref<!tpu.dma_semaphore, #tpu.memory_space<semaphore_mem>>) src(%dma_wait3A_226 : memref<100000x64xf32, #tpu.memory_space<hbm>>) dst(%dma_wait3A_220 : memref<128x64xf32, #tpu.memory_space<vmem>>)
    %dma_start3A_227 = arith.constant 3 : i32
    %dma_start3A_228 = arith.constant 21 : i32
    %dma_start3A_229 = arith.constant 0 : i32
    %dma_start3A_230 = arith.constant 0 : i32
    %dma_start3A_231 = tpu.memref_slice %arg6[%dma_start3A_227, %dma_start3A_229, %dma_start3A_230] : memref<10x128x64xf32, #tpu.memory_space<vmem>> -> memref<1x128x64xf32, #tpu.memory_space<vmem>>
    %dma_start3A_232 = tpu.memref_squeeze %dma_start3A_231 : memref<1x128x64xf32, #tpu.memory_space<vmem>> -> memref<128x64xf32, #tpu.memory_space<vmem>>
    %dma_start3A_233 = arith.constant 0 : i32
    %dma_start3A_234 = arith.constant 64 : i32
    %dma_start3A_235 = tpu.memref_slice %arg4[%add3A, %dma_start3A_228, %dma_start3A_233, %dma_start3A_234] : memref<32x25x128x128xf32, #tpu.memory_space<hbm>> -> memref<1x1x128x64xf32, #tpu.memory_space<hbm>>
    %dma_start3A_236 = tpu.memref_squeeze %dma_start3A_235 : memref<1x1x128x64xf32, #tpu.memory_space<hbm>> -> memref<128x64xf32, #tpu.memory_space<hbm>>
    %dma_start3A_237 = arith.constant 0 : i32
    %dma_start3A_238 = arith.constant 64 : i32
    %dma_start3A_239 = tpu.memref_slice %arg4[%add3A, %dma_start3A_228, %dma_start3A_237, %dma_start3A_238] : memref<32x25x128x128xf32, #tpu.memory_space<hbm>> -> memref<1x1x128x64xf32, #tpu.memory_space<hbm>>
    %dma_start3A_240 = tpu.memref_squeeze %dma_start3A_239 : memref<1x1x128x64xf32, #tpu.memory_space<hbm>> -> memref<128x64xf32, #tpu.memory_space<hbm>>
    %dma_start3A_241 = arith.constant 0 : i32
    %dma_start3A_242 = arith.constant 0 : i32
    %dma_start3A_243 = tpu.memref_slice %arg6[%dma_start3A_227, %dma_start3A_241, %dma_start3A_242] : memref<10x128x64xf32, #tpu.memory_space<vmem>> -> memref<1x128x64xf32, #tpu.memory_space<vmem>>
    %dma_start3A_244 = tpu.memref_squeeze %dma_start3A_243 : memref<1x128x64xf32, #tpu.memory_space<vmem>> -> memref<128x64xf32, #tpu.memory_space<vmem>>
    tpu.enqueue_dma source(%dma_start3A_244 : memref<128x64xf32, #tpu.memory_space<vmem>>) target(%dma_start3A_240 : memref<128x64xf32, #tpu.memory_space<hbm>>) target_semaphore(%arg20 : memref<!tpu.dma_semaphore, #tpu.memory_space<semaphore_mem>>)
    %dma_wait3A_245 = arith.constant 44 : i32
    %dma_wait3A_246 = arith.constant 4 : i32
    %dma_wait3A_247 = arith.constant 0 : i32
    %dma_wait3A_248 = arith.constant 0 : i32
    %dma_wait3A_249 = tpu.memref_slice %arg6[%dma_wait3A_246, %dma_wait3A_247, %dma_wait3A_248] : memref<10x128x64xf32, #tpu.memory_space<vmem>> -> memref<1x128x64xf32, #tpu.memory_space<vmem>>
    %dma_wait3A_250 = tpu.memref_squeeze %dma_wait3A_249 : memref<1x128x64xf32, #tpu.memory_space<vmem>> -> memref<128x64xf32, #tpu.memory_space<vmem>>
    %dma_wait3A_251 = arith.constant 0 : i32
    %dma_wait3A_252 = tpu.memref_slice %arg5[%dma_wait3A_245, %dma_wait3A_251] : memref<50x128xi32, #tpu.memory_space<vmem>> -> memref<1x128xi32, #tpu.memory_space<vmem>>
    %dma_wait3A_253 = tpu.memref_squeeze %dma_wait3A_252 : memref<1x128xi32, #tpu.memory_space<vmem>> -> memref<128xi32, #tpu.memory_space<vmem>>
    %dma_wait3A_254 = arith.constant 0 : i32
    %dma_wait3A_255 = arith.constant 0 : i32
    %dma_wait3A_256 = tpu.memref_slice %arg3[%dma_wait3A_254, %dma_wait3A_255] : memref<100000x64xf32, #tpu.memory_space<hbm>> -> memref<100000x64xf32, #tpu.memory_space<hbm>>
    tpu.wait_indirect_dma semaphore(%arg11 : memref<!tpu.dma_semaphore, #tpu.memory_space<semaphore_mem>>) src(%dma_wait3A_256 : memref<100000x64xf32, #tpu.memory_space<hbm>>) dst(%dma_wait3A_250 : memref<128x64xf32, #tpu.memory_space<vmem>>)
    %dma_start3A_257 = arith.constant 4 : i32
    %dma_start3A_258 = arith.constant 22 : i32
    %dma_start3A_259 = arith.constant 0 : i32
    %dma_start3A_260 = arith.constant 0 : i32
    %dma_start3A_261 = tpu.memref_slice %arg6[%dma_start3A_257, %dma_start3A_259, %dma_start3A_260] : memref<10x128x64xf32, #tpu.memory_space<vmem>> -> memref<1x128x64xf32, #tpu.memory_space<vmem>>
    %dma_start3A_262 = tpu.memref_squeeze %dma_start3A_261 : memref<1x128x64xf32, #tpu.memory_space<vmem>> -> memref<128x64xf32, #tpu.memory_space<vmem>>
    %dma_start3A_263 = arith.constant 0 : i32
    %dma_start3A_264 = arith.constant 0 : i32
    %dma_start3A_265 = tpu.memref_slice %arg4[%add3A, %dma_start3A_258, %dma_start3A_263, %dma_start3A_264] : memref<32x25x128x128xf32, #tpu.memory_space<hbm>> -> memref<1x1x128x64xf32, #tpu.memory_space<hbm>>
    %dma_start3A_266 = tpu.memref_squeeze %dma_start3A_265 : memref<1x1x128x64xf32, #tpu.memory_space<hbm>> -> memref<128x64xf32, #tpu.memory_space<hbm>>
    %dma_start3A_267 = arith.constant 0 : i32
    %dma_start3A_268 = arith.constant 0 : i32
    %dma_start3A_269 = tpu.memref_slice %arg4[%add3A, %dma_start3A_258, %dma_start3A_267, %dma_start3A_268] : memref<32x25x128x128xf32, #tpu.memory_space<hbm>> -> memref<1x1x128x64xf32, #tpu.memory_space<hbm>>
    %dma_start3A_270 = tpu.memref_squeeze %dma_start3A_269 : memref<1x1x128x64xf32, #tpu.memory_space<hbm>> -> memref<128x64xf32, #tpu.memory_space<hbm>>
    %dma_start3A_271 = arith.constant 0 : i32
    %dma_start3A_272 = arith.constant 0 : i32
    %dma_start3A_273 = tpu.memref_slice %arg6[%dma_start3A_257, %dma_start3A_271, %dma_start3A_272] : memref<10x128x64xf32, #tpu.memory_space<vmem>> -> memref<1x128x64xf32, #tpu.memory_space<vmem>>
    %dma_start3A_274 = tpu.memref_squeeze %dma_start3A_273 : memref<1x128x64xf32, #tpu.memory_space<vmem>> -> memref<128x64xf32, #tpu.memory_space<vmem>>
    tpu.enqueue_dma source(%dma_start3A_274 : memref<128x64xf32, #tpu.memory_space<vmem>>) target(%dma_start3A_270 : memref<128x64xf32, #tpu.memory_space<hbm>>) target_semaphore(%arg21 : memref<!tpu.dma_semaphore, #tpu.memory_space<semaphore_mem>>)
    %dma_wait3A_275 = arith.constant 45 : i32
    %dma_wait3A_276 = arith.constant 5 : i32
    %dma_wait3A_277 = arith.constant 0 : i32
    %dma_wait3A_278 = arith.constant 0 : i32
    %dma_wait3A_279 = tpu.memref_slice %arg6[%dma_wait3A_276, %dma_wait3A_277, %dma_wait3A_278] : memref<10x128x64xf32, #tpu.memory_space<vmem>> -> memref<1x128x64xf32, #tpu.memory_space<vmem>>
    %dma_wait3A_280 = tpu.memref_squeeze %dma_wait3A_279 : memref<1x128x64xf32, #tpu.memory_space<vmem>> -> memref<128x64xf32, #tpu.memory_space<vmem>>
    %dma_wait3A_281 = arith.constant 0 : i32
    %dma_wait3A_282 = tpu.memref_slice %arg5[%dma_wait3A_275, %dma_wait3A_281] : memref<50x128xi32, #tpu.memory_space<vmem>> -> memref<1x128xi32, #tpu.memory_space<vmem>>
    %dma_wait3A_283 = tpu.memref_squeeze %dma_wait3A_282 : memref<1x128xi32, #tpu.memory_space<vmem>> -> memref<128xi32, #tpu.memory_space<vmem>>
    %dma_wait3A_284 = arith.constant 0 : i32
    %dma_wait3A_285 = arith.constant 0 : i32
    %dma_wait3A_286 = tpu.memref_slice %arg3[%dma_wait3A_284, %dma_wait3A_285] : memref<100000x64xf32, #tpu.memory_space<hbm>> -> memref<100000x64xf32, #tpu.memory_space<hbm>>
    tpu.wait_indirect_dma semaphore(%arg12 : memref<!tpu.dma_semaphore, #tpu.memory_space<semaphore_mem>>) src(%dma_wait3A_286 : memref<100000x64xf32, #tpu.memory_space<hbm>>) dst(%dma_wait3A_280 : memref<128x64xf32, #tpu.memory_space<vmem>>)
    %dma_start3A_287 = arith.constant 5 : i32
    %dma_start3A_288 = arith.constant 22 : i32
    %dma_start3A_289 = arith.constant 0 : i32
    %dma_start3A_290 = arith.constant 0 : i32
    %dma_start3A_291 = tpu.memref_slice %arg6[%dma_start3A_287, %dma_start3A_289, %dma_start3A_290] : memref<10x128x64xf32, #tpu.memory_space<vmem>> -> memref<1x128x64xf32, #tpu.memory_space<vmem>>
    %dma_start3A_292 = tpu.memref_squeeze %dma_start3A_291 : memref<1x128x64xf32, #tpu.memory_space<vmem>> -> memref<128x64xf32, #tpu.memory_space<vmem>>
    %dma_start3A_293 = arith.constant 0 : i32
    %dma_start3A_294 = arith.constant 64 : i32
    %dma_start3A_295 = tpu.memref_slice %arg4[%add3A, %dma_start3A_288, %dma_start3A_293, %dma_start3A_294] : memref<32x25x128x128xf32, #tpu.memory_space<hbm>> -> memref<1x1x128x64xf32, #tpu.memory_space<hbm>>
    %dma_start3A_296 = tpu.memref_squeeze %dma_start3A_295 : memref<1x1x128x64xf32, #tpu.memory_space<hbm>> -> memref<128x64xf32, #tpu.memory_space<hbm>>
    %dma_start3A_297 = arith.constant 0 : i32
    %dma_start3A_298 = arith.constant 64 : i32
    %dma_start3A_299 = tpu.memref_slice %arg4[%add3A, %dma_start3A_288, %dma_start3A_297, %dma_start3A_298] : memref<32x25x128x128xf32, #tpu.memory_space<hbm>> -> memref<1x1x128x64xf32, #tpu.memory_space<hbm>>
    %dma_start3A_300 = tpu.memref_squeeze %dma_start3A_299 : memref<1x1x128x64xf32, #tpu.memory_space<hbm>> -> memref<128x64xf32, #tpu.memory_space<hbm>>
    %dma_start3A_301 = arith.constant 0 : i32
    %dma_start3A_302 = arith.constant 0 : i32
    %dma_start3A_303 = tpu.memref_slice %arg6[%dma_start3A_287, %dma_start3A_301, %dma_start3A_302] : memref<10x128x64xf32, #tpu.memory_space<vmem>> -> memref<1x128x64xf32, #tpu.memory_space<vmem>>
    %dma_start3A_304 = tpu.memref_squeeze %dma_start3A_303 : memref<1x128x64xf32, #tpu.memory_space<vmem>> -> memref<128x64xf32, #tpu.memory_space<vmem>>
    tpu.enqueue_dma source(%dma_start3A_304 : memref<128x64xf32, #tpu.memory_space<vmem>>) target(%dma_start3A_300 : memref<128x64xf32, #tpu.memory_space<hbm>>) target_semaphore(%arg22 : memref<!tpu.dma_semaphore, #tpu.memory_space<semaphore_mem>>)
    %dma_wait3A_305 = arith.constant 46 : i32
    %dma_wait3A_306 = arith.constant 6 : i32
    %dma_wait3A_307 = arith.constant 0 : i32
    %dma_wait3A_308 = arith.constant 0 : i32
    %dma_wait3A_309 = tpu.memref_slice %arg6[%dma_wait3A_306, %dma_wait3A_307, %dma_wait3A_308] : memref<10x128x64xf32, #tpu.memory_space<vmem>> -> memref<1x128x64xf32, #tpu.memory_space<vmem>>
    %dma_wait3A_310 = tpu.memref_squeeze %dma_wait3A_309 : memref<1x128x64xf32, #tpu.memory_space<vmem>> -> memref<128x64xf32, #tpu.memory_space<vmem>>
    %dma_wait3A_311 = arith.constant 0 : i32
    %dma_wait3A_312 = tpu.memref_slice %arg5[%dma_wait3A_305, %dma_wait3A_311] : memref<50x128xi32, #tpu.memory_space<vmem>> -> memref<1x128xi32, #tpu.memory_space<vmem>>
    %dma_wait3A_313 = tpu.memref_squeeze %dma_wait3A_312 : memref<1x128xi32, #tpu.memory_space<vmem>> -> memref<128xi32, #tpu.memory_space<vmem>>
    %dma_wait3A_314 = arith.constant 0 : i32
    %dma_wait3A_315 = arith.constant 0 : i32
    %dma_wait3A_316 = tpu.memref_slice %arg3[%dma_wait3A_314, %dma_wait3A_315] : memref<100000x64xf32, #tpu.memory_space<hbm>> -> memref<100000x64xf32, #tpu.memory_space<hbm>>
    tpu.wait_indirect_dma semaphore(%arg13 : memref<!tpu.dma_semaphore, #tpu.memory_space<semaphore_mem>>) src(%dma_wait3A_316 : memref<100000x64xf32, #tpu.memory_space<hbm>>) dst(%dma_wait3A_310 : memref<128x64xf32, #tpu.memory_space<vmem>>)
    %dma_start3A_317 = arith.constant 6 : i32
    %dma_start3A_318 = arith.constant 23 : i32
    %dma_start3A_319 = arith.constant 0 : i32
    %dma_start3A_320 = arith.constant 0 : i32
    %dma_start3A_321 = tpu.memref_slice %arg6[%dma_start3A_317, %dma_start3A_319, %dma_start3A_320] : memref<10x128x64xf32, #tpu.memory_space<vmem>> -> memref<1x128x64xf32, #tpu.memory_space<vmem>>
    %dma_start3A_322 = tpu.memref_squeeze %dma_start3A_321 : memref<1x128x64xf32, #tpu.memory_space<vmem>> -> memref<128x64xf32, #tpu.memory_space<vmem>>
    %dma_start3A_323 = arith.constant 0 : i32
    %dma_start3A_324 = arith.constant 0 : i32
    %dma_start3A_325 = tpu.memref_slice %arg4[%add3A, %dma_start3A_318, %dma_start3A_323, %dma_start3A_324] : memref<32x25x128x128xf32, #tpu.memory_space<hbm>> -> memref<1x1x128x64xf32, #tpu.memory_space<hbm>>
    %dma_start3A_326 = tpu.memref_squeeze %dma_start3A_325 : memref<1x1x128x64xf32, #tpu.memory_space<hbm>> -> memref<128x64xf32, #tpu.memory_space<hbm>>
    %dma_start3A_327 = arith.constant 0 : i32
    %dma_start3A_328 = arith.constant 0 : i32
    %dma_start3A_329 = tpu.memref_slice %arg4[%add3A, %dma_start3A_318, %dma_start3A_327, %dma_start3A_328] : memref<32x25x128x128xf32, #tpu.memory_space<hbm>> -> memref<1x1x128x64xf32, #tpu.memory_space<hbm>>
    %dma_start3A_330 = tpu.memref_squeeze %dma_start3A_329 : memref<1x1x128x64xf32, #tpu.memory_space<hbm>> -> memref<128x64xf32, #tpu.memory_space<hbm>>
    %dma_start3A_331 = arith.constant 0 : i32
    %dma_start3A_332 = arith.constant 0 : i32
    %dma_start3A_333 = tpu.memref_slice %arg6[%dma_start3A_317, %dma_start3A_331, %dma_start3A_332] : memref<10x128x64xf32, #tpu.memory_space<vmem>> -> memref<1x128x64xf32, #tpu.memory_space<vmem>>
    %dma_start3A_334 = tpu.memref_squeeze %dma_start3A_333 : memref<1x128x64xf32, #tpu.memory_space<vmem>> -> memref<128x64xf32, #tpu.memory_space<vmem>>
    tpu.enqueue_dma source(%dma_start3A_334 : memref<128x64xf32, #tpu.memory_space<vmem>>) target(%dma_start3A_330 : memref<128x64xf32, #tpu.memory_space<hbm>>) target_semaphore(%arg23 : memref<!tpu.dma_semaphore, #tpu.memory_space<semaphore_mem>>)
    %dma_wait3A_335 = arith.constant 47 : i32
    %dma_wait3A_336 = arith.constant 7 : i32
    %dma_wait3A_337 = arith.constant 0 : i32
    %dma_wait3A_338 = arith.constant 0 : i32
    %dma_wait3A_339 = tpu.memref_slice %arg6[%dma_wait3A_336, %dma_wait3A_337, %dma_wait3A_338] : memref<10x128x64xf32, #tpu.memory_space<vmem>> -> memref<1x128x64xf32, #tpu.memory_space<vmem>>
    %dma_wait3A_340 = tpu.memref_squeeze %dma_wait3A_339 : memref<1x128x64xf32, #tpu.memory_space<vmem>> -> memref<128x64xf32, #tpu.memory_space<vmem>>
    %dma_wait3A_341 = arith.constant 0 : i32
    %dma_wait3A_342 = tpu.memref_slice %arg5[%dma_wait3A_335, %dma_wait3A_341] : memref<50x128xi32, #tpu.memory_space<vmem>> -> memref<1x128xi32, #tpu.memory_space<vmem>>
    %dma_wait3A_343 = tpu.memref_squeeze %dma_wait3A_342 : memref<1x128xi32, #tpu.memory_space<vmem>> -> memref<128xi32, #tpu.memory_space<vmem>>
    %dma_wait3A_344 = arith.constant 0 : i32
    %dma_wait3A_345 = arith.constant 0 : i32
    %dma_wait3A_346 = tpu.memref_slice %arg3[%dma_wait3A_344, %dma_wait3A_345] : memref<100000x64xf32, #tpu.memory_space<hbm>> -> memref<100000x64xf32, #tpu.memory_space<hbm>>
    tpu.wait_indirect_dma semaphore(%arg14 : memref<!tpu.dma_semaphore, #tpu.memory_space<semaphore_mem>>) src(%dma_wait3A_346 : memref<100000x64xf32, #tpu.memory_space<hbm>>) dst(%dma_wait3A_340 : memref<128x64xf32, #tpu.memory_space<vmem>>)
    %dma_start3A_347 = arith.constant 7 : i32
    %dma_start3A_348 = arith.constant 23 : i32
    %dma_start3A_349 = arith.constant 0 : i32
    %dma_start3A_350 = arith.constant 0 : i32
    %dma_start3A_351 = tpu.memref_slice %arg6[%dma_start3A_347, %dma_start3A_349, %dma_start3A_350] : memref<10x128x64xf32, #tpu.memory_space<vmem>> -> memref<1x128x64xf32, #tpu.memory_space<vmem>>
    %dma_start3A_352 = tpu.memref_squeeze %dma_start3A_351 : memref<1x128x64xf32, #tpu.memory_space<vmem>> -> memref<128x64xf32, #tpu.memory_space<vmem>>
    %dma_start3A_353 = arith.constant 0 : i32
    %dma_start3A_354 = arith.constant 64 : i32
    %dma_start3A_355 = tpu.memref_slice %arg4[%add3A, %dma_start3A_348, %dma_start3A_353, %dma_start3A_354] : memref<32x25x128x128xf32, #tpu.memory_space<hbm>> -> memref<1x1x128x64xf32, #tpu.memory_space<hbm>>
    %dma_start3A_356 = tpu.memref_squeeze %dma_start3A_355 : memref<1x1x128x64xf32, #tpu.memory_space<hbm>> -> memref<128x64xf32, #tpu.memory_space<hbm>>
    %dma_start3A_357 = arith.constant 0 : i32
    %dma_start3A_358 = arith.constant 64 : i32
    %dma_start3A_359 = tpu.memref_slice %arg4[%add3A, %dma_start3A_348, %dma_start3A_357, %dma_start3A_358] : memref<32x25x128x128xf32, #tpu.memory_space<hbm>> -> memref<1x1x128x64xf32, #tpu.memory_space<hbm>>
    %dma_start3A_360 = tpu.memref_squeeze %dma_start3A_359 : memref<1x1x128x64xf32, #tpu.memory_space<hbm>> -> memref<128x64xf32, #tpu.memory_space<hbm>>
    %dma_start3A_361 = arith.constant 0 : i32
    %dma_start3A_362 = arith.constant 0 : i32
    %dma_start3A_363 = tpu.memref_slice %arg6[%dma_start3A_347, %dma_start3A_361, %dma_start3A_362] : memref<10x128x64xf32, #tpu.memory_space<vmem>> -> memref<1x128x64xf32, #tpu.memory_space<vmem>>
    %dma_start3A_364 = tpu.memref_squeeze %dma_start3A_363 : memref<1x128x64xf32, #tpu.memory_space<vmem>> -> memref<128x64xf32, #tpu.memory_space<vmem>>
    tpu.enqueue_dma source(%dma_start3A_364 : memref<128x64xf32, #tpu.memory_space<vmem>>) target(%dma_start3A_360 : memref<128x64xf32, #tpu.memory_space<hbm>>) target_semaphore(%arg24 : memref<!tpu.dma_semaphore, #tpu.memory_space<semaphore_mem>>)
    %dma_wait3A_365 = arith.constant 48 : i32
    %dma_wait3A_366 = arith.constant 8 : i32
    %dma_wait3A_367 = arith.constant 0 : i32
    %dma_wait3A_368 = arith.constant 0 : i32
    %dma_wait3A_369 = tpu.memref_slice %arg6[%dma_wait3A_366, %dma_wait3A_367, %dma_wait3A_368] : memref<10x128x64xf32, #tpu.memory_space<vmem>> -> memref<1x128x64xf32, #tpu.memory_space<vmem>>
    %dma_wait3A_370 = tpu.memref_squeeze %dma_wait3A_369 : memref<1x128x64xf32, #tpu.memory_space<vmem>> -> memref<128x64xf32, #tpu.memory_space<vmem>>
    %dma_wait3A_371 = arith.constant 0 : i32
    %dma_wait3A_372 = tpu.memref_slice %arg5[%dma_wait3A_365, %dma_wait3A_371] : memref<50x128xi32, #tpu.memory_space<vmem>> -> memref<1x128xi32, #tpu.memory_space<vmem>>
    %dma_wait3A_373 = tpu.memref_squeeze %dma_wait3A_372 : memref<1x128xi32, #tpu.memory_space<vmem>> -> memref<128xi32, #tpu.memory_space<vmem>>
    %dma_wait3A_374 = arith.constant 0 : i32
    %dma_wait3A_375 = arith.constant 0 : i32
    %dma_wait3A_376 = tpu.memref_slice %arg3[%dma_wait3A_374, %dma_wait3A_375] : memref<100000x64xf32, #tpu.memory_space<hbm>> -> memref<100000x64xf32, #tpu.memory_space<hbm>>
    tpu.wait_indirect_dma semaphore(%arg15 : memref<!tpu.dma_semaphore, #tpu.memory_space<semaphore_mem>>) src(%dma_wait3A_376 : memref<100000x64xf32, #tpu.memory_space<hbm>>) dst(%dma_wait3A_370 : memref<128x64xf32, #tpu.memory_space<vmem>>)
    %dma_start3A_377 = arith.constant 8 : i32
    %dma_start3A_378 = arith.constant 24 : i32
    %dma_start3A_379 = arith.constant 0 : i32
    %dma_start3A_380 = arith.constant 0 : i32
    %dma_start3A_381 = tpu.memref_slice %arg6[%dma_start3A_377, %dma_start3A_379, %dma_start3A_380] : memref<10x128x64xf32, #tpu.memory_space<vmem>> -> memref<1x128x64xf32, #tpu.memory_space<vmem>>
    %dma_start3A_382 = tpu.memref_squeeze %dma_start3A_381 : memref<1x128x64xf32, #tpu.memory_space<vmem>> -> memref<128x64xf32, #tpu.memory_space<vmem>>
    %dma_start3A_383 = arith.constant 0 : i32
    %dma_start3A_384 = arith.constant 0 : i32
    %dma_start3A_385 = tpu.memref_slice %arg4[%add3A, %dma_start3A_378, %dma_start3A_383, %dma_start3A_384] : memref<32x25x128x128xf32, #tpu.memory_space<hbm>> -> memref<1x1x128x64xf32, #tpu.memory_space<hbm>>
    %dma_start3A_386 = tpu.memref_squeeze %dma_start3A_385 : memref<1x1x128x64xf32, #tpu.memory_space<hbm>> -> memref<128x64xf32, #tpu.memory_space<hbm>>
    %dma_start3A_387 = arith.constant 0 : i32
    %dma_start3A_388 = arith.constant 0 : i32
    %dma_start3A_389 = tpu.memref_slice %arg4[%add3A, %dma_start3A_378, %dma_start3A_387, %dma_start3A_388] : memref<32x25x128x128xf32, #tpu.memory_space<hbm>> -> memref<1x1x128x64xf32, #tpu.memory_space<hbm>>
    %dma_start3A_390 = tpu.memref_squeeze %dma_start3A_389 : memref<1x1x128x64xf32, #tpu.memory_space<hbm>> -> memref<128x64xf32, #tpu.memory_space<hbm>>
    %dma_start3A_391 = arith.constant 0 : i32
    %dma_start3A_392 = arith.constant 0 : i32
    %dma_start3A_393 = tpu.memref_slice %arg6[%dma_start3A_377, %dma_start3A_391, %dma_start3A_392] : memref<10x128x64xf32, #tpu.memory_space<vmem>> -> memref<1x128x64xf32, #tpu.memory_space<vmem>>
    %dma_start3A_394 = tpu.memref_squeeze %dma_start3A_393 : memref<1x128x64xf32, #tpu.memory_space<vmem>> -> memref<128x64xf32, #tpu.memory_space<vmem>>
    tpu.enqueue_dma source(%dma_start3A_394 : memref<128x64xf32, #tpu.memory_space<vmem>>) target(%dma_start3A_390 : memref<128x64xf32, #tpu.memory_space<hbm>>) target_semaphore(%arg25 : memref<!tpu.dma_semaphore, #tpu.memory_space<semaphore_mem>>)
    %dma_wait3A_395 = arith.constant 49 : i32
    %dma_wait3A_396 = arith.constant 9 : i32
    %dma_wait3A_397 = arith.constant 0 : i32
    %dma_wait3A_398 = arith.constant 0 : i32
    %dma_wait3A_399 = tpu.memref_slice %arg6[%dma_wait3A_396, %dma_wait3A_397, %dma_wait3A_398] : memref<10x128x64xf32, #tpu.memory_space<vmem>> -> memref<1x128x64xf32, #tpu.memory_space<vmem>>
    %dma_wait3A_400 = tpu.memref_squeeze %dma_wait3A_399 : memref<1x128x64xf32, #tpu.memory_space<vmem>> -> memref<128x64xf32, #tpu.memory_space<vmem>>
    %dma_wait3A_401 = arith.constant 0 : i32
    %dma_wait3A_402 = tpu.memref_slice %arg5[%dma_wait3A_395, %dma_wait3A_401] : memref<50x128xi32, #tpu.memory_space<vmem>> -> memref<1x128xi32, #tpu.memory_space<vmem>>
    %dma_wait3A_403 = tpu.memref_squeeze %dma_wait3A_402 : memref<1x128xi32, #tpu.memory_space<vmem>> -> memref<128xi32, #tpu.memory_space<vmem>>
    %dma_wait3A_404 = arith.constant 0 : i32
    %dma_wait3A_405 = arith.constant 0 : i32
    %dma_wait3A_406 = tpu.memref_slice %arg3[%dma_wait3A_404, %dma_wait3A_405] : memref<100000x64xf32, #tpu.memory_space<hbm>> -> memref<100000x64xf32, #tpu.memory_space<hbm>>
    tpu.wait_indirect_dma semaphore(%arg16 : memref<!tpu.dma_semaphore, #tpu.memory_space<semaphore_mem>>) src(%dma_wait3A_406 : memref<100000x64xf32, #tpu.memory_space<hbm>>) dst(%dma_wait3A_400 : memref<128x64xf32, #tpu.memory_space<vmem>>)
    %dma_start3A_407 = arith.constant 9 : i32
    %dma_start3A_408 = arith.constant 24 : i32
    %dma_start3A_409 = arith.constant 0 : i32
    %dma_start3A_410 = arith.constant 0 : i32
    %dma_start3A_411 = tpu.memref_slice %arg6[%dma_start3A_407, %dma_start3A_409, %dma_start3A_410] : memref<10x128x64xf32, #tpu.memory_space<vmem>> -> memref<1x128x64xf32, #tpu.memory_space<vmem>>
    %dma_start3A_412 = tpu.memref_squeeze %dma_start3A_411 : memref<1x128x64xf32, #tpu.memory_space<vmem>> -> memref<128x64xf32, #tpu.memory_space<vmem>>
    %dma_start3A_413 = arith.constant 0 : i32
    %dma_start3A_414 = arith.constant 64 : i32
    %dma_start3A_415 = tpu.memref_slice %arg4[%add3A, %dma_start3A_408, %dma_start3A_413, %dma_start3A_414] : memref<32x25x128x128xf32, #tpu.memory_space<hbm>> -> memref<1x1x128x64xf32, #tpu.memory_space<hbm>>
    %dma_start3A_416 = tpu.memref_squeeze %dma_start3A_415 : memref<1x1x128x64xf32, #tpu.memory_space<hbm>> -> memref<128x64xf32, #tpu.memory_space<hbm>>
    %dma_start3A_417 = arith.constant 0 : i32
    %dma_start3A_418 = arith.constant 64 : i32
    %dma_start3A_419 = tpu.memref_slice %arg4[%add3A, %dma_start3A_408, %dma_start3A_417, %dma_start3A_418] : memref<32x25x128x128xf32, #tpu.memory_space<hbm>> -> memref<1x1x128x64xf32, #tpu.memory_space<hbm>>
    %dma_start3A_420 = tpu.memref_squeeze %dma_start3A_419 : memref<1x1x128x64xf32, #tpu.memory_space<hbm>> -> memref<128x64xf32, #tpu.memory_space<hbm>>
    %dma_start3A_421 = arith.constant 0 : i32
    %dma_start3A_422 = arith.constant 0 : i32
    %dma_start3A_423 = tpu.memref_slice %arg6[%dma_start3A_407, %dma_start3A_421, %dma_start3A_422] : memref<10x128x64xf32, #tpu.memory_space<vmem>> -> memref<1x128x64xf32, #tpu.memory_space<vmem>>
    %dma_start3A_424 = tpu.memref_squeeze %dma_start3A_423 : memref<1x128x64xf32, #tpu.memory_space<vmem>> -> memref<128x64xf32, #tpu.memory_space<vmem>>
    tpu.enqueue_dma source(%dma_start3A_424 : memref<128x64xf32, #tpu.memory_space<vmem>>) target(%dma_start3A_420 : memref<128x64xf32, #tpu.memory_space<hbm>>) target_semaphore(%arg26 : memref<!tpu.dma_semaphore, #tpu.memory_space<semaphore_mem>>)
    %dma_wait3A_425 = arith.constant 0 : i32
    %dma_wait3A_426 = arith.constant 20 : i32
    %dma_wait3A_427 = arith.constant 0 : i32
    %dma_wait3A_428 = arith.constant 0 : i32
    %dma_wait3A_429 = tpu.memref_slice %arg6[%dma_wait3A_425, %dma_wait3A_427, %dma_wait3A_428] : memref<10x128x64xf32, #tpu.memory_space<vmem>> -> memref<1x128x64xf32, #tpu.memory_space<vmem>>
    %dma_wait3A_430 = tpu.memref_squeeze %dma_wait3A_429 : memref<1x128x64xf32, #tpu.memory_space<vmem>> -> memref<128x64xf32, #tpu.memory_space<vmem>>
    %dma_wait3A_431 = arith.constant 0 : i32
    %dma_wait3A_432 = arith.constant 0 : i32
    %dma_wait3A_433 = tpu.memref_slice %arg4[%add3A, %dma_wait3A_426, %dma_wait3A_431, %dma_wait3A_432] : memref<32x25x128x128xf32, #tpu.memory_space<hbm>> -> memref<1x1x128x64xf32, #tpu.memory_space<hbm>>
    %dma_wait3A_434 = tpu.memref_squeeze %dma_wait3A_433 : memref<1x1x128x64xf32, #tpu.memory_space<hbm>> -> memref<128x64xf32, #tpu.memory_space<hbm>>
    %dma_wait3A_435 = arith.constant 0 : i32
    %dma_wait3A_436 = arith.constant 0 : i32
    %dma_wait3A_437 = tpu.memref_slice %arg4[%add3A, %dma_wait3A_426, %dma_wait3A_435, %dma_wait3A_436] : memref<32x25x128x128xf32, #tpu.memory_space<hbm>> -> memref<1x1x128x64xf32, #tpu.memory_space<hbm>>
    %dma_wait3A_438 = tpu.memref_squeeze %dma_wait3A_437 : memref<1x1x128x64xf32, #tpu.memory_space<hbm>> -> memref<128x64xf32, #tpu.memory_space<hbm>>
    %dma_wait3A_439 = arith.constant 0 : i32
    %dma_wait3A_440 = arith.constant 0 : i32
    %dma_wait3A_441 = tpu.memref_slice %arg6[%dma_wait3A_425, %dma_wait3A_439, %dma_wait3A_440] : memref<10x128x64xf32, #tpu.memory_space<vmem>> -> memref<1x128x64xf32, #tpu.memory_space<vmem>>
    %dma_wait3A_442 = tpu.memref_squeeze %dma_wait3A_441 : memref<1x128x64xf32, #tpu.memory_space<vmem>> -> memref<128x64xf32, #tpu.memory_space<vmem>>
    tpu.wait_dma2 semaphore(%arg17 : memref<!tpu.dma_semaphore, #tpu.memory_space<semaphore_mem>>) src(%dma_wait3A_442 : memref<128x64xf32, #tpu.memory_space<vmem>>) dst(%dma_wait3A_438 : memref<128x64xf32, #tpu.memory_space<hbm>>)
    %dma_wait3A_443 = arith.constant 1 : i32
    %dma_wait3A_444 = arith.constant 20 : i32
    %dma_wait3A_445 = arith.constant 0 : i32
    %dma_wait3A_446 = arith.constant 0 : i32
    %dma_wait3A_447 = tpu.memref_slice %arg6[%dma_wait3A_443, %dma_wait3A_445, %dma_wait3A_446] : memref<10x128x64xf32, #tpu.memory_space<vmem>> -> memref<1x128x64xf32, #tpu.memory_space<vmem>>
    %dma_wait3A_448 = tpu.memref_squeeze %dma_wait3A_447 : memref<1x128x64xf32, #tpu.memory_space<vmem>> -> memref<128x64xf32, #tpu.memory_space<vmem>>
    %dma_wait3A_449 = arith.constant 0 : i32
    %dma_wait3A_450 = arith.constant 64 : i32
    %dma_wait3A_451 = tpu.memref_slice %arg4[%add3A, %dma_wait3A_444, %dma_wait3A_449, %dma_wait3A_450] : memref<32x25x128x128xf32, #tpu.memory_space<hbm>> -> memref<1x1x128x64xf32, #tpu.memory_space<hbm>>
    %dma_wait3A_452 = tpu.memref_squeeze %dma_wait3A_451 : memref<1x1x128x64xf32, #tpu.memory_space<hbm>> -> memref<128x64xf32, #tpu.memory_space<hbm>>
    %dma_wait3A_453 = arith.constant 0 : i32
    %dma_wait3A_454 = arith.constant 64 : i32
    %dma_wait3A_455 = tpu.memref_slice %arg4[%add3A, %dma_wait3A_444, %dma_wait3A_453, %dma_wait3A_454] : memref<32x25x128x128xf32, #tpu.memory_space<hbm>> -> memref<1x1x128x64xf32, #tpu.memory_space<hbm>>
    %dma_wait3A_456 = tpu.memref_squeeze %dma_wait3A_455 : memref<1x1x128x64xf32, #tpu.memory_space<hbm>> -> memref<128x64xf32, #tpu.memory_space<hbm>>
    %dma_wait3A_457 = arith.constant 0 : i32
    %dma_wait3A_458 = arith.constant 0 : i32
    %dma_wait3A_459 = tpu.memref_slice %arg6[%dma_wait3A_443, %dma_wait3A_457, %dma_wait3A_458] : memref<10x128x64xf32, #tpu.memory_space<vmem>> -> memref<1x128x64xf32, #tpu.memory_space<vmem>>
    %dma_wait3A_460 = tpu.memref_squeeze %dma_wait3A_459 : memref<1x128x64xf32, #tpu.memory_space<vmem>> -> memref<128x64xf32, #tpu.memory_space<vmem>>
    tpu.wait_dma2 semaphore(%arg18 : memref<!tpu.dma_semaphore, #tpu.memory_space<semaphore_mem>>) src(%dma_wait3A_460 : memref<128x64xf32, #tpu.memory_space<vmem>>) dst(%dma_wait3A_456 : memref<128x64xf32, #tpu.memory_space<hbm>>)
    %dma_wait3A_461 = arith.constant 2 : i32
    %dma_wait3A_462 = arith.constant 21 : i32
    %dma_wait3A_463 = arith.constant 0 : i32
    %dma_wait3A_464 = arith.constant 0 : i32
    %dma_wait3A_465 = tpu.memref_slice %arg6[%dma_wait3A_461, %dma_wait3A_463, %dma_wait3A_464] : memref<10x128x64xf32, #tpu.memory_space<vmem>> -> memref<1x128x64xf32, #tpu.memory_space<vmem>>
    %dma_wait3A_466 = tpu.memref_squeeze %dma_wait3A_465 : memref<1x128x64xf32, #tpu.memory_space<vmem>> -> memref<128x64xf32, #tpu.memory_space<vmem>>
    %dma_wait3A_467 = arith.constant 0 : i32
    %dma_wait3A_468 = arith.constant 0 : i32
    %dma_wait3A_469 = tpu.memref_slice %arg4[%add3A, %dma_wait3A_462, %dma_wait3A_467, %dma_wait3A_468] : memref<32x25x128x128xf32, #tpu.memory_space<hbm>> -> memref<1x1x128x64xf32, #tpu.memory_space<hbm>>
    %dma_wait3A_470 = tpu.memref_squeeze %dma_wait3A_469 : memref<1x1x128x64xf32, #tpu.memory_space<hbm>> -> memref<128x64xf32, #tpu.memory_space<hbm>>
    %dma_wait3A_471 = arith.constant 0 : i32
    %dma_wait3A_472 = arith.constant 0 : i32
    %dma_wait3A_473 = tpu.memref_slice %arg4[%add3A, %dma_wait3A_462, %dma_wait3A_471, %dma_wait3A_472] : memref<32x25x128x128xf32, #tpu.memory_space<hbm>> -> memref<1x1x128x64xf32, #tpu.memory_space<hbm>>
    %dma_wait3A_474 = tpu.memref_squeeze %dma_wait3A_473 : memref<1x1x128x64xf32, #tpu.memory_space<hbm>> -> memref<128x64xf32, #tpu.memory_space<hbm>>
    %dma_wait3A_475 = arith.constant 0 : i32
    %dma_wait3A_476 = arith.constant 0 : i32
    %dma_wait3A_477 = tpu.memref_slice %arg6[%dma_wait3A_461, %dma_wait3A_475, %dma_wait3A_476] : memref<10x128x64xf32, #tpu.memory_space<vmem>> -> memref<1x128x64xf32, #tpu.memory_space<vmem>>
    %dma_wait3A_478 = tpu.memref_squeeze %dma_wait3A_477 : memref<1x128x64xf32, #tpu.memory_space<vmem>> -> memref<128x64xf32, #tpu.memory_space<vmem>>
    tpu.wait_dma2 semaphore(%arg19 : memref<!tpu.dma_semaphore, #tpu.memory_space<semaphore_mem>>) src(%dma_wait3A_478 : memref<128x64xf32, #tpu.memory_space<vmem>>) dst(%dma_wait3A_474 : memref<128x64xf32, #tpu.memory_space<hbm>>)
    %dma_wait3A_479 = arith.constant 3 : i32
    %dma_wait3A_480 = arith.constant 21 : i32
    %dma_wait3A_481 = arith.constant 0 : i32
    %dma_wait3A_482 = arith.constant 0 : i32
    %dma_wait3A_483 = tpu.memref_slice %arg6[%dma_wait3A_479, %dma_wait3A_481, %dma_wait3A_482] : memref<10x128x64xf32, #tpu.memory_space<vmem>> -> memref<1x128x64xf32, #tpu.memory_space<vmem>>
    %dma_wait3A_484 = tpu.memref_squeeze %dma_wait3A_483 : memref<1x128x64xf32, #tpu.memory_space<vmem>> -> memref<128x64xf32, #tpu.memory_space<vmem>>
    %dma_wait3A_485 = arith.constant 0 : i32
    %dma_wait3A_486 = arith.constant 64 : i32
    %dma_wait3A_487 = tpu.memref_slice %arg4[%add3A, %dma_wait3A_480, %dma_wait3A_485, %dma_wait3A_486] : memref<32x25x128x128xf32, #tpu.memory_space<hbm>> -> memref<1x1x128x64xf32, #tpu.memory_space<hbm>>
    %dma_wait3A_488 = tpu.memref_squeeze %dma_wait3A_487 : memref<1x1x128x64xf32, #tpu.memory_space<hbm>> -> memref<128x64xf32, #tpu.memory_space<hbm>>
    %dma_wait3A_489 = arith.constant 0 : i32
    %dma_wait3A_490 = arith.constant 64 : i32
    %dma_wait3A_491 = tpu.memref_slice %arg4[%add3A, %dma_wait3A_480, %dma_wait3A_489, %dma_wait3A_490] : memref<32x25x128x128xf32, #tpu.memory_space<hbm>> -> memref<1x1x128x64xf32, #tpu.memory_space<hbm>>
    %dma_wait3A_492 = tpu.memref_squeeze %dma_wait3A_491 : memref<1x1x128x64xf32, #tpu.memory_space<hbm>> -> memref<128x64xf32, #tpu.memory_space<hbm>>
    %dma_wait3A_493 = arith.constant 0 : i32
    %dma_wait3A_494 = arith.constant 0 : i32
    %dma_wait3A_495 = tpu.memref_slice %arg6[%dma_wait3A_479, %dma_wait3A_493, %dma_wait3A_494] : memref<10x128x64xf32, #tpu.memory_space<vmem>> -> memref<1x128x64xf32, #tpu.memory_space<vmem>>
    %dma_wait3A_496 = tpu.memref_squeeze %dma_wait3A_495 : memref<1x128x64xf32, #tpu.memory_space<vmem>> -> memref<128x64xf32, #tpu.memory_space<vmem>>
    tpu.wait_dma2 semaphore(%arg20 : memref<!tpu.dma_semaphore, #tpu.memory_space<semaphore_mem>>) src(%dma_wait3A_496 : memref<128x64xf32, #tpu.memory_space<vmem>>) dst(%dma_wait3A_492 : memref<128x64xf32, #tpu.memory_space<hbm>>)
    %dma_wait3A_497 = arith.constant 4 : i32
    %dma_wait3A_498 = arith.constant 22 : i32
    %dma_wait3A_499 = arith.constant 0 : i32
    %dma_wait3A_500 = arith.constant 0 : i32
    %dma_wait3A_501 = tpu.memref_slice %arg6[%dma_wait3A_497, %dma_wait3A_499, %dma_wait3A_500] : memref<10x128x64xf32, #tpu.memory_space<vmem>> -> memref<1x128x64xf32, #tpu.memory_space<vmem>>
    %dma_wait3A_502 = tpu.memref_squeeze %dma_wait3A_501 : memref<1x128x64xf32, #tpu.memory_space<vmem>> -> memref<128x64xf32, #tpu.memory_space<vmem>>
    %dma_wait3A_503 = arith.constant 0 : i32
    %dma_wait3A_504 = arith.constant 0 : i32
    %dma_wait3A_505 = tpu.memref_slice %arg4[%add3A, %dma_wait3A_498, %dma_wait3A_503, %dma_wait3A_504] : memref<32x25x128x128xf32, #tpu.memory_space<hbm>> -> memref<1x1x128x64xf32, #tpu.memory_space<hbm>>
    %dma_wait3A_506 = tpu.memref_squeeze %dma_wait3A_505 : memref<1x1x128x64xf32, #tpu.memory_space<hbm>> -> memref<128x64xf32, #tpu.memory_space<hbm>>
    %dma_wait3A_507 = arith.constant 0 : i32
    %dma_wait3A_508 = arith.constant 0 : i32
    %dma_wait3A_509 = tpu.memref_slice %arg4[%add3A, %dma_wait3A_498, %dma_wait3A_507, %dma_wait3A_508] : memref<32x25x128x128xf32, #tpu.memory_space<hbm>> -> memref<1x1x128x64xf32, #tpu.memory_space<hbm>>
    %dma_wait3A_510 = tpu.memref_squeeze %dma_wait3A_509 : memref<1x1x128x64xf32, #tpu.memory_space<hbm>> -> memref<128x64xf32, #tpu.memory_space<hbm>>
    %dma_wait3A_511 = arith.constant 0 : i32
    %dma_wait3A_512 = arith.constant 0 : i32
    %dma_wait3A_513 = tpu.memref_slice %arg6[%dma_wait3A_497, %dma_wait3A_511, %dma_wait3A_512] : memref<10x128x64xf32, #tpu.memory_space<vmem>> -> memref<1x128x64xf32, #tpu.memory_space<vmem>>
    %dma_wait3A_514 = tpu.memref_squeeze %dma_wait3A_513 : memref<1x128x64xf32, #tpu.memory_space<vmem>> -> memref<128x64xf32, #tpu.memory_space<vmem>>
    tpu.wait_dma2 semaphore(%arg21 : memref<!tpu.dma_semaphore, #tpu.memory_space<semaphore_mem>>) src(%dma_wait3A_514 : memref<128x64xf32, #tpu.memory_space<vmem>>) dst(%dma_wait3A_510 : memref<128x64xf32, #tpu.memory_space<hbm>>)
    %dma_wait3A_515 = arith.constant 5 : i32
    %dma_wait3A_516 = arith.constant 22 : i32
    %dma_wait3A_517 = arith.constant 0 : i32
    %dma_wait3A_518 = arith.constant 0 : i32
    %dma_wait3A_519 = tpu.memref_slice %arg6[%dma_wait3A_515, %dma_wait3A_517, %dma_wait3A_518] : memref<10x128x64xf32, #tpu.memory_space<vmem>> -> memref<1x128x64xf32, #tpu.memory_space<vmem>>
    %dma_wait3A_520 = tpu.memref_squeeze %dma_wait3A_519 : memref<1x128x64xf32, #tpu.memory_space<vmem>> -> memref<128x64xf32, #tpu.memory_space<vmem>>
    %dma_wait3A_521 = arith.constant 0 : i32
    %dma_wait3A_522 = arith.constant 64 : i32
    %dma_wait3A_523 = tpu.memref_slice %arg4[%add3A, %dma_wait3A_516, %dma_wait3A_521, %dma_wait3A_522] : memref<32x25x128x128xf32, #tpu.memory_space<hbm>> -> memref<1x1x128x64xf32, #tpu.memory_space<hbm>>
    %dma_wait3A_524 = tpu.memref_squeeze %dma_wait3A_523 : memref<1x1x128x64xf32, #tpu.memory_space<hbm>> -> memref<128x64xf32, #tpu.memory_space<hbm>>
    %dma_wait3A_525 = arith.constant 0 : i32
    %dma_wait3A_526 = arith.constant 64 : i32
    %dma_wait3A_527 = tpu.memref_slice %arg4[%add3A, %dma_wait3A_516, %dma_wait3A_525, %dma_wait3A_526] : memref<32x25x128x128xf32, #tpu.memory_space<hbm>> -> memref<1x1x128x64xf32, #tpu.memory_space<hbm>>
    %dma_wait3A_528 = tpu.memref_squeeze %dma_wait3A_527 : memref<1x1x128x64xf32, #tpu.memory_space<hbm>> -> memref<128x64xf32, #tpu.memory_space<hbm>>
    %dma_wait3A_529 = arith.constant 0 : i32
    %dma_wait3A_530 = arith.constant 0 : i32
    %dma_wait3A_531 = tpu.memref_slice %arg6[%dma_wait3A_515, %dma_wait3A_529, %dma_wait3A_530] : memref<10x128x64xf32, #tpu.memory_space<vmem>> -> memref<1x128x64xf32, #tpu.memory_space<vmem>>
    %dma_wait3A_532 = tpu.memref_squeeze %dma_wait3A_531 : memref<1x128x64xf32, #tpu.memory_space<vmem>> -> memref<128x64xf32, #tpu.memory_space<vmem>>
    tpu.wait_dma2 semaphore(%arg22 : memref<!tpu.dma_semaphore, #tpu.memory_space<semaphore_mem>>) src(%dma_wait3A_532 : memref<128x64xf32, #tpu.memory_space<vmem>>) dst(%dma_wait3A_528 : memref<128x64xf32, #tpu.memory_space<hbm>>)
    %dma_wait3A_533 = arith.constant 6 : i32
    %dma_wait3A_534 = arith.constant 23 : i32
    %dma_wait3A_535 = arith.constant 0 : i32
    %dma_wait3A_536 = arith.constant 0 : i32
    %dma_wait3A_537 = tpu.memref_slice %arg6[%dma_wait3A_533, %dma_wait3A_535, %dma_wait3A_536] : memref<10x128x64xf32, #tpu.memory_space<vmem>> -> memref<1x128x64xf32, #tpu.memory_space<vmem>>
    %dma_wait3A_538 = tpu.memref_squeeze %dma_wait3A_537 : memref<1x128x64xf32, #tpu.memory_space<vmem>> -> memref<128x64xf32, #tpu.memory_space<vmem>>
    %dma_wait3A_539 = arith.constant 0 : i32
    %dma_wait3A_540 = arith.constant 0 : i32
    %dma_wait3A_541 = tpu.memref_slice %arg4[%add3A, %dma_wait3A_534, %dma_wait3A_539, %dma_wait3A_540] : memref<32x25x128x128xf32, #tpu.memory_space<hbm>> -> memref<1x1x128x64xf32, #tpu.memory_space<hbm>>
    %dma_wait3A_542 = tpu.memref_squeeze %dma_wait3A_541 : memref<1x1x128x64xf32, #tpu.memory_space<hbm>> -> memref<128x64xf32, #tpu.memory_space<hbm>>
    %dma_wait3A_543 = arith.constant 0 : i32
    %dma_wait3A_544 = arith.constant 0 : i32
    %dma_wait3A_545 = tpu.memref_slice %arg4[%add3A, %dma_wait3A_534, %dma_wait3A_543, %dma_wait3A_544] : memref<32x25x128x128xf32, #tpu.memory_space<hbm>> -> memref<1x1x128x64xf32, #tpu.memory_space<hbm>>
    %dma_wait3A_546 = tpu.memref_squeeze %dma_wait3A_545 : memref<1x1x128x64xf32, #tpu.memory_space<hbm>> -> memref<128x64xf32, #tpu.memory_space<hbm>>
    %dma_wait3A_547 = arith.constant 0 : i32
    %dma_wait3A_548 = arith.constant 0 : i32
    %dma_wait3A_549 = tpu.memref_slice %arg6[%dma_wait3A_533, %dma_wait3A_547, %dma_wait3A_548] : memref<10x128x64xf32, #tpu.memory_space<vmem>> -> memref<1x128x64xf32, #tpu.memory_space<vmem>>
    %dma_wait3A_550 = tpu.memref_squeeze %dma_wait3A_549 : memref<1x128x64xf32, #tpu.memory_space<vmem>> -> memref<128x64xf32, #tpu.memory_space<vmem>>
    tpu.wait_dma2 semaphore(%arg23 : memref<!tpu.dma_semaphore, #tpu.memory_space<semaphore_mem>>) src(%dma_wait3A_550 : memref<128x64xf32, #tpu.memory_space<vmem>>) dst(%dma_wait3A_546 : memref<128x64xf32, #tpu.memory_space<hbm>>)
    %dma_wait3A_551 = arith.constant 7 : i32
    %dma_wait3A_552 = arith.constant 23 : i32
    %dma_wait3A_553 = arith.constant 0 : i32
    %dma_wait3A_554 = arith.constant 0 : i32
    %dma_wait3A_555 = tpu.memref_slice %arg6[%dma_wait3A_551, %dma_wait3A_553, %dma_wait3A_554] : memref<10x128x64xf32, #tpu.memory_space<vmem>> -> memref<1x128x64xf32, #tpu.memory_space<vmem>>
    %dma_wait3A_556 = tpu.memref_squeeze %dma_wait3A_555 : memref<1x128x64xf32, #tpu.memory_space<vmem>> -> memref<128x64xf32, #tpu.memory_space<vmem>>
    %dma_wait3A_557 = arith.constant 0 : i32
    %dma_wait3A_558 = arith.constant 64 : i32
    %dma_wait3A_559 = tpu.memref_slice %arg4[%add3A, %dma_wait3A_552, %dma_wait3A_557, %dma_wait3A_558] : memref<32x25x128x128xf32, #tpu.memory_space<hbm>> -> memref<1x1x128x64xf32, #tpu.memory_space<hbm>>
    %dma_wait3A_560 = tpu.memref_squeeze %dma_wait3A_559 : memref<1x1x128x64xf32, #tpu.memory_space<hbm>> -> memref<128x64xf32, #tpu.memory_space<hbm>>
    %dma_wait3A_561 = arith.constant 0 : i32
    %dma_wait3A_562 = arith.constant 64 : i32
    %dma_wait3A_563 = tpu.memref_slice %arg4[%add3A, %dma_wait3A_552, %dma_wait3A_561, %dma_wait3A_562] : memref<32x25x128x128xf32, #tpu.memory_space<hbm>> -> memref<1x1x128x64xf32, #tpu.memory_space<hbm>>
    %dma_wait3A_564 = tpu.memref_squeeze %dma_wait3A_563 : memref<1x1x128x64xf32, #tpu.memory_space<hbm>> -> memref<128x64xf32, #tpu.memory_space<hbm>>
    %dma_wait3A_565 = arith.constant 0 : i32
    %dma_wait3A_566 = arith.constant 0 : i32
    %dma_wait3A_567 = tpu.memref_slice %arg6[%dma_wait3A_551, %dma_wait3A_565, %dma_wait3A_566] : memref<10x128x64xf32, #tpu.memory_space<vmem>> -> memref<1x128x64xf32, #tpu.memory_space<vmem>>
    %dma_wait3A_568 = tpu.memref_squeeze %dma_wait3A_567 : memref<1x128x64xf32, #tpu.memory_space<vmem>> -> memref<128x64xf32, #tpu.memory_space<vmem>>
    tpu.wait_dma2 semaphore(%arg24 : memref<!tpu.dma_semaphore, #tpu.memory_space<semaphore_mem>>) src(%dma_wait3A_568 : memref<128x64xf32, #tpu.memory_space<vmem>>) dst(%dma_wait3A_564 : memref<128x64xf32, #tpu.memory_space<hbm>>)
    %dma_wait3A_569 = arith.constant 8 : i32
    %dma_wait3A_570 = arith.constant 24 : i32
    %dma_wait3A_571 = arith.constant 0 : i32
    %dma_wait3A_572 = arith.constant 0 : i32
    %dma_wait3A_573 = tpu.memref_slice %arg6[%dma_wait3A_569, %dma_wait3A_571, %dma_wait3A_572] : memref<10x128x64xf32, #tpu.memory_space<vmem>> -> memref<1x128x64xf32, #tpu.memory_space<vmem>>
    %dma_wait3A_574 = tpu.memref_squeeze %dma_wait3A_573 : memref<1x128x64xf32, #tpu.memory_space<vmem>> -> memref<128x64xf32, #tpu.memory_space<vmem>>
    %dma_wait3A_575 = arith.constant 0 : i32
    %dma_wait3A_576 = arith.constant 0 : i32
    %dma_wait3A_577 = tpu.memref_slice %arg4[%add3A, %dma_wait3A_570, %dma_wait3A_575, %dma_wait3A_576] : memref<32x25x128x128xf32, #tpu.memory_space<hbm>> -> memref<1x1x128x64xf32, #tpu.memory_space<hbm>>
    %dma_wait3A_578 = tpu.memref_squeeze %dma_wait3A_577 : memref<1x1x128x64xf32, #tpu.memory_space<hbm>> -> memref<128x64xf32, #tpu.memory_space<hbm>>
    %dma_wait3A_579 = arith.constant 0 : i32
    %dma_wait3A_580 = arith.constant 0 : i32
    %dma_wait3A_581 = tpu.memref_slice %arg4[%add3A, %dma_wait3A_570, %dma_wait3A_579, %dma_wait3A_580] : memref<32x25x128x128xf32, #tpu.memory_space<hbm>> -> memref<1x1x128x64xf32, #tpu.memory_space<hbm>>
    %dma_wait3A_582 = tpu.memref_squeeze %dma_wait3A_581 : memref<1x1x128x64xf32, #tpu.memory_space<hbm>> -> memref<128x64xf32, #tpu.memory_space<hbm>>
    %dma_wait3A_583 = arith.constant 0 : i32
    %dma_wait3A_584 = arith.constant 0 : i32
    %dma_wait3A_585 = tpu.memref_slice %arg6[%dma_wait3A_569, %dma_wait3A_583, %dma_wait3A_584] : memref<10x128x64xf32, #tpu.memory_space<vmem>> -> memref<1x128x64xf32, #tpu.memory_space<vmem>>
    %dma_wait3A_586 = tpu.memref_squeeze %dma_wait3A_585 : memref<1x128x64xf32, #tpu.memory_space<vmem>> -> memref<128x64xf32, #tpu.memory_space<vmem>>
    tpu.wait_dma2 semaphore(%arg25 : memref<!tpu.dma_semaphore, #tpu.memory_space<semaphore_mem>>) src(%dma_wait3A_586 : memref<128x64xf32, #tpu.memory_space<vmem>>) dst(%dma_wait3A_582 : memref<128x64xf32, #tpu.memory_space<hbm>>)
    %dma_wait3A_587 = arith.constant 9 : i32
    %dma_wait3A_588 = arith.constant 24 : i32
    %dma_wait3A_589 = arith.constant 0 : i32
    %dma_wait3A_590 = arith.constant 0 : i32
    %dma_wait3A_591 = tpu.memref_slice %arg6[%dma_wait3A_587, %dma_wait3A_589, %dma_wait3A_590] : memref<10x128x64xf32, #tpu.memory_space<vmem>> -> memref<1x128x64xf32, #tpu.memory_space<vmem>>
    %dma_wait3A_592 = tpu.memref_squeeze %dma_wait3A_591 : memref<1x128x64xf32, #tpu.memory_space<vmem>> -> memref<128x64xf32, #tpu.memory_space<vmem>>
    %dma_wait3A_593 = arith.constant 0 : i32
    %dma_wait3A_594 = arith.constant 64 : i32
    %dma_wait3A_595 = tpu.memref_slice %arg4[%add3A, %dma_wait3A_588, %dma_wait3A_593, %dma_wait3A_594] : memref<32x25x128x128xf32, #tpu.memory_space<hbm>> -> memref<1x1x128x64xf32, #tpu.memory_space<hbm>>
    %dma_wait3A_596 = tpu.memref_squeeze %dma_wait3A_595 : memref<1x1x128x64xf32, #tpu.memory_space<hbm>> -> memref<128x64xf32, #tpu.memory_space<hbm>>
    %dma_wait3A_597 = arith.constant 0 : i32
    %dma_wait3A_598 = arith.constant 64 : i32
    %dma_wait3A_599 = tpu.memref_slice %arg4[%add3A, %dma_wait3A_588, %dma_wait3A_597, %dma_wait3A_598] : memref<32x25x128x128xf32, #tpu.memory_space<hbm>> -> memref<1x1x128x64xf32, #tpu.memory_space<hbm>>
    %dma_wait3A_600 = tpu.memref_squeeze %dma_wait3A_599 : memref<1x1x128x64xf32, #tpu.memory_space<hbm>> -> memref<128x64xf32, #tpu.memory_space<hbm>>
    %dma_wait3A_601 = arith.constant 0 : i32
    %dma_wait3A_602 = arith.constant 0 : i32
    %dma_wait3A_603 = tpu.memref_slice %arg6[%dma_wait3A_587, %dma_wait3A_601, %dma_wait3A_602] : memref<10x128x64xf32, #tpu.memory_space<vmem>> -> memref<1x128x64xf32, #tpu.memory_space<vmem>>
    %dma_wait3A_604 = tpu.memref_squeeze %dma_wait3A_603 : memref<1x128x64xf32, #tpu.memory_space<vmem>> -> memref<128x64xf32, #tpu.memory_space<vmem>>
    tpu.wait_dma2 semaphore(%arg26 : memref<!tpu.dma_semaphore, #tpu.memory_space<semaphore_mem>>) src(%dma_wait3A_604 : memref<128x64xf32, #tpu.memory_space<vmem>>) dst(%dma_wait3A_600 : memref<128x64xf32, #tpu.memory_space<hbm>>)
    return
  }
}

</mosaic_0001>

<sc_bundles>
// kernel: _embed.3.cloned.1.call-start
scs
__scs_entry_jumppad:
0x0: {  	(pc) =	sbr.rel $0x88, $3  }
0x1: {  	(tag) =	ssettag $0x0;
	lr =	simm.s32 $0x1  }
0x2: {  	[smem:$0x3F9F] =	sst lr;
	_ =	strace $0xD0000000  }
0x3: {  	_ = 	snop  }
0x4: {  	_ = 	snop  }
0x5: {  	_ = 	snop  }
0x6: {  	_ = 	snop  }
0x7: {  	_ = 	snop  }
__scs_overlays_trampoline_lowered:
0x8: {  	[smem:$0x3FAE] =	sst s0  }
0x9: {  	[smem:$0x3FAF] =	sst s1  }
0xa: {  	[smem:$0x3FB0] =	sst s2  }
0xb: {  	[smem:$0x3FB1] =	sst s3  }
0xc: {  	[smem:$0x3FB2] =	sst s4  }
0xd: {  	[smem:$0x3FB3] =	sst s5  }
0xe: {  	[smem:$0x3FB4] =	sst s6  }
0xf: {  	[smem:$0x3FB5] =	sst s7  }
0x10: {  	[smem:$0x3FB6] =	sst s8  }
0x11: {  	[smem:$0x3FB7] =	sst s9;
	s0 =	simm.s32 @!p0 $0x0  }
0x12: {  	s1 =	sld [smem:$0x3F9D];
	s0 =	simm.s32 @p0 $0x1  }
0x13: {  	[smem:$0x3FB8] =	sst s0;
	s0 =	simm.s32 @!p1 $0x0  }
0x14: {  	s2 =	sld [smem:$0x3F9C];
	s0 =	simm.s32 @p1 $0x1  }
0x15: {  	[smem:$0x3FB9] =	sst s0;
	s0 =	simm.s32 @!p2 $0x0  }
0x16: {  	s3 =	sld [smem:$0x3FDB];
	s0 =	simm.s32 @p2 $0x1  }
0x17: {  	s4 =	simm.s32 $0x1BF5;
	[smem:$0x3FBB] =	sst s0  }
0x18: {  	s0 =	sld [smem:$0x3F9E];
	_ =	swait.ge [sflag:s4], $0x0  }
0x19: {  	s7 =	sld [smem:$0x3F9F]  }
0x1a: {  	s8 =	sadd.s32 $0xFFFFE003, lr  }
0x1b: {  	s9 =	sadd.s32 $0xFFFFFEF7, lr;
	s5 =	simm.s32 $0xFFFFFFFF;
	p2 =	slt.u32 s8, $0xFFFFF086  }
0x1c: {  	p1 =	slt.u32 s9, $0xF7A;
	s5 =	simm.s32 @!p2 $0x0  }
0x1d: {  	s5 =	simm.s32 @p1 $0x1;
	p0 =	seq.s32 s7, s2  }
0x1e: {  	s7 =	smul.u32 @!p0 $0xF7A, s2;
	p2 =	seq.s32 @!p0 s5, $0x0  }
0x1f: {  	s9 =	smul.u32 $0xF7A, s1;
	s8 =	simm.s32 @!p0 $0x1BF5;
	p2 =	por !p2, p0  }
0x20: {  	[sflag:s8] =	ssyncset.s32 @!p0 $0xFFFFF086;
	s6 =	sadd.s32 @!p0 s3, s7;
	s7 =	simm.s32 @!p0 $0x108  }
0x21: {  	s3 =	sadd.s32 s3, s9;
	s6 =	sadd.s32 @!p0 $0x88, s6;
	s7 =	simm.s32 @p2 $0x1082  }
0x22: {  	[simem:s7], [sflag:s8] =	dma.local @!p0 [hbm:s6], $0xF7A  }
0x23: {  	s9 =	sor.u32 $0xD0000000, s2;
	s6 =	simm.s32 $0x108;
	_ =	swait.ge @!p0 [sflag:s8], $0x0  }
0x24: {  	s3 =	sadd.s32 $0x88, s3;
	s6 =	simm.s32 @!p1 $0x1082;
	[sflag:s4] =	ssyncset.s32 $0xFFFFF086  }
0x25: {  	[simem:s6], [sflag:s4] =	dma.local [hbm:s3], $0xF7A  }
0x26: {  	[smem:$0x3F9F] =	sst s1;
	(tag) =	ssettag s2;
	_ =	strace s9  }
0x27: {  	s1 =	sld [smem:$0x3FAF]  }
0x28: {  	s2 =	sld [smem:$0x3FB0]  }
0x29: {  	s4 =	sld [smem:$0x3FB2]  }
0x2a: {  	p0 =	seq.s32 s5, $0x0;
	s5 =	sld [smem:$0x3FB3]  }
0x2b: {  	s6 =	sld [smem:$0x3FB4]  }
0x2c: {  	s7 =	sld [smem:$0x3FB5]  }
0x2d: {  	s3 =	simm.s32 $0x108;
	s8 =	sld [smem:$0x3FB6]  }
0x2e: {  	s3 =	simm.s32 @!p0 $0x1082;
	s9 =	sld [smem:$0x3FB7]  }
0x2f: {  	lr =	sadd.s32 s0, s3;
	s0 =	sld [smem:$0x3FAE]  }
0x30: {  	s3 =	sld [smem:$0x3FB1]  }
0x31: {  	[smem:$0x3FBA] =	sst s10  }
0x32: {  	s10 =	sld [smem:$0x3FB8];
	_ =	sdelay $0x3  }
0x33: {  	p0 =	seq.s32 s10, $0x1;
	s10 =	sld [smem:$0x3FBA];
	_ =	sdelay $0x3  }
0x34: {  	[smem:$0x3FBA] =	sst s10  }
0x35: {  	s10 =	sld [smem:$0x3FB9];
	_ =	sdelay $0x3  }
0x36: {  	p1 =	seq.s32 s10, $0x1;
	s10 =	sld [smem:$0x3FBA];
	_ =	sdelay $0x3  }
0x37: {  	[smem:$0x3FBA] =	sst s10  }
0x38: {  	s10 =	sld [smem:$0x3FBB]  }
0x39: {  	_ = 	snop;
	(pc) =	sbr.ind lr, $3  }
0x3a: {  	_ = 	snop  }
0x3b: {  	_ = 	snop  }
0x3c: {  	p2 =	seq.s32 s10, $0x1;
	s10 =	sld [smem:$0x3FBA]  }
0x3d: {  	_ =	shalt  }
0x3e: {  	_ =	shalt  }
0x3f: {  	_ =	shalt  }
0x40: {  	_ =	shalt  }
0x41: {  	_ =	shalt  }
0x42: {  	_ =	shalt  }
0x43: {  	_ =	shalt  }
0x44: {  	_ =	shalt  }
0x45: {  	_ =	shalt  }
0x46: {  	_ =	shalt  }
0x47: {  	_ =	shalt  }
0x48: {  	_ =	shalt  }
0x49: {  	_ =	shalt  }
0x4a: {  	_ =	shalt  }
0x4b: {  	_ =	shalt  }
0x4c: {  	_ =	shalt  }
0x4d: {  	_ =	shalt  }
0x4e: {  	_ =	shalt  }
0x4f: {  	_ =	shalt  }
0x50: {  	_ =	shalt  }
0x51: {  	_ =	shalt  }
0x52: {  	_ =	shalt  }
0x53: {  	_ =	shalt  }
0x54: {  	_ =	shalt  }
0x55: {  	_ =	shalt  }
0x56: {  	_ =	shalt  }
0x57: {  	_ =	shalt  }
0x58: {  	_ =	shalt  }
0x59: {  	_ =	shalt  }
0x5a: {  	_ =	shalt  }
0x5b: {  	_ =	shalt  }
0x5c: {  	_ =	shalt  }
0x5d: {  	_ =	shalt  }
0x5e: {  	_ =	shalt  }
0x5f: {  	_ =	shalt  }
0x60: {  	_ =	shalt  }
0x61: {  	_ =	shalt  }
0x62: {  	_ =	shalt  }
0x63: {  	_ =	shalt  }
0x64: {  	_ =	shalt  }
0x65: {  	_ =	shalt  }
0x66: {  	_ =	shalt  }
0x67: {  	_ =	shalt  }
0x68: {  	_ =	shalt  }
0x69: {  	_ =	shalt  }
0x6a: {  	_ =	shalt  }
0x6b: {  	_ =	shalt  }
0x6c: {  	_ =	shalt  }
0x6d: {  	_ =	shalt  }
0x6e: {  	_ =	shalt  }
0x6f: {  	_ =	shalt  }
0x70: {  	_ =	shalt  }
0x71: {  	_ =	shalt  }
0x72: {  	_ =	shalt  }
0x73: {  	_ =	shalt  }
0x74: {  	_ =	shalt  }
0x75: {  	_ =	shalt  }
0x76: {  	_ =	shalt  }
0x77: {  	_ =	shalt  }
0x78: {  	_ =	shalt  }
0x79: {  	_ =	shalt  }
0x7a: {  	_ =	shalt  }
0x7b: {  	_ =	shalt  }
0x7c: {  	_ =	shalt  }
0x7d: {  	_ =	shalt  }
0x7e: {  	_ =	shalt  }
0x7f: {  	_ =	shalt  }
0x80: {  	_ =	shalt  }
0x81: {  	_ =	shalt  }
0x82: {  	_ =	shalt  }
0x83: {  	_ =	shalt  }
0x84: {  	_ =	shalt  }
0x85: {  	_ =	shalt  }
0x86: {  	_ =	shalt  }
0x87: {  	_ =	shalt  }
.Lfunc_end0:
.L_simem_size_0:
called_computation_lowered:
.L_overlay_start_0:
0x88: {  	s2 =	sld [smem:$0x3FD9]  }
0x89: {  	s3 =	sld [smem:$0x3FFE];
	_ =	sdelay $0x1  }
0x8a: {  	s1 =	srdreg.scid  }
0x8b: {  	s0 =	sand.u32 $0x1, s1  }
0x8c: {  	s17 =	sshll.u32 s0, $0xA;
	s2 =	sadd.s32 s3, s2  }
0x8d: {  	s2 =	sadd.s32 s2, s17  }
0x8e: {  	[smem:$0x3FC6] =	sst s2  }
0x8f: {  	_ = 	snop  }
0x90: {  	s2 =	sld [smem:$0x3FD0];
	(tm) =	ssettm $0x1  }
0x91: {  	s18 =	sld [smem:$0x3FFB];
	_ =	sdelay $0x3  }
0x92: {  	_ =	strace s18  }
0x93: {  	s3 =	sld [smem:$0x3FFC];
	_ =	sdelay $0x3  }
0x94: {  	_ =	strace s3  }
0x95: {  	s3 =	sld [smem:$0x3FFD];
	_ =	sdelay $0x3  }
0x96: {  	_ =	strace s3  }
0x97: {  	_ =	strace $0x8FFFFFFF  }
0x98: {  	s19 =	sld [smem:$0x3FDB];
	_ =	sdelay $0x1  }
0x99: {  	s4 =	simm.s32 $_scs_section_size  }
0x9a: {  	s5 =	simm.s32 $_size__tile_overlayer_lowered;
	s6 =	simm.s32 $_tile_overlayer_lowered  }
0x9b: {  	s22 =	simm.s32 $0x1BFF;
	s21 =	sshll.u32 s6, $0x1;
	s3 =	sadd.s32 s4, s19  }
0x9c: {  	s7 =	simm.s32 $0x0;
	s20 =	sshll.u32 s5, $0x1;
	s5 =	sadd.s32 s21, s3  }
0x9d: {  	[timem:s7], [sflag:s22] =	dma.local [hbm:s5], s20  }
0x9e: {  	_ =	swait.ge [sflag:s22], s20  }
0x9f: {  	s4 =	ssub.s32 $0x0, s20;
	[sflag:s22] =	ssyncset.done $0x0  }
0xa0: {  	[sflag:s22] =	ssyncadd.s32 s4;
	_ =	sdelay $0x1  }
0xa1: {  	s23 =	simm.s32 $0x1B8B  }
0xa2: {  	_ =	swait.ge [sflag:s23], $0x1  }
0xa3: {  	[sflag:s23] =	ssyncset.done $0x0  }
0xa4: {  	s25 =	simm.s32 $0x1B8E;
	s24 =	sld [smem:$0x3FFE];
	[sflag:s23] =	ssyncadd.s32 $0xFFFFFFFF  }
0xa5: {  	s26 =	simm.s32 $execute0_lowered;
	[smem:$0x3FD2] =	sst s25  }
0xa6: {  	s5 =	sshll.u32 s26, $0x1;
	_ =	strace $0x80000046;
	[dreg:$0x1] =	wrdreg $0xFFFFFFFF  }
0xa7: {  	s28 =	simm.s32 $_size_execute0_lowered;
	s3 =	sadd.s32 s3, s5;
	[dreg:$0x0] =	wrdreg $0x0  }
0xa8: {  	s5 =	sshll.u32 s28, $0x1;
	[dreg:$0x2] =	wrdreg s3  }
0xa9: {  	[dreg:$0x3] =	wrdreg s5  }
0xaa: {  	[dreg:$0x4] =	wrdreg $0xC0  }
0xab: {  	_ =	task [dreg:s7], $0x5FFFF  }
0xac: {  	[dreg:$0x1] =	wrdreg $0xFFFFFFFF  }
0xad: {  	[dreg:$0x0] =	wrdreg $0x60  }
0xae: {  	[dreg:$0x2] =	wrdreg s24  }
0xaf: {  	[dreg:$0x3] =	wrdreg s2  }
0xb0: {  	[dreg:$0x4] =	wrdreg $0x9  }
0xb1: {  	_ =	task.clear_ibuf [dreg:s7], $0x5FFFF;
	_ =	strace $0x90000046  }
0xb2: {  	s29 =	simm.s32 $0x9;
	_ =	strace $0x80000048  }
0xb3: {  	_ =	swait.ge [sflag:s29], $0x1  }
0xb4: {  	[sflag:s29] =	ssyncadd.s32 $0xFFFFFFFF  }
0xb5: {  	_ =	strace $0x90000048  }
0xb6: {  	_ =	sfence  }
0xb7: {  	s30 =	sld [smem:$0x0];
	_ =	sdelay $0x2  }
0xb8: {  	s31 =	sshll.u32 s1, $0xD;
	s1 =	sshrl.u32 s1, $0x2  }
0xb9: {  	s3 =	sand.u32 $0x4000, s31;
	s1 =	sadd.s32 s1, s30  }
0xba: {  	s0 =	sor.u32 s3, s0;
	s1 =	sshll.u32 s1, $0x11  }
0xbb: {  	s0 =	sor.u32 s1, s0  }
0xbc: {  	s0 =	sadd.s32 $0x8F2B, s0  }
0xbd: {  	[sflag:s0] =	ssyncadd.remote.s32 $0x1  }
0xbe: {  	_ =	sfence.sel $0xFFFF  }
0xbf: {  	[dreg:$0x0] =	wrdreg $0xFFFFFFFF;
	(pc) =	sbr.abs _section_cstart, $3  }
0xc0: {  	[dreg:$0x1] =	wrdreg $0xFFFFFFFF  }
0xc1: {  	_ =	task.clear_ibuf [dreg:s7], $0x2FFFF;
	_ =	strace $0x9FFFFFFF  }
0xc2: {  	(tm) =	ssettm $0x7FFFFFFF  }
0xc3: {  	_ =	shalt  }
tec
execute0_lowered:
.L_overlay_start_1:
0x0: {  	(tag) =	ssettag $0x1  }
0x1: {  	s0 =	rddreg [dreg:$0x0]  }
0x2: {  	s7 =	rddreg [dreg:$0x1];
	s2 =	simm.s32 $0x0;
	s1 =	srdreg.scid  }
0x3: {  	s6 =	stileid.u32;
	[smem:$0x7FF] =	sst s2;
	s1 =	sand.u32 $0x1, s1  }
0x4: {  	s12 =	sshll.u32 s6, $0x1;
	s4 =	sadd.s32 $0x6800, s0;
	s14 =	smul.u32 $0xC8000, s6  }
0x5: {  	s2 =	sor.u32 s1, s12;
	s5 =	ssub.s32 $0x2, s1;
	s1 =	smul.u32 $0x64000, s1  }
0x6: {  	_ =	strace $0x80000047;
	s3 =	sshll.u32 s2, $0x4;
	s13 =	sshrl.u32 s5, $0x1  }
0x7: {  	s3 =	sadd.s32 s3, s0;
	s0 =	ssub.s32 s5, s13;
	s1 =	sadd.s32 s1, s14  }
0x8: {  	s3 =	sadd.s32 $0x400, s3;
	s22 =	sadd.s32 $0x10000, s1;
	s24 =	sadd.s32 $0xC000, s1  }
0x9: {  	s26 =	sadd.s32 $0x8000, s1;
	s0 =	smax.u32 s0, $0x1;
	[dreg:$0x8] =	wrdreg s3  }
0xa: {  	s29 =	sadd.s32 $0x4000, s1;
	s1 =	sshrl.u32 s1, $0x3;
	[dreg:$0x13] =	wrdreg s0  }
0xb: {  	s2 =	smul.u32 $0x64000, s2;
	s3 =	sshrl.u32 s22, $0x3;
	[dreg:$0x7] =	wrdreg s1  }
0xc: {  	s25 =	sshrl.u32 s24, $0x3;
	[dreg:$0x3] =	wrdreg s3  }
0xd: {  	s2 =	sshrl.u32 s2, $0x3;
	s28 =	sshrl.u32 s26, $0x3;
	[dreg:$0x4] =	wrdreg s25  }
0xe: {  	s2 =	sadd.s32 s7, s2;
	s31 =	sshrl.u32 s29, $0x3;
	[dreg:$0x5] =	wrdreg s28  }
0xf: {  	s15 =	sadd.s32 $0xA000, s2;
	[dreg:$0x6] =	wrdreg s31  }
0x10: {  	s8 =	simm.s32 $0x8;
	s16 =	sadd.s32 $0xA008, s2;
	[dreg:$0x9] =	wrdreg s15  }
0x11: {  	s9 =	simm.s32 $0x9;
	s17 =	sadd.s32 $0xA800, s2;
	[dreg:$0xa] =	wrdreg s16  }
0x12: {  	s10 =	simm.s32 $0xA;
	s18 =	sadd.s32 $0xA808, s2;
	[dreg:$0xb] =	wrdreg s17  }
0x13: {  	s11 =	simm.s32 $0xB;
	s19 =	sadd.s32 $0xB000, s2;
	[dreg:$0xc] =	wrdreg s18  }
0x14: {  	s12 =	simm.s32 $0xC;
	s20 =	sadd.s32 $0xB008, s2;
	[dreg:$0xd] =	wrdreg s19  }
0x15: {  	s13 =	simm.s32 $0xD;
	s21 =	sadd.s32 $0xB800, s2;
	[dreg:$0xe] =	wrdreg s20  }
0x16: {  	s14 =	simm.s32 $0xE;
	s23 =	sadd.s32 $0xB808, s2;
	[dreg:$0xf] =	wrdreg s21  }
0x17: {  	s1 =	simm.s32 $0x40;
	s30 =	sadd.s32 $0xC000, s2;
	[dreg:$0x10] =	wrdreg s23  }
0x18: {  	s7 =	simm.s32 $0x7;
	s2 =	sadd.s32 $0xC008, s2;
	[dreg:$0x11] =	wrdreg s30  }
0x19: {  	s0 =	simm.s32 $0x0;
	[dreg:$0x12] =	wrdreg s2;
	s17 =	simm.s32 $0x80  }
0x1a: {  	s15 =	simm.s32 $0xF;
	s16 =	simm.s32 $0x10;
	s19 =	simm.s32 $0x11  }
0x1b: {  	s2 =	simm.s32 $0x12;
	s20 =	simm.s32 $0x13;
	s21 =	simm.s32 $0x14  }
.LBB2_1:
0x1c: {  	[dreg:$0x14] =	wrdreg s0;
	s23 =	simm.s32 $0x0  }
0x1d: {  	s25 =	rddreg [dreg:$0x8];
	s28 =	simm.s32 $0x1000;
	s26 =	simm.s32 $0x15  }
0x1e: {  	[tilespmem:s23], [sflag:$0x15] =	stream.strided.gather [hbm4b:s25+s17], $0x1900, s28, s17, $0x38;
	[tilespmem:$0x15900] =	vst v63  }
0x1f: {  	_ =	swait.ge [sflag:s26], $0x1900  }
0x20: {  	[sflag:s26] =	ssyncset.done $0x0  }
0x21: {  	s0 =	simm.s32 $0x1900;
	[sflag:s26] =	ssyncadd.s32 $0xFFFFE700  }
0x22: {  	[tilespmem:s0], [sflag:$0x1] =	stream.indirect.gather [hbm4b:s4+s17], $0x40, s23, s17, $0xb8;
	[tilespmem:$0x15900] =	vst v63  }
0x23: {  	s18 =	simm.s32 $0x3900  }
0x24: {  	[tilespmem:s18], [sflag:$0x2] =	stream.indirect.gather [hbm4b:s4+s17], $0x40, s17, s17, $0xb8;
	[tilespmem:$0x15900] =	vst v63  }
0x25: {  	s29 =	simm.s32 $0x100;
	s24 =	simm.s32 $0x5900  }
0x26: {  	[tilespmem:s24], [sflag:$0x3] =	stream.indirect.gather [hbm4b:s4+s17], $0x40, s29, s17, $0xb8;
	[tilespmem:$0x15900] =	vst v63  }
0x27: {  	s30 =	simm.s32 $0x180;
	s28 =	simm.s32 $0x7900  }
0x28: {  	[tilespmem:s28], [sflag:$0x4] =	stream.indirect.gather [hbm4b:s4+s17], $0x40, s30, s17, $0xb8;
	[tilespmem:$0x15900] =	vst v63  }
0x29: {  	s31 =	simm.s32 $0x200;
	s22 =	simm.s32 $0x9900  }
0x2a: {  	[tilespmem:s22], [sflag:$0x5] =	stream.indirect.gather [hbm4b:s4+s17], $0x40, s31, s17, $0xb8;
	[tilespmem:$0x15900] =	vst v63  }
0x2b: {  	s3 =	simm.s32 $0x280;
	s26 =	simm.s32 $0xB900  }
0x2c: {  	[tilespmem:s26], [sflag:$0x6] =	stream.indirect.gather [hbm4b:s4+s17], $0x40, s3, s17, $0xb8;
	[tilespmem:$0x15900] =	vst v63  }
0x2d: {  	s5 =	simm.s32 $0x300;
	s3 =	simm.s32 $0xD900  }
0x2e: {  	[tilespmem:s3], [sflag:$0x7] =	stream.indirect.gather [hbm4b:s4+s17], $0x40, s5, s17, $0xb8;
	[tilespmem:$0x15900] =	vst v63  }
0x2f: {  	s6 =	simm.s32 $0x380;
	s29 =	simm.s32 $0xF900  }
0x30: {  	[tilespmem:s29], [sflag:$0x8] =	stream.indirect.gather [hbm4b:s4+s17], $0x40, s6, s17, $0xb8;
	[tilespmem:$0x15900] =	vst v63  }
0x31: {  	s30 =	simm.s32 $0x11900;
	s5 =	simm.s32 $0x400  }
0x32: {  	[tilespmem:s30], [sflag:$0x9] =	stream.indirect.gather [hbm4b:s4+s17], $0x40, s5, s17, $0xb8;
	[tilespmem:$0x15900] =	vst v63  }
0x33: {  	s25 =	simm.s32 $0x1;
	s23 =	simm.s32 $0x480;
	s6 =	simm.s32 $0x13900  }
0x34: {  	[tilespmem:s6], [sflag:$0xA] =	stream.indirect.gather [hbm4b:s4+s17], $0x40, s23, s17, $0xb8;
	[tilespmem:$0x15900] =	vst v63  }
0x35: {  	_ =	swait.ge [sflag:s25], $0x2000  }
0x36: {  	[sflag:s25] =	ssyncset.done $0x0  }
0x37: {  	s31 =	rddreg [dreg:$0x7];
	[sflag:s25] =	ssyncadd.s32 $0xFFFFE000  }
0x38: {  	s25 =	rddreg [dreg:$0x1]  }
0x39: {  	s23 =	sadd.s32 s25, s31;
	s31 =	simm.s32 $0x2  }
0x3a: {  	[hbm4b:s23+s1] =	stream.strided.scatter [tilespmem:s0], [sflag:$0xB], $0x2000, s17, s1, $0x38;
	[tilespmem:$0x15900] =	vst v63  }
0x3b: {  	_ =	swait.ge [sflag:s31], $0x2000  }
0x3c: {  	[sflag:s31] =	ssyncset.done $0x0  }
0x3d: {  	s23 =	sadd.s32 $0x8, s23;
	[sflag:s31] =	ssyncadd.s32 $0xFFFFE000  }
0x3e: {  	[hbm4b:s23+s1] =	stream.strided.scatter [tilespmem:s18], [sflag:$0xC], $0x2000, s17, s1, $0x38;
	[tilespmem:$0x15900] =	vst v63  }
0x3f: {  	s23 =	simm.s32 $0x3  }
0x40: {  	_ =	swait.ge [sflag:s23], $0x2000  }
0x41: {  	s31 =	rddreg [dreg:$0x6];
	[sflag:s23] =	ssyncset.done $0x0  }
0x42: {  	[sflag:s23] =	ssyncadd.s32 $0xFFFFE000;
	s23 =	sadd.s32 s25, s31;
	s31 =	simm.s32 $0x4  }
0x43: {  	[hbm4b:s23+s1] =	stream.strided.scatter [tilespmem:s24], [sflag:$0xD], $0x2000, s17, s1, $0x38;
	[tilespmem:$0x15900] =	vst v63  }
0x44: {  	_ =	swait.ge [sflag:s31], $0x2000  }
0x45: {  	[sflag:s31] =	ssyncset.done $0x0  }
0x46: {  	s23 =	sadd.s32 $0x8, s23;
	[sflag:s31] =	ssyncadd.s32 $0xFFFFE000  }
0x47: {  	[hbm4b:s23+s1] =	stream.strided.scatter [tilespmem:s28], [sflag:$0xE], $0x2000, s17, s1, $0x38;
	[tilespmem:$0x15900] =	vst v63  }
0x48: {  	s23 =	simm.s32 $0x5  }
0x49: {  	_ =	swait.ge [sflag:s23], $0x2000  }
0x4a: {  	s31 =	rddreg [dreg:$0x5];
	[sflag:s23] =	ssyncset.done $0x0  }
0x4b: {  	[sflag:s23] =	ssyncadd.s32 $0xFFFFE000;
	s23 =	sadd.s32 s25, s31;
	s31 =	simm.s32 $0x6  }
0x4c: {  	[hbm4b:s23+s1] =	stream.strided.scatter [tilespmem:s22], [sflag:$0xF], $0x2000, s17, s1, $0x38;
	[tilespmem:$0x15900] =	vst v63  }
0x4d: {  	_ =	swait.ge [sflag:s31], $0x2000  }
0x4e: {  	[sflag:s31] =	ssyncset.done $0x0  }
0x4f: {  	s23 =	sadd.s32 $0x8, s23;
	[sflag:s31] =	ssyncadd.s32 $0xFFFFE000  }
0x50: {  	[hbm4b:s23+s1] =	stream.strided.scatter [tilespmem:s26], [sflag:$0x10], $0x2000, s17, s1, $0x38;
	[tilespmem:$0x15900] =	vst v63  }
0x51: {  	_ =	swait.ge [sflag:s7], $0x2000  }
0x52: {  	s31 =	rddreg [dreg:$0x4];
	[sflag:s7] =	ssyncset.done $0x0  }
0x53: {  	[sflag:s7] =	ssyncadd.s32 $0xFFFFE000;
	s23 =	sadd.s32 s25, s31  }
0x54: {  	[hbm4b:s23+s1] =	stream.strided.scatter [tilespmem:s3], [sflag:$0x11], $0x2000, s17, s1, $0x38;
	[tilespmem:$0x15900] =	vst v63  }
0x55: {  	_ =	swait.ge [sflag:s8], $0x2000  }
0x56: {  	[sflag:s8] =	ssyncset.done $0x0  }
0x57: {  	s23 =	sadd.s32 $0x8, s23;
	[sflag:s8] =	ssyncadd.s32 $0xFFFFE000  }
0x58: {  	[hbm4b:s23+s1] =	stream.strided.scatter [tilespmem:s29], [sflag:$0x12], $0x2000, s17, s1, $0x38;
	[tilespmem:$0x15900] =	vst v63  }
0x59: {  	_ =	swait.ge [sflag:s9], $0x2000  }
0x5a: {  	s5 =	rddreg [dreg:$0x3];
	[sflag:s9] =	ssyncset.done $0x0  }
0x5b: {  	[sflag:s9] =	ssyncadd.s32 $0xFFFFE000;
	s23 =	sadd.s32 s25, s5  }
0x5c: {  	[hbm4b:s23+s1] =	stream.strided.scatter [tilespmem:s30], [sflag:$0x13], $0x2000, s17, s1, $0x38;
	[tilespmem:$0x15900] =	vst v63  }
0x5d: {  	_ =	swait.ge [sflag:s10], $0x2000  }
0x5e: {  	[sflag:s10] =	ssyncset.done $0x0  }
0x5f: {  	s23 =	sadd.s32 $0x8, s23;
	[sflag:s10] =	ssyncadd.s32 $0xFFFFE000  }
0x60: {  	[hbm4b:s23+s1] =	stream.strided.scatter [tilespmem:s6], [sflag:$0x14], $0x2000, s17, s1, $0x38;
	[tilespmem:$0x15900] =	vst v63  }
0x61: {  	_ =	swait.ge [sflag:s11], $0x2000  }
0x62: {  	[sflag:s11] =	ssyncset.done $0x0  }
0x63: {  	s31 =	simm.s32 $0x500;
	[sflag:s11] =	ssyncadd.s32 $0xFFFFE000  }
0x64: {  	[tilespmem:s0], [sflag:$0x1] =	stream.indirect.gather [hbm4b:s4+s17], $0x40, s31, s17, $0xb8;
	[tilespmem:$0x15900] =	vst v63  }
0x65: {  	_ =	swait.ge [sflag:s12], $0x2000  }
0x66: {  	[sflag:s12] =	ssyncset.done $0x0  }
0x67: {  	s0 =	simm.s32 $0x580;
	[sflag:s12] =	ssyncadd.s32 $0xFFFFE000  }
0x68: {  	[tilespmem:s18], [sflag:$0x2] =	stream.indirect.gather [hbm4b:s4+s17], $0x40, s0, s17, $0xb8;
	[tilespmem:$0x15900] =	vst v63  }
0x69: {  	_ =	swait.ge [sflag:s13], $0x2000  }
0x6a: {  	[sflag:s13] =	ssyncset.done $0x0  }
0x6b: {  	s5 =	simm.s32 $0x600;
	[sflag:s13] =	ssyncadd.s32 $0xFFFFE000  }
0x6c: {  	[tilespmem:s24], [sflag:$0x3] =	stream.indirect.gather [hbm4b:s4+s17], $0x40, s5, s17, $0xb8;
	[tilespmem:$0x15900] =	vst v63  }
0x6d: {  	_ =	swait.ge [sflag:s14], $0x2000  }
0x6e: {  	[sflag:s14] =	ssyncset.done $0x0  }
0x6f: {  	s6 =	simm.s32 $0x680;
	[sflag:s14] =	ssyncadd.s32 $0xFFFFE000  }
0x70: {  	[tilespmem:s28], [sflag:$0x4] =	stream.indirect.gather [hbm4b:s4+s17], $0x40, s6, s17, $0xb8;
	[tilespmem:$0x15900] =	vst v63  }
0x71: {  	_ =	swait.ge [sflag:s15], $0x2000  }
0x72: {  	[sflag:s15] =	ssyncset.done $0x0  }
0x73: {  	s18 =	simm.s32 $0x700;
	[sflag:s15] =	ssyncadd.s32 $0xFFFFE000  }
0x74: {  	[tilespmem:s22], [sflag:$0x5] =	stream.indirect.gather [hbm4b:s4+s17], $0x40, s18, s17, $0xb8;
	[tilespmem:$0x15900] =	vst v63  }
0x75: {  	_ =	swait.ge [sflag:s16], $0x2000  }
0x76: {  	[sflag:s16] =	ssyncset.done $0x0  }
0x77: {  	s22 =	simm.s32 $0x780;
	[sflag:s16] =	ssyncadd.s32 $0xFFFFE000  }
0x78: {  	[tilespmem:s26], [sflag:$0x6] =	stream.indirect.gather [hbm4b:s4+s17], $0x40, s22, s17, $0xb8;
	[tilespmem:$0x15900] =	vst v63  }
0x79: {  	_ =	swait.ge [sflag:s19], $0x2000  }
0x7a: {  	[sflag:s19] =	ssyncset.done $0x0  }
0x7b: {  	s24 =	simm.s32 $0x800;
	[sflag:s19] =	ssyncadd.s32 $0xFFFFE000  }
0x7c: {  	[tilespmem:s3], [sflag:$0x7] =	stream.indirect.gather [hbm4b:s4+s17], $0x40, s24, s17, $0xb8;
	[tilespmem:$0x15900] =	vst v63  }
0x7d: {  	_ =	swait.ge [sflag:s2], $0x2000  }
0x7e: {  	[sflag:s2] =	ssyncset.done $0x0  }
0x7f: {  	s26 =	simm.s32 $0x880;
	[sflag:s2] =	ssyncadd.s32 $0xFFFFE000  }
0x80: {  	[tilespmem:s29], [sflag:$0x8] =	stream.indirect.gather [hbm4b:s4+s17], $0x40, s26, s17, $0xb8;
	[tilespmem:$0x15900] =	vst v63  }
0x81: {  	_ =	swait.ge [sflag:s20], $0x2000  }
0x82: {  	[sflag:s20] =	ssyncset.done $0x0  }
0x83: {  	s31 =	simm.s32 $0x900;
	[sflag:s20] =	ssyncadd.s32 $0xFFFFE000  }
0x84: {  	[tilespmem:s30], [sflag:$0x9] =	stream.indirect.gather [hbm4b:s4+s17], $0x40, s31, s17, $0xb8;
	[tilespmem:$0x15900] =	vst v63  }
0x85: {  	_ =	swait.ge [sflag:s21], $0x2000  }
0x86: {  	s25 =	sadd.s32 $0x2800, s25;
	[sflag:s21] =	ssyncset.done $0x0  }
0x87: {  	s23 =	simm.s32 $0x1400;
	s28 =	simm.s32 $0x980;
	[sflag:s21] =	ssyncadd.s32 $0xFFFFE000  }
.LBB2_2:
0x88: {  	s18 =	simm.s32 $0x13900;
	s0 =	simm.s32 $0x1  }
0x89: {  	[tilespmem:s18], [sflag:$0xA] =	stream.indirect.gather [hbm4b:s4+s17], $0x40, s28, s17, $0xb8;
	[tilespmem:$0x15900] =	vst v63  }
0x8a: {  	_ =	swait.ge [sflag:s0], $0x2000  }
0x8b: {  	s3 =	simm.s32 $0x2;
	s30 =	rddreg [dreg:$0x7];
	[sflag:s0] =	ssyncset.done $0x0  }
0x8c: {  	[sflag:s0] =	ssyncadd.s32 $0xFFFFE000;
	s30 =	sadd.s32 s25, s30;
	s0 =	simm.s32 $0x1900  }
0x8d: {  	[hbm4b:s30+s1] =	stream.strided.scatter [tilespmem:s0], [sflag:$0xB], $0x2000, s17, s1, $0x38;
	[tilespmem:$0x15900] =	vst v63  }
0x8e: {  	_ =	swait.ge [sflag:s3], $0x2000  }
0x8f: {  	s24 =	simm.s32 $0x3900;
	[sflag:s3] =	ssyncset.done $0x0  }
0x90: {  	s22 =	simm.s32 $0x3;
	s30 =	sadd.s32 $0x8, s30;
	[sflag:s3] =	ssyncadd.s32 $0xFFFFE000  }
0x91: {  	[hbm4b:s30+s1] =	stream.strided.scatter [tilespmem:s24], [sflag:$0xC], $0x2000, s17, s1, $0x38;
	[tilespmem:$0x15900] =	vst v63  }
0x92: {  	_ =	swait.ge [sflag:s22], $0x2000  }
0x93: {  	s29 =	simm.s32 $0x5900;
	s26 =	rddreg [dreg:$0x6];
	[sflag:s22] =	ssyncset.done $0x0  }
0x94: {  	s5 =	simm.s32 $0x4;
	[sflag:s22] =	ssyncadd.s32 $0xFFFFE000;
	s30 =	sadd.s32 s25, s26  }
0x95: {  	[hbm4b:s30+s1] =	stream.strided.scatter [tilespmem:s29], [sflag:$0xD], $0x2000, s17, s1, $0x38;
	[tilespmem:$0x15900] =	vst v63  }
0x96: {  	_ =	swait.ge [sflag:s5], $0x2000  }
0x97: {  	s31 =	simm.s32 $0x7900;
	[sflag:s5] =	ssyncset.done $0x0  }
0x98: {  	s6 =	simm.s32 $0x5;
	s30 =	sadd.s32 $0x8, s30;
	[sflag:s5] =	ssyncadd.s32 $0xFFFFE000  }
0x99: {  	[hbm4b:s30+s1] =	stream.strided.scatter [tilespmem:s31], [sflag:$0xE], $0x2000, s17, s1, $0x38;
	[tilespmem:$0x15900] =	vst v63  }
0x9a: {  	_ =	swait.ge [sflag:s6], $0x2000  }
0x9b: {  	s26 =	simm.s32 $0x6;
	s22 =	rddreg [dreg:$0x5];
	[sflag:s6] =	ssyncset.done $0x0  }
0x9c: {  	[sflag:s6] =	ssyncadd.s32 $0xFFFFE000;
	s30 =	sadd.s32 s25, s22;
	s22 =	simm.s32 $0x9900  }
0x9d: {  	[hbm4b:s30+s1] =	stream.strided.scatter [tilespmem:s22], [sflag:$0xF], $0x2000, s17, s1, $0x38;
	[tilespmem:$0x15900] =	vst v63  }
0x9e: {  	_ =	swait.ge [sflag:s26], $0x2000  }
0x9f: {  	[sflag:s26] =	ssyncset.done $0x0  }
0xa0: {  	s30 =	sadd.s32 $0x8, s30;
	[sflag:s26] =	ssyncadd.s32 $0xFFFFE000;
	s26 =	simm.s32 $0xB900  }
0xa1: {  	[hbm4b:s30+s1] =	stream.strided.scatter [tilespmem:s26], [sflag:$0x10], $0x2000, s17, s1, $0x38;
	[tilespmem:$0x15900] =	vst v63  }
0xa2: {  	_ =	swait.ge [sflag:s7], $0x2000  }
0xa3: {  	s5 =	rddreg [dreg:$0x4];
	[sflag:s7] =	ssyncset.done $0x0  }
0xa4: {  	s3 =	simm.s32 $0xD900;
	[sflag:s7] =	ssyncadd.s32 $0xFFFFE000;
	s30 =	sadd.s32 s25, s5  }
0xa5: {  	[hbm4b:s30+s1] =	stream.strided.scatter [tilespmem:s3], [sflag:$0x11], $0x2000, s17, s1, $0x38;
	[tilespmem:$0x15900] =	vst v63  }
0xa6: {  	_ =	swait.ge [sflag:s8], $0x2000  }
0xa7: {  	[sflag:s8] =	ssyncset.done $0x0  }
0xa8: {  	s5 =	simm.s32 $0xF900;
	s30 =	sadd.s32 $0x8, s30;
	[sflag:s8] =	ssyncadd.s32 $0xFFFFE000  }
0xa9: {  	[hbm4b:s30+s1] =	stream.strided.scatter [tilespmem:s5], [sflag:$0x12], $0x2000, s17, s1, $0x38;
	[tilespmem:$0x15900] =	vst v63  }
0xaa: {  	_ =	swait.ge [sflag:s9], $0x2000  }
0xab: {  	s6 =	rddreg [dreg:$0x3];
	[sflag:s9] =	ssyncset.done $0x0  }
0xac: {  	[sflag:s9] =	ssyncadd.s32 $0xFFFFE000;
	s30 =	sadd.s32 s25, s6;
	s6 =	simm.s32 $0x11900  }
0xad: {  	[hbm4b:s30+s1] =	stream.strided.scatter [tilespmem:s6], [sflag:$0x13], $0x2000, s17, s1, $0x38;
	[tilespmem:$0x15900] =	vst v63  }
0xae: {  	_ =	swait.ge [sflag:s10], $0x2000  }
0xaf: {  	[sflag:s10] =	ssyncset.done $0x0  }
0xb0: {  	s30 =	sadd.s32 $0x8, s30;
	[sflag:s10] =	ssyncadd.s32 $0xFFFFE000  }
0xb1: {  	[hbm4b:s30+s1] =	stream.strided.scatter [tilespmem:s18], [sflag:$0x14], $0x2000, s17, s1, $0x38;
	[tilespmem:$0x15900] =	vst v63  }
0xb2: {  	s28 =	smov.u32 s23;
	_ =	swait.ge [sflag:s11], $0x2000  }
0xb3: {  	s28 =	sshra.s32 s28, $0x2;
	[sflag:s11] =	ssyncset.done $0x0  }
0xb4: {  	s30 =	sadd.s32 $0x500, s28;
	[sflag:s11] =	ssyncadd.s32 $0xFFFFE000  }
0xb5: {  	[tilespmem:s0], [sflag:$0x1] =	stream.indirect.gather [hbm4b:s4+s17], $0x40, s30, s17, $0xb8;
	[tilespmem:$0x15900] =	vst v63  }
0xb6: {  	_ =	swait.ge [sflag:s12], $0x2000  }
0xb7: {  	[sflag:s12] =	ssyncset.done $0x0  }
0xb8: {  	s30 =	sadd.s32 $0x580, s28;
	[sflag:s12] =	ssyncadd.s32 $0xFFFFE000  }
0xb9: {  	[tilespmem:s24], [sflag:$0x2] =	stream.indirect.gather [hbm4b:s4+s17], $0x40, s30, s17, $0xb8;
	[tilespmem:$0x15900] =	vst v63  }
0xba: {  	_ =	swait.ge [sflag:s13], $0x2000  }
0xbb: {  	[sflag:s13] =	ssyncset.done $0x0  }
0xbc: {  	s30 =	sadd.s32 $0x600, s28;
	[sflag:s13] =	ssyncadd.s32 $0xFFFFE000  }
0xbd: {  	[tilespmem:s29], [sflag:$0x3] =	stream.indirect.gather [hbm4b:s4+s17], $0x40, s30, s17, $0xb8;
	[tilespmem:$0x15900] =	vst v63  }
0xbe: {  	_ =	swait.ge [sflag:s14], $0x2000  }
0xbf: {  	[sflag:s14] =	ssyncset.done $0x0  }
0xc0: {  	s30 =	sadd.s32 $0x680, s28;
	[sflag:s14] =	ssyncadd.s32 $0xFFFFE000  }
0xc1: {  	[tilespmem:s31], [sflag:$0x4] =	stream.indirect.gather [hbm4b:s4+s17], $0x40, s30, s17, $0xb8;
	[tilespmem:$0x15900] =	vst v63  }
0xc2: {  	_ =	swait.ge [sflag:s15], $0x2000  }
0xc3: {  	[sflag:s15] =	ssyncset.done $0x0  }
0xc4: {  	s30 =	sadd.s32 $0x700, s28;
	[sflag:s15] =	ssyncadd.s32 $0xFFFFE000  }
0xc5: {  	[tilespmem:s22], [sflag:$0x5] =	stream.indirect.gather [hbm4b:s4+s17], $0x40, s30, s17, $0xb8;
	[tilespmem:$0x15900] =	vst v63  }
0xc6: {  	_ =	swait.ge [sflag:s16], $0x2000  }
0xc7: {  	[sflag:s16] =	ssyncset.done $0x0  }
0xc8: {  	s30 =	sadd.s32 $0x780, s28;
	[sflag:s16] =	ssyncadd.s32 $0xFFFFE000  }
0xc9: {  	[tilespmem:s26], [sflag:$0x6] =	stream.indirect.gather [hbm4b:s4+s17], $0x40, s30, s17, $0xb8;
	[tilespmem:$0x15900] =	vst v63  }
0xca: {  	_ =	swait.ge [sflag:s19], $0x2000  }
0xcb: {  	[sflag:s19] =	ssyncset.done $0x0  }
0xcc: {  	s30 =	sadd.s32 $0x800, s28;
	[sflag:s19] =	ssyncadd.s32 $0xFFFFE000  }
0xcd: {  	[tilespmem:s3], [sflag:$0x7] =	stream.indirect.gather [hbm4b:s4+s17], $0x40, s30, s17, $0xb8;
	[tilespmem:$0x15900] =	vst v63  }
0xce: {  	_ =	swait.ge [sflag:s2], $0x2000  }
0xcf: {  	p0 =	sne.s32 s23, $0x3C00;
	s23 =	sadd.s32 $0x1400, s23;
	[sflag:s2] =	ssyncset.done $0x0  }
0xd0: {  	s25 =	sadd.s32 $0x2800, s25;
	s30 =	sadd.s32 $0x880, s28;
	[sflag:s2] =	ssyncadd.s32 $0xFFFFE000  }
0xd1: {  	[tilespmem:s5], [sflag:$0x8] =	stream.indirect.gather [hbm4b:s4+s17], $0x40, s30, s17, $0xb8;
	[tilespmem:$0x15900] =	vst v63  }
0xd2: {  	s18 =	simm.s32 $0x1900;
	s0 =	simm.s32 $0x3900;
	_ =	swait.ge [sflag:s20], $0x2000  }
0xd3: {  	s24 =	simm.s32 $0x5900;
	s29 =	simm.s32 $0x7900;
	[sflag:s20] =	ssyncset.done $0x0  }
.Ltmp0:
0xd4: {  	s30 =	sadd.s32 $0x900, s28;
	[sflag:s20] =	ssyncadd.s32 $0xFFFFE000;
	(pc) =	sbr.rel @p0 .LBB2_2-.Ltmp0, $4  }
0xd5: {  	[tilespmem:s6], [sflag:$0x9] =	stream.indirect.gather [hbm4b:s4+s17], $0x40, s30, s17, $0xb8;
	[tilespmem:$0x15900] =	vst v63  }
0xd6: {  	s31 =	simm.s32 $0x9900;
	s22 =	simm.s32 $0xB900;
	_ =	swait.ge [sflag:s21], $0x2000  }
0xd7: {  	s26 =	simm.s32 $0xD900;
	s3 =	simm.s32 $0xF900;
	[sflag:s21] =	ssyncset.done $0x0  }
0xd8: {  	s5 =	simm.s32 $0x11900;
	s28 =	sadd.s32 $0x980, s28;
	[sflag:s21] =	ssyncadd.s32 $0xFFFFE000  }
0xd9: {  	s6 =	simm.s32 $0x13900;
	s23 =	simm.s32 $0x1  }
0xda: {  	[tilespmem:s6], [sflag:$0xA] =	stream.indirect.gather [hbm4b:s4+s17], $0x40, s28, s17, $0xb8;
	[tilespmem:$0x15900] =	vst v63  }
0xdb: {  	_ =	swait.ge [sflag:s23], $0x2000  }
0xdc: {  	[sflag:s23] =	ssyncset.done $0x0  }
0xdd: {  	s25 =	simm.s32 $0x2;
	s30 =	rddreg [dreg:$0x9];
	[sflag:s23] =	ssyncadd.s32 $0xFFFFE000  }
0xde: {  	[hbm4b:s30+s1] =	stream.strided.scatter [tilespmem:s18], [sflag:$0xB], $0x2000, s17, s1, $0x38;
	[tilespmem:$0x15900] =	vst v63  }
0xdf: {  	_ =	swait.ge [sflag:s25], $0x2000  }
0xe0: {  	[sflag:s25] =	ssyncset.done $0x0  }
0xe1: {  	s30 =	simm.s32 $0x3;
	s28 =	rddreg [dreg:$0xa];
	[sflag:s25] =	ssyncadd.s32 $0xFFFFE000  }
0xe2: {  	[hbm4b:s28+s1] =	stream.strided.scatter [tilespmem:s0], [sflag:$0xC], $0x2000, s17, s1, $0x38;
	[tilespmem:$0x15900] =	vst v63  }
0xe3: {  	_ =	swait.ge [sflag:s30], $0x2000  }
0xe4: {  	[sflag:s30] =	ssyncset.done $0x0  }
0xe5: {  	s25 =	simm.s32 $0x4;
	s18 =	rddreg [dreg:$0xb];
	[sflag:s30] =	ssyncadd.s32 $0xFFFFE000  }
0xe6: {  	[hbm4b:s18+s1] =	stream.strided.scatter [tilespmem:s24], [sflag:$0xD], $0x2000, s17, s1, $0x38;
	[tilespmem:$0x15900] =	vst v63  }
0xe7: {  	_ =	swait.ge [sflag:s25], $0x2000  }
0xe8: {  	[sflag:s25] =	ssyncset.done $0x0  }
0xe9: {  	s30 =	simm.s32 $0x5;
	s28 =	rddreg [dreg:$0xc];
	[sflag:s25] =	ssyncadd.s32 $0xFFFFE000  }
0xea: {  	[hbm4b:s28+s1] =	stream.strided.scatter [tilespmem:s29], [sflag:$0xE], $0x2000, s17, s1, $0x38;
	[tilespmem:$0x15900] =	vst v63  }
0xeb: {  	_ =	swait.ge [sflag:s30], $0x2000  }
0xec: {  	[sflag:s30] =	ssyncset.done $0x0  }
0xed: {  	s23 =	simm.s32 $0x6;
	s18 =	rddreg [dreg:$0xd];
	[sflag:s30] =	ssyncadd.s32 $0xFFFFE000  }
0xee: {  	[hbm4b:s18+s1] =	stream.strided.scatter [tilespmem:s31], [sflag:$0xF], $0x2000, s17, s1, $0x38;
	[tilespmem:$0x15900] =	vst v63  }
0xef: {  	_ =	swait.ge [sflag:s23], $0x2000  }
0xf0: {  	[sflag:s23] =	ssyncset.done $0x0  }
0xf1: {  	s24 =	rddreg [dreg:$0xe];
	[sflag:s23] =	ssyncadd.s32 $0xFFFFE000  }
0xf2: {  	[hbm4b:s24+s1] =	stream.strided.scatter [tilespmem:s22], [sflag:$0x10], $0x2000, s17, s1, $0x38;
	[tilespmem:$0x15900] =	vst v63  }
0xf3: {  	_ =	swait.ge [sflag:s7], $0x2000  }
0xf4: {  	[sflag:s7] =	ssyncset.done $0x0  }
0xf5: {  	s25 =	rddreg [dreg:$0xf];
	[sflag:s7] =	ssyncadd.s32 $0xFFFFE000  }
0xf6: {  	[hbm4b:s25+s1] =	stream.strided.scatter [tilespmem:s26], [sflag:$0x11], $0x2000, s17, s1, $0x38;
	[tilespmem:$0x15900] =	vst v63  }
0xf7: {  	_ =	swait.ge [sflag:s8], $0x2000  }
0xf8: {  	[sflag:s8] =	ssyncset.done $0x0  }
0xf9: {  	s26 =	rddreg [dreg:$0x10];
	[sflag:s8] =	ssyncadd.s32 $0xFFFFE000  }
0xfa: {  	[hbm4b:s26+s1] =	stream.strided.scatter [tilespmem:s3], [sflag:$0x12], $0x2000, s17, s1, $0x38;
	[tilespmem:$0x15900] =	vst v63  }
0xfb: {  	_ =	swait.ge [sflag:s9], $0x2000  }
0xfc: {  	[sflag:s9] =	ssyncset.done $0x0  }
0xfd: {  	s28 =	rddreg [dreg:$0x11];
	[sflag:s9] =	ssyncadd.s32 $0xFFFFE000  }
0xfe: {  	[hbm4b:s28+s1] =	stream.strided.scatter [tilespmem:s5], [sflag:$0x13], $0x2000, s17, s1, $0x38;
	[tilespmem:$0x15900] =	vst v63  }
0xff: {  	_ =	swait.ge [sflag:s10], $0x2000  }
0x100: {  	[sflag:s10] =	ssyncset.done $0x0  }
0x101: {  	s29 =	rddreg [dreg:$0x12];
	[sflag:s10] =	ssyncadd.s32 $0xFFFFE000  }
0x102: {  	[hbm4b:s29+s1] =	stream.strided.scatter [tilespmem:s6], [sflag:$0x14], $0x2000, s17, s1, $0x38;
	[tilespmem:$0x15900] =	vst v63  }
0x103: {  	_ =	swait.ge [sflag:s11], $0x2000  }
0x104: {  	[sflag:s11] =	ssyncset.done $0x0  }
0x105: {  	[sflag:s11] =	ssyncadd.s32 $0xFFFFE000  }
0x106: {  	_ =	swait.ge [sflag:s12], $0x2000  }
0x107: {  	[sflag:s12] =	ssyncset.done $0x0  }
0x108: {  	[sflag:s12] =	ssyncadd.s32 $0xFFFFE000  }
0x109: {  	_ =	swait.ge [sflag:s13], $0x2000  }
0x10a: {  	[sflag:s13] =	ssyncset.done $0x0  }
0x10b: {  	[sflag:s13] =	ssyncadd.s32 $0xFFFFE000  }
0x10c: {  	_ =	swait.ge [sflag:s14], $0x2000  }
0x10d: {  	[sflag:s14] =	ssyncset.done $0x0  }
0x10e: {  	[sflag:s14] =	ssyncadd.s32 $0xFFFFE000  }
0x10f: {  	_ =	swait.ge [sflag:s15], $0x2000  }
0x110: {  	[sflag:s15] =	ssyncset.done $0x0  }
0x111: {  	[sflag:s15] =	ssyncadd.s32 $0xFFFFE000  }
0x112: {  	_ =	swait.ge [sflag:s16], $0x2000  }
0x113: {  	[sflag:s16] =	ssyncset.done $0x0  }
0x114: {  	[sflag:s16] =	ssyncadd.s32 $0xFFFFE000  }
0x115: {  	_ =	swait.ge [sflag:s19], $0x2000  }
0x116: {  	[sflag:s19] =	ssyncset.done $0x0  }
0x117: {  	[sflag:s19] =	ssyncadd.s32 $0xFFFFE000  }
0x118: {  	_ =	swait.ge [sflag:s2], $0x2000  }
0x119: {  	[sflag:s2] =	ssyncset.done $0x0  }
0x11a: {  	[sflag:s2] =	ssyncadd.s32 $0xFFFFE000  }
0x11b: {  	_ =	swait.ge [sflag:s20], $0x2000  }
0x11c: {  	[sflag:s20] =	ssyncset.done $0x0  }
0x11d: {  	[sflag:s20] =	ssyncadd.s32 $0xFFFFE000  }
0x11e: {  	_ =	swait.ge [sflag:s21], $0x2000  }
0x11f: {  	s30 =	rddreg [dreg:$0x14]  }
0x120: {  	s31 =	rddreg [dreg:$0x13];
	s0 =	sadd.s32 $0x1, s30  }
0x121: {  	p0 =	sne.s32 s0, s31  }
.Ltmp1:
0x122: {  	_ = 	snop;
	(pc) =	sbr.rel @p0 .LBB2_1-.Ltmp1, $3  }
0x123: {  	_ =	sdelay $0x1  }
0x124: {  	[sflag:s21] =	ssyncset.done $0x0  }
0x125: {  	[sflag:s21] =	ssyncadd.s32 $0xFFFFE000  }
0x126: {  	_ =	sfence.sel $0x180000  }
0x127: {  	[bflag:$0x0] =	sbarrier.arrive $0xFFFF  }
0x128: {  	_ =	strace $0x90000047  }
0x129: {  	s0 =	stileid.u32;
	[bflag:$0x2] =	sbarrier.arrive $0xFFFF  }
0x12a: {  	p0 =	sne.s32 s0, $0x0;
	s0 =	rddreg [dreg:$0x2]  }
0x12b: {  	s0 =	sadd.s32 @!p0 $0x100000, s0  }
0x12c: {  	[sflag:s0] =	ssyncadd.tile.s32 @!p0 $0x1;
	_ =	shalt  }
.Lfunc_end2:
_tile_overlayer_lowered:
.L_overlay_start_2:
0x12d: {  	(tag) =	ssettag $0x2  }
0x12e: {  	s0 =	rddreg [dreg:$0x0];
	s2 =	stileid.u32  }
0x12f: {  	s1 =	rddreg [dreg:$0x1];
	p0 =	sne.s32 s2, $0x0  }
0x130: {  	s3 =	rddreg [dreg:$0x2];
	[bflag:$0x3] =	sbarrier.arrive $0xFFFF;
	s2 =	simm.s32 @!p0 $0x1C15  }
0x131: {  	[timem:s3], [sflag:s2] =	dma.local @!p0 [hbm:s0], s1  }
0x132: {  	s0 =	simm.s32 @!p0 $0x15  }
0x133: {  	_ =	swait.ge @!p0 [sflag:s0], s1  }
0x134: {  	s1 =	ssub.s32 @!p0 $0x0, s1;
	[sflag:s0] =	ssyncset.done @!p0 $0x0  }
0x135: {  	[sflag:s0] =	ssyncadd.s32 @!p0 s1  }
0x136: {  	[bflag:$0x3] =	sbarrier.arrive $0xFFFF  }
0x137: {  	_ =	shalt  }

</sc_bundles>
